<compile_context>
chip_gen: v7x
topology: tpu7x:2x2x1
jax: 0.10.2.dev20260603
libtpu: 0.0.44.dev20260713+nightly
codegen_flags: <defaults>
</compile_context>

<pallas_src>
import functools

import jax
import jax.numpy as jnp
from jax import lax
from jax.experimental import pallas as pl
from jax.experimental.pallas import tpu as pltpu
from jax.experimental.pallas import tpu_sc as plsc

TOPK = 8
N_EXPERTS = 64
D_MODEL = 2048
N_ROWS = 16384
BM = 1024
NC, NS, L = 2, 16, 16
NW = NC * NS
ROWS_PER_W = N_ROWS // NW
GROUPS_PER_W = ROWS_PER_W // L
N_CHUNKS = 1
CHUNK = N_ROWS // N_CHUNKS


def _logits_block(x_ref, w_ref, out_ref):
    w = jax.nn.sigmoid(w_ref[...])
    out_ref[...] = jax.lax.dot_general(
        w, x_ref[...],
        dimension_numbers=(((1,), (1,)), ((), ())),
        preferred_element_type=jnp.float32,
    )


def _tc_logits_t(x, weight_raw, chunk):
    blk_off = chunk * (CHUNK // BM)
    return pl.pallas_call(
        _logits_block,
        grid=(CHUNK // BM,),
        in_specs=[
            pl.BlockSpec((BM, D_MODEL), lambda i: (i + blk_off, 0)),
            pl.BlockSpec((N_EXPERTS, D_MODEL), lambda i: (0, 0)),
        ],
        out_specs=pl.BlockSpec((N_EXPERTS, BM), lambda i: (0, i)),
        out_shape=jax.ShapeDtypeStruct((N_EXPERTS, CHUNK), jnp.float32),
        compiler_params=pltpu.CompilerParams(
            dimension_semantics=("parallel",),
        ),
    )(x, weight_raw)


def _sc_topk_body(lt_hbm, probs_hbm, idx_hbm, blk_v, pout_v, iout_v, sem):
    wid = lax.axis_index("s") * NC + lax.axis_index("c")
    rows_per_w = CHUNK // NW
    base = wid * rows_per_w
    pltpu.sync_copy(lt_hbm.at[:, pl.ds(base, rows_per_w)], blk_v)

    def ce(a, b):
        c = a[0] > b[0]
        hk = jnp.where(c, a[0], b[0])
        lk = jnp.where(c, b[0], a[0])
        hi = jnp.where(c, a[1], b[1])
        li = jnp.where(c, b[1], a[1])
        return (hk, hi), (lk, li)

    SORT8 = [(0, 1), (2, 3), (4, 5), (6, 7), (0, 2), (1, 3), (4, 6), (5, 7),
             (1, 2), (5, 6), (0, 4), (3, 7), (1, 5), (2, 6), (1, 4), (3, 6),
             (2, 4), (3, 5), (3, 4)]
    CLEAN8 = [(0, 4), (1, 5), (2, 6), (3, 7), (0, 2), (1, 3), (4, 6), (5, 7),
              (0, 1), (2, 3), (4, 5), (6, 7)]

    def sort8(el):
        for a, b in SORT8:
            el[a], el[b] = ce(el[a], el[b])
        return el

    def group(g, carry):
        g16 = g * L

        def block(b):
            el = []
            for t in range(8):
                e = 8 * b + t
                el.append((blk_v[e, pl.ds(g16, L)],
                           jnp.full((L,), e, dtype=jnp.int32)))
            return sort8(el)

        run = block(0)
        for b in range(1, 8):
            nxt = block(b)
            mrg = []
            for j in range(TOPK):
                rk, ri = run[j]
                bk, bi = nxt[TOPK - 1 - j]
                c = rk > bk
                mrg.append((jnp.where(c, rk, bk), jnp.where(c, ri, bi)))
            for a, b2 in CLEAN8:
                mrg[a], mrg[b2] = ce(mrg[a], mrg[b2])
            run = mrg
        s = [run[j][0] for j in range(TOPK)]
        si = [run[j][1] for j in range(TOPK)]
        for _ in range(2):
            for j in range(TOPK - 1):
                eqt = s[j] == s[j + 1]
                lo = jnp.minimum(si[j], si[j + 1])
                hi2 = jnp.maximum(si[j], si[j + 1])
                si[j] = jnp.where(eqt, lo, si[j])
                si[j + 1] = jnp.where(eqt, hi2, si[j + 1])
        es = [jnp.exp(s[j] - s[0]) for j in range(TOPK)]
        tot = es[0]
        for j in range(1, TOPK):
            tot = tot + es[j]
        for j in range(TOPK):
            pout_v[j, pl.ds(g16, L)] = es[j] / tot
            iout_v[j, pl.ds(g16, L)] = si[j]
        return carry

    lax.fori_loop(0, rows_per_w // L, group, 0)

    pltpu.sync_copy(pout_v, probs_hbm.at[:, pl.ds(base, rows_per_w)])
    pltpu.sync_copy(iout_v, idx_hbm.at[:, pl.ds(base, rows_per_w)])


def _sc_topk(logits_t):
    mesh = plsc.VectorSubcoreMesh(core_axis_name="c", subcore_axis_name="s")
    f = functools.partial(
        pl.kernel,
        mesh=mesh,
        out_type=[
            jax.ShapeDtypeStruct((TOPK, CHUNK), jnp.float32),
            jax.ShapeDtypeStruct((TOPK, CHUNK), jnp.int32),
        ],
        scratch_types=[
            pltpu.VMEM((N_EXPERTS, CHUNK // NW), jnp.float32),
            pltpu.VMEM((TOPK, CHUNK // NW), jnp.float32),
            pltpu.VMEM((TOPK, CHUNK // NW), jnp.int32),
            pltpu.SemaphoreType.DMA,
        ],
    )(_sc_topk_body)
    return f(logits_t)


@jax.jit
def kernel(x, weight_raw):
    parts = []
    for k in range(N_CHUNKS):
        lt = _tc_logits_t(x, weight_raw, k)
        parts.append(_sc_topk(lt))
    probs_t = jnp.concatenate([p for p, _ in parts], axis=1)
    idx_t = jnp.concatenate([i for _, i in parts], axis=1)
    return (probs_t.T, idx_t.T)

# --- scband reference (transcript-rebuilt; emitter-appended) ---
"""Pipeline reference for scband-topological-mo-erouter-70145405878334 (READ-ONLY COPY).

The authoritative reference and input builder live on the scoring server;
editing this copy changes nothing except your own understanding.
"""

import jax, jax.numpy as jnp
import numpy as np

TOP_K = 8

def setup_inputs(seed: int = 0) -> dict:
    key = jax.random.key(seed)
    k1, k2 = jax.random.split(key)
    x = jax.random.normal(k1, (16384, 2048), dtype=jnp.float32)
    # TopologicalLinear learned parameter: weight_raw [num_universes, d_model], init randn*2.0
    weight_raw = jax.random.normal(k2, (64, 2048), dtype=jnp.float32) * 2.0
    return {"x": x, "weight_raw": weight_raw}

def reference(x, weight_raw):
    # TopologicalLinear: sigmoid-constrained weights in [0,1], no bias
    W_topos = jax.nn.sigmoid(weight_raw)
    router_logits = x @ W_topos.T
    routing_probs = jax.nn.softmax(router_logits, axis=-1)
    top_k_probs, top_k_indices = jax.lax.top_k(routing_probs, TOP_K)
    top_k_probs = top_k_probs / (jnp.sum(top_k_probs, axis=-1, keepdims=True) + 1e-09)
    return (top_k_probs, top_k_indices)

if __name__ == "__main__":
    import jax
    _d = setup_inputs()
    print(jax.jit(kernel)(*tuple(_d.values())))

</pallas_src>

<mosaic_0001>
#map = affine_map<(d0, d1) -> (0, 0)>
module attributes {stable_mosaic.version = 14 : i64} {
  func.func @_sc_topk_body(%arg0: i32, %arg1: i32, %arg2: memref<64x16384xf32, #tpu.memory_space<hbm>>, %arg3: memref<8x16384xf32, #tpu.memory_space<hbm>>, %arg4: memref<8x16384xi32, #tpu.memory_space<hbm>>, %arg5: memref<64x512xf32, #tpu.memory_space<vmem>>, %arg6: memref<8x512xf32, #tpu.memory_space<vmem>>, %arg7: memref<8x512xi32, #tpu.memory_space<vmem>>, %arg8: memref<!tpu.dma_semaphore, #tpu.memory_space<semaphore_mem>>) attributes {dimension_semantics = [#tpu.dimension_semantics<core_parallel>, #tpu.dimension_semantics<subcore_parallel>], iteration_bounds = array<i64: 2, 16>, scalar_prefetch = 0 : i64, scratch_operands = 4 : i64, tpu.core_type = #tpu.core_type<sc_vector_subcore>, window_params = [{transform_indices = #map}, {transform_indices = #map}, {transform_indices = #map}]} {
    %mul3A = arith.constant 2 : i32
    %mul3A_0 = arith.muli %arg1, %mul3A : i32
    %add3A = arith.addi %mul3A_0, %arg0 : i32
    %mul3A_1 = arith.constant 512 : i32
    %mul3A_2 = arith.muli %add3A, %mul3A_1 : i32
    "tpu.region"() ({
      %run_scoped3A = tpu.sem_alloc : memref<!tpu.dma_semaphore, #tpu.memory_space<semaphore_mem>>
      %dma_start3A = arith.constant 0 : i32
      %dma_start3A_8 = tpu.memref_slice %arg2[%dma_start3A, %mul3A_2] : memref<64x16384xf32, #tpu.memory_space<hbm>> -> memref<64x512xf32, #tpu.memory_space<hbm>>
      %dma_start3A_9 = arith.constant 0 : i32
      %dma_start3A_10 = tpu.memref_slice %arg2[%dma_start3A_9, %mul3A_2] : memref<64x16384xf32, #tpu.memory_space<hbm>> -> memref<64x512xf32, #tpu.memory_space<hbm>>
      tpu.enqueue_dma source(%dma_start3A_10 : memref<64x512xf32, #tpu.memory_space<hbm>>) target(%arg5 : memref<64x512xf32, #tpu.memory_space<vmem>>) target_semaphore(%run_scoped3A : memref<!tpu.dma_semaphore, #tpu.memory_space<semaphore_mem>>)
      %dma_wait3A = arith.constant 0 : i32
      %dma_wait3A_11 = tpu.memref_slice %arg2[%dma_wait3A, %mul3A_2] : memref<64x16384xf32, #tpu.memory_space<hbm>> -> memref<64x512xf32, #tpu.memory_space<hbm>>
      %dma_wait3A_12 = arith.constant 0 : i32
      %dma_wait3A_13 = tpu.memref_slice %arg2[%dma_wait3A_12, %mul3A_2] : memref<64x16384xf32, #tpu.memory_space<hbm>> -> memref<64x512xf32, #tpu.memory_space<hbm>>
      tpu.wait_dma2 semaphore(%run_scoped3A : memref<!tpu.dma_semaphore, #tpu.memory_space<semaphore_mem>>) src(%dma_wait3A_13 : memref<64x512xf32, #tpu.memory_space<hbm>>) dst(%arg5 : memref<64x512xf32, #tpu.memory_space<vmem>>)
      tpu.yield
    }) : () -> ()
    %scan3A = arith.constant 0 : i32
    %scan3A_3 = arith.constant 0 : i32
    %scan3A_4 = arith.constant 32 : i32
    %scan3A_5 = arith.addi %scan3A_3, %scan3A_4 : i32
    %scan3A_6 = arith.constant 1 : i32
    scf.for %scan3A_8 = %scan3A_3 to %scan3A_5 step %scan3A_6  : i32 {
      %mul3A_9 = arith.constant 16 : i32
      %mul3A_10 = arith.muli %scan3A_8, %mul3A_9 : i32
      %get3A = arith.constant 0 : i32
      %get3A_11 = arith.index_cast %get3A : i32 to index
      %get3A_12 = arith.index_cast %mul3A_10 : i32 to index
      %get3A_13 = tpu.vector_load %arg5[%get3A_11, %get3A_12] {strides = array<i32>} : memref<64x512xf32, #tpu.memory_space<vmem>>, vector<1x16xf32>,
      %get3A_14 = vector.shape_cast %get3A_13 : vector<1x16xf32> to vector<16xf32>
      %broadcast_in_dim3A = arith.constant 0 : i32
      %broadcast_in_dim3A_15 = vector.broadcast %broadcast_in_dim3A : i32 to vector<16xi32>
      %get3A_16 = arith.constant 1 : i32
      %get3A_17 = arith.index_cast %get3A_16 : i32 to index
      %get3A_18 = arith.index_cast %mul3A_10 : i32 to index
      %get3A_19 = tpu.vector_load %arg5[%get3A_17, %get3A_18] {strides = array<i32>} : memref<64x512xf32, #tpu.memory_space<vmem>>, vector<1x16xf32>,
      %get3A_20 = vector.shape_cast %get3A_19 : vector<1x16xf32> to vector<16xf32>
      %broadcast_in_dim3A_21 = arith.constant 1 : i32
      %broadcast_in_dim3A_22 = vector.broadcast %broadcast_in_dim3A_21 : i32 to vector<16xi32>
      %get3A_23 = arith.constant 2 : i32
      %get3A_24 = arith.index_cast %get3A_23 : i32 to index
      %get3A_25 = arith.index_cast %mul3A_10 : i32 to index
      %get3A_26 = tpu.vector_load %arg5[%get3A_24, %get3A_25] {strides = array<i32>} : memref<64x512xf32, #tpu.memory_space<vmem>>, vector<1x16xf32>,
      %get3A_27 = vector.shape_cast %get3A_26 : vector<1x16xf32> to vector<16xf32>
      %broadcast_in_dim3A_28 = arith.constant 2 : i32
      %broadcast_in_dim3A_29 = vector.broadcast %broadcast_in_dim3A_28 : i32 to vector<16xi32>
      %get3A_30 = arith.constant 3 : i32
      %get3A_31 = arith.index_cast %get3A_30 : i32 to index
      %get3A_32 = arith.index_cast %mul3A_10 : i32 to index
      %get3A_33 = tpu.vector_load %arg5[%get3A_31, %get3A_32] {strides = array<i32>} : memref<64x512xf32, #tpu.memory_space<vmem>>, vector<1x16xf32>,
      %get3A_34 = vector.shape_cast %get3A_33 : vector<1x16xf32> to vector<16xf32>
      %broadcast_in_dim3A_35 = arith.constant 3 : i32
      %broadcast_in_dim3A_36 = vector.broadcast %broadcast_in_dim3A_35 : i32 to vector<16xi32>
      %get3A_37 = arith.constant 4 : i32
      %get3A_38 = arith.index_cast %get3A_37 : i32 to index
      %get3A_39 = arith.index_cast %mul3A_10 : i32 to index
      %get3A_40 = tpu.vector_load %arg5[%get3A_38, %get3A_39] {strides = array<i32>} : memref<64x512xf32, #tpu.memory_space<vmem>>, vector<1x16xf32>,
      %get3A_41 = vector.shape_cast %get3A_40 : vector<1x16xf32> to vector<16xf32>
      %broadcast_in_dim3A_42 = arith.constant 4 : i32
      %broadcast_in_dim3A_43 = vector.broadcast %broadcast_in_dim3A_42 : i32 to vector<16xi32>
      %get3A_44 = arith.constant 5 : i32
      %get3A_45 = arith.index_cast %get3A_44 : i32 to index
      %get3A_46 = arith.index_cast %mul3A_10 : i32 to index
      %get3A_47 = tpu.vector_load %arg5[%get3A_45, %get3A_46] {strides = array<i32>} : memref<64x512xf32, #tpu.memory_space<vmem>>, vector<1x16xf32>,
      %get3A_48 = vector.shape_cast %get3A_47 : vector<1x16xf32> to vector<16xf32>
      %broadcast_in_dim3A_49 = arith.constant 5 : i32
      %broadcast_in_dim3A_50 = vector.broadcast %broadcast_in_dim3A_49 : i32 to vector<16xi32>
      %get3A_51 = arith.constant 6 : i32
      %get3A_52 = arith.index_cast %get3A_51 : i32 to index
      %get3A_53 = arith.index_cast %mul3A_10 : i32 to index
      %get3A_54 = tpu.vector_load %arg5[%get3A_52, %get3A_53] {strides = array<i32>} : memref<64x512xf32, #tpu.memory_space<vmem>>, vector<1x16xf32>,
      %get3A_55 = vector.shape_cast %get3A_54 : vector<1x16xf32> to vector<16xf32>
      %broadcast_in_dim3A_56 = arith.constant 6 : i32
      %broadcast_in_dim3A_57 = vector.broadcast %broadcast_in_dim3A_56 : i32 to vector<16xi32>
      %get3A_58 = arith.constant 7 : i32
      %get3A_59 = arith.index_cast %get3A_58 : i32 to index
      %get3A_60 = arith.index_cast %mul3A_10 : i32 to index
      %get3A_61 = tpu.vector_load %arg5[%get3A_59, %get3A_60] {strides = array<i32>} : memref<64x512xf32, #tpu.memory_space<vmem>>, vector<1x16xf32>,
      %get3A_62 = vector.shape_cast %get3A_61 : vector<1x16xf32> to vector<16xf32>
      %broadcast_in_dim3A_63 = arith.constant 7 : i32
      %broadcast_in_dim3A_64 = vector.broadcast %broadcast_in_dim3A_63 : i32 to vector<16xi32>
      %gt3A = arith.cmpf ogt, %get3A_14, %get3A_20 : vector<16xf32>
      %select_n3A = arith.select %gt3A, %get3A_14, %get3A_20 : vector<16xi1>, vector<16xf32>
      %select_n3A_65 = arith.select %gt3A, %get3A_20, %get3A_14 : vector<16xi1>, vector<16xf32>
      %select_n3A_66 = arith.select %gt3A, %broadcast_in_dim3A_15, %broadcast_in_dim3A_22 : vector<16xi1>, vector<16xi32>
      %select_n3A_67 = arith.select %gt3A, %broadcast_in_dim3A_22, %broadcast_in_dim3A_15 : vector<16xi1>, vector<16xi32>
      %gt3A_68 = arith.cmpf ogt, %get3A_27, %get3A_34 : vector<16xf32>
      %select_n3A_69 = arith.select %gt3A_68, %get3A_27, %get3A_34 : vector<16xi1>, vector<16xf32>
      %select_n3A_70 = arith.select %gt3A_68, %get3A_34, %get3A_27 : vector<16xi1>, vector<16xf32>
      %select_n3A_71 = arith.select %gt3A_68, %broadcast_in_dim3A_29, %broadcast_in_dim3A_36 : vector<16xi1>, vector<16xi32>
      %select_n3A_72 = arith.select %gt3A_68, %broadcast_in_dim3A_36, %broadcast_in_dim3A_29 : vector<16xi1>, vector<16xi32>
      %gt3A_73 = arith.cmpf ogt, %get3A_41, %get3A_48 : vector<16xf32>
      %select_n3A_74 = arith.select %gt3A_73, %get3A_41, %get3A_48 : vector<16xi1>, vector<16xf32>
      %select_n3A_75 = arith.select %gt3A_73, %get3A_48, %get3A_41 : vector<16xi1>, vector<16xf32>
      %select_n3A_76 = arith.select %gt3A_73, %broadcast_in_dim3A_43, %broadcast_in_dim3A_50 : vector<16xi1>, vector<16xi32>
      %select_n3A_77 = arith.select %gt3A_73, %broadcast_in_dim3A_50, %broadcast_in_dim3A_43 : vector<16xi1>, vector<16xi32>
      %gt3A_78 = arith.cmpf ogt, %get3A_55, %get3A_62 : vector<16xf32>
      %select_n3A_79 = arith.select %gt3A_78, %get3A_55, %get3A_62 : vector<16xi1>, vector<16xf32>
      %select_n3A_80 = arith.select %gt3A_78, %get3A_62, %get3A_55 : vector<16xi1>, vector<16xf32>
      %select_n3A_81 = arith.select %gt3A_78, %broadcast_in_dim3A_57, %broadcast_in_dim3A_64 : vector<16xi1>, vector<16xi32>
      %select_n3A_82 = arith.select %gt3A_78, %broadcast_in_dim3A_64, %broadcast_in_dim3A_57 : vector<16xi1>, vector<16xi32>
      %gt3A_83 = arith.cmpf ogt, %select_n3A, %select_n3A_69 : vector<16xf32>
      %select_n3A_84 = arith.select %gt3A_83, %select_n3A, %select_n3A_69 : vector<16xi1>, vector<16xf32>
      %select_n3A_85 = arith.select %gt3A_83, %select_n3A_69, %select_n3A : vector<16xi1>, vector<16xf32>
      %select_n3A_86 = arith.select %gt3A_83, %select_n3A_66, %select_n3A_71 : vector<16xi1>, vector<16xi32>
      %select_n3A_87 = arith.select %gt3A_83, %select_n3A_71, %select_n3A_66 : vector<16xi1>, vector<16xi32>
      %gt3A_88 = arith.cmpf ogt, %select_n3A_65, %select_n3A_70 : vector<16xf32>
      %select_n3A_89 = arith.select %gt3A_88, %select_n3A_65, %select_n3A_70 : vector<16xi1>, vector<16xf32>
      %select_n3A_90 = arith.select %gt3A_88, %select_n3A_70, %select_n3A_65 : vector<16xi1>, vector<16xf32>
      %select_n3A_91 = arith.select %gt3A_88, %select_n3A_67, %select_n3A_72 : vector<16xi1>, vector<16xi32>
      %select_n3A_92 = arith.select %gt3A_88, %select_n3A_72, %select_n3A_67 : vector<16xi1>, vector<16xi32>
      %gt3A_93 = arith.cmpf ogt, %select_n3A_74, %select_n3A_79 : vector<16xf32>
      %select_n3A_94 = arith.select %gt3A_93, %select_n3A_74, %select_n3A_79 : vector<16xi1>, vector<16xf32>
      %select_n3A_95 = arith.select %gt3A_93, %select_n3A_79, %select_n3A_74 : vector<16xi1>, vector<16xf32>
      %select_n3A_96 = arith.select %gt3A_93, %select_n3A_76, %select_n3A_81 : vector<16xi1>, vector<16xi32>
      %select_n3A_97 = arith.select %gt3A_93, %select_n3A_81, %select_n3A_76 : vector<16xi1>, vector<16xi32>
      %gt3A_98 = arith.cmpf ogt, %select_n3A_75, %select_n3A_80 : vector<16xf32>
      %select_n3A_99 = arith.select %gt3A_98, %select_n3A_75, %select_n3A_80 : vector<16xi1>, vector<16xf32>
      %select_n3A_100 = arith.select %gt3A_98, %select_n3A_80, %select_n3A_75 : vector<16xi1>, vector<16xf32>
      %select_n3A_101 = arith.select %gt3A_98, %select_n3A_77, %select_n3A_82 : vector<16xi1>, vector<16xi32>
      %select_n3A_102 = arith.select %gt3A_98, %select_n3A_82, %select_n3A_77 : vector<16xi1>, vector<16xi32>
      %gt3A_103 = arith.cmpf ogt, %select_n3A_89, %select_n3A_85 : vector<16xf32>
      %select_n3A_104 = arith.select %gt3A_103, %select_n3A_89, %select_n3A_85 : vector<16xi1>, vector<16xf32>
      %select_n3A_105 = arith.select %gt3A_103, %select_n3A_85, %select_n3A_89 : vector<16xi1>, vector<16xf32>
      %select_n3A_106 = arith.select %gt3A_103, %select_n3A_91, %select_n3A_87 : vector<16xi1>, vector<16xi32>
      %select_n3A_107 = arith.select %gt3A_103, %select_n3A_87, %select_n3A_91 : vector<16xi1>, vector<16xi32>
      %gt3A_108 = arith.cmpf ogt, %select_n3A_99, %select_n3A_95 : vector<16xf32>
      %select_n3A_109 = arith.select %gt3A_108, %select_n3A_99, %select_n3A_95 : vector<16xi1>, vector<16xf32>
      %select_n3A_110 = arith.select %gt3A_108, %select_n3A_95, %select_n3A_99 : vector<16xi1>, vector<16xf32>
      %select_n3A_111 = arith.select %gt3A_108, %select_n3A_101, %select_n3A_97 : vector<16xi1>, vector<16xi32>
      %select_n3A_112 = arith.select %gt3A_108, %select_n3A_97, %select_n3A_101 : vector<16xi1>, vector<16xi32>
      %gt3A_113 = arith.cmpf ogt, %select_n3A_84, %select_n3A_94 : vector<16xf32>
      %select_n3A_114 = arith.select %gt3A_113, %select_n3A_84, %select_n3A_94 : vector<16xi1>, vector<16xf32>
      %select_n3A_115 = arith.select %gt3A_113, %select_n3A_94, %select_n3A_84 : vector<16xi1>, vector<16xf32>
      %select_n3A_116 = arith.select %gt3A_113, %select_n3A_86, %select_n3A_96 : vector<16xi1>, vector<16xi32>
      %select_n3A_117 = arith.select %gt3A_113, %select_n3A_96, %select_n3A_86 : vector<16xi1>, vector<16xi32>
      %gt3A_118 = arith.cmpf ogt, %select_n3A_90, %select_n3A_100 : vector<16xf32>
      %select_n3A_119 = arith.select %gt3A_118, %select_n3A_90, %select_n3A_100 : vector<16xi1>, vector<16xf32>
      %select_n3A_120 = arith.select %gt3A_118, %select_n3A_100, %select_n3A_90 : vector<16xi1>, vector<16xf32>
      %select_n3A_121 = arith.select %gt3A_118, %select_n3A_92, %select_n3A_102 : vector<16xi1>, vector<16xi32>
      %select_n3A_122 = arith.select %gt3A_118, %select_n3A_102, %select_n3A_92 : vector<16xi1>, vector<16xi32>
      %gt3A_123 = arith.cmpf ogt, %select_n3A_104, %select_n3A_109 : vector<16xf32>
      %select_n3A_124 = arith.select %gt3A_123, %select_n3A_104, %select_n3A_109 : vector<16xi1>, vector<16xf32>
      %select_n3A_125 = arith.select %gt3A_123, %select_n3A_109, %select_n3A_104 : vector<16xi1>, vector<16xf32>
      %select_n3A_126 = arith.select %gt3A_123, %select_n3A_106, %select_n3A_111 : vector<16xi1>, vector<16xi32>
      %select_n3A_127 = arith.select %gt3A_123, %select_n3A_111, %select_n3A_106 : vector<16xi1>, vector<16xi32>
      %gt3A_128 = arith.cmpf ogt, %select_n3A_105, %select_n3A_110 : vector<16xf32>
      %select_n3A_129 = arith.select %gt3A_128, %select_n3A_105, %select_n3A_110 : vector<16xi1>, vector<16xf32>
      %select_n3A_130 = arith.select %gt3A_128, %select_n3A_110, %select_n3A_105 : vector<16xi1>, vector<16xf32>
      %select_n3A_131 = arith.select %gt3A_128, %select_n3A_107, %select_n3A_112 : vector<16xi1>, vector<16xi32>
      %select_n3A_132 = arith.select %gt3A_128, %select_n3A_112, %select_n3A_107 : vector<16xi1>, vector<16xi32>
      %gt3A_133 = arith.cmpf ogt, %select_n3A_124, %select_n3A_115 : vector<16xf32>
      %select_n3A_134 = arith.select %gt3A_133, %select_n3A_124, %select_n3A_115 : vector<16xi1>, vector<16xf32>
      %select_n3A_135 = arith.select %gt3A_133, %select_n3A_115, %select_n3A_124 : vector<16xi1>, vector<16xf32>
      %select_n3A_136 = arith.select %gt3A_133, %select_n3A_126, %select_n3A_117 : vector<16xi1>, vector<16xi32>
      %select_n3A_137 = arith.select %gt3A_133, %select_n3A_117, %select_n3A_126 : vector<16xi1>, vector<16xi32>
      %gt3A_138 = arith.cmpf ogt, %select_n3A_119, %select_n3A_130 : vector<16xf32>
      %select_n3A_139 = arith.select %gt3A_138, %select_n3A_119, %select_n3A_130 : vector<16xi1>, vector<16xf32>
      %select_n3A_140 = arith.select %gt3A_138, %select_n3A_130, %select_n3A_119 : vector<16xi1>, vector<16xf32>
      %select_n3A_141 = arith.select %gt3A_138, %select_n3A_121, %select_n3A_132 : vector<16xi1>, vector<16xi32>
      %select_n3A_142 = arith.select %gt3A_138, %select_n3A_132, %select_n3A_121 : vector<16xi1>, vector<16xi32>
      %gt3A_143 = arith.cmpf ogt, %select_n3A_129, %select_n3A_135 : vector<16xf32>
      %select_n3A_144 = arith.select %gt3A_143, %select_n3A_129, %select_n3A_135 : vector<16xi1>, vector<16xf32>
      %select_n3A_145 = arith.select %gt3A_143, %select_n3A_135, %select_n3A_129 : vector<16xi1>, vector<16xf32>
      %select_n3A_146 = arith.select %gt3A_143, %select_n3A_131, %select_n3A_137 : vector<16xi1>, vector<16xi32>
      %select_n3A_147 = arith.select %gt3A_143, %select_n3A_137, %select_n3A_131 : vector<16xi1>, vector<16xi32>
      %gt3A_148 = arith.cmpf ogt, %select_n3A_139, %select_n3A_125 : vector<16xf32>
      %select_n3A_149 = arith.select %gt3A_148, %select_n3A_139, %select_n3A_125 : vector<16xi1>, vector<16xf32>
      %select_n3A_150 = arith.select %gt3A_148, %select_n3A_125, %select_n3A_139 : vector<16xi1>, vector<16xf32>
      %select_n3A_151 = arith.select %gt3A_148, %select_n3A_141, %select_n3A_127 : vector<16xi1>, vector<16xi32>
      %select_n3A_152 = arith.select %gt3A_148, %select_n3A_127, %select_n3A_141 : vector<16xi1>, vector<16xi32>
      %gt3A_153 = arith.cmpf ogt, %select_n3A_149, %select_n3A_145 : vector<16xf32>
      %select_n3A_154 = arith.select %gt3A_153, %select_n3A_149, %select_n3A_145 : vector<16xi1>, vector<16xf32>
      %select_n3A_155 = arith.select %gt3A_153, %select_n3A_145, %select_n3A_149 : vector<16xi1>, vector<16xf32>
      %select_n3A_156 = arith.select %gt3A_153, %select_n3A_151, %select_n3A_147 : vector<16xi1>, vector<16xi32>
      %select_n3A_157 = arith.select %gt3A_153, %select_n3A_147, %select_n3A_151 : vector<16xi1>, vector<16xi32>
      %get3A_158 = arith.constant 8 : i32
      %get3A_159 = arith.index_cast %get3A_158 : i32 to index
      %get3A_160 = arith.index_cast %mul3A_10 : i32 to index
      %get3A_161 = tpu.vector_load %arg5[%get3A_159, %get3A_160] {strides = array<i32>} : memref<64x512xf32, #tpu.memory_space<vmem>>, vector<1x16xf32>,
      %get3A_162 = vector.shape_cast %get3A_161 : vector<1x16xf32> to vector<16xf32>
      %broadcast_in_dim3A_163 = arith.constant 8 : i32
      %broadcast_in_dim3A_164 = vector.broadcast %broadcast_in_dim3A_163 : i32 to vector<16xi32>
      %get3A_165 = arith.constant 9 : i32
      %get3A_166 = arith.index_cast %get3A_165 : i32 to index
      %get3A_167 = arith.index_cast %mul3A_10 : i32 to index
      %get3A_168 = tpu.vector_load %arg5[%get3A_166, %get3A_167] {strides = array<i32>} : memref<64x512xf32, #tpu.memory_space<vmem>>, vector<1x16xf32>,
      %get3A_169 = vector.shape_cast %get3A_168 : vector<1x16xf32> to vector<16xf32>
      %broadcast_in_dim3A_170 = arith.constant 9 : i32
      %broadcast_in_dim3A_171 = vector.broadcast %broadcast_in_dim3A_170 : i32 to vector<16xi32>
      %get3A_172 = arith.constant 10 : i32
      %get3A_173 = arith.index_cast %get3A_172 : i32 to index
      %get3A_174 = arith.index_cast %mul3A_10 : i32 to index
      %get3A_175 = tpu.vector_load %arg5[%get3A_173, %get3A_174] {strides = array<i32>} : memref<64x512xf32, #tpu.memory_space<vmem>>, vector<1x16xf32>,
      %get3A_176 = vector.shape_cast %get3A_175 : vector<1x16xf32> to vector<16xf32>
      %broadcast_in_dim3A_177 = arith.constant 10 : i32
      %broadcast_in_dim3A_178 = vector.broadcast %broadcast_in_dim3A_177 : i32 to vector<16xi32>
      %get3A_179 = arith.constant 11 : i32
      %get3A_180 = arith.index_cast %get3A_179 : i32 to index
      %get3A_181 = arith.index_cast %mul3A_10 : i32 to index
      %get3A_182 = tpu.vector_load %arg5[%get3A_180, %get3A_181] {strides = array<i32>} : memref<64x512xf32, #tpu.memory_space<vmem>>, vector<1x16xf32>,
      %get3A_183 = vector.shape_cast %get3A_182 : vector<1x16xf32> to vector<16xf32>
      %broadcast_in_dim3A_184 = arith.constant 11 : i32
      %broadcast_in_dim3A_185 = vector.broadcast %broadcast_in_dim3A_184 : i32 to vector<16xi32>
      %get3A_186 = arith.constant 12 : i32
      %get3A_187 = arith.index_cast %get3A_186 : i32 to index
      %get3A_188 = arith.index_cast %mul3A_10 : i32 to index
      %get3A_189 = tpu.vector_load %arg5[%get3A_187, %get3A_188] {strides = array<i32>} : memref<64x512xf32, #tpu.memory_space<vmem>>, vector<1x16xf32>,
      %get3A_190 = vector.shape_cast %get3A_189 : vector<1x16xf32> to vector<16xf32>
      %broadcast_in_dim3A_191 = arith.constant 12 : i32
      %broadcast_in_dim3A_192 = vector.broadcast %broadcast_in_dim3A_191 : i32 to vector<16xi32>
      %get3A_193 = arith.constant 13 : i32
      %get3A_194 = arith.index_cast %get3A_193 : i32 to index
      %get3A_195 = arith.index_cast %mul3A_10 : i32 to index
      %get3A_196 = tpu.vector_load %arg5[%get3A_194, %get3A_195] {strides = array<i32>} : memref<64x512xf32, #tpu.memory_space<vmem>>, vector<1x16xf32>,
      %get3A_197 = vector.shape_cast %get3A_196 : vector<1x16xf32> to vector<16xf32>
      %broadcast_in_dim3A_198 = arith.constant 13 : i32
      %broadcast_in_dim3A_199 = vector.broadcast %broadcast_in_dim3A_198 : i32 to vector<16xi32>
      %get3A_200 = arith.constant 14 : i32
      %get3A_201 = arith.index_cast %get3A_200 : i32 to index
      %get3A_202 = arith.index_cast %mul3A_10 : i32 to index
      %get3A_203 = tpu.vector_load %arg5[%get3A_201, %get3A_202] {strides = array<i32>} : memref<64x512xf32, #tpu.memory_space<vmem>>, vector<1x16xf32>,
      %get3A_204 = vector.shape_cast %get3A_203 : vector<1x16xf32> to vector<16xf32>
      %broadcast_in_dim3A_205 = arith.constant 14 : i32
      %broadcast_in_dim3A_206 = vector.broadcast %broadcast_in_dim3A_205 : i32 to vector<16xi32>
      %get3A_207 = arith.constant 15 : i32
      %get3A_208 = arith.index_cast %get3A_207 : i32 to index
      %get3A_209 = arith.index_cast %mul3A_10 : i32 to index
      %get3A_210 = tpu.vector_load %arg5[%get3A_208, %get3A_209] {strides = array<i32>} : memref<64x512xf32, #tpu.memory_space<vmem>>, vector<1x16xf32>,
      %get3A_211 = vector.shape_cast %get3A_210 : vector<1x16xf32> to vector<16xf32>
      %broadcast_in_dim3A_212 = arith.constant 15 : i32
      %broadcast_in_dim3A_213 = vector.broadcast %broadcast_in_dim3A_212 : i32 to vector<16xi32>
      %gt3A_214 = arith.cmpf ogt, %get3A_162, %get3A_169 : vector<16xf32>
      %select_n3A_215 = arith.select %gt3A_214, %get3A_162, %get3A_169 : vector<16xi1>, vector<16xf32>
      %select_n3A_216 = arith.select %gt3A_214, %get3A_169, %get3A_162 : vector<16xi1>, vector<16xf32>
      %select_n3A_217 = arith.select %gt3A_214, %broadcast_in_dim3A_164, %broadcast_in_dim3A_171 : vector<16xi1>, vector<16xi32>
      %select_n3A_218 = arith.select %gt3A_214, %broadcast_in_dim3A_171, %broadcast_in_dim3A_164 : vector<16xi1>, vector<16xi32>
      %gt3A_219 = arith.cmpf ogt, %get3A_176, %get3A_183 : vector<16xf32>
      %select_n3A_220 = arith.select %gt3A_219, %get3A_176, %get3A_183 : vector<16xi1>, vector<16xf32>
      %select_n3A_221 = arith.select %gt3A_219, %get3A_183, %get3A_176 : vector<16xi1>, vector<16xf32>
      %select_n3A_222 = arith.select %gt3A_219, %broadcast_in_dim3A_178, %broadcast_in_dim3A_185 : vector<16xi1>, vector<16xi32>
      %select_n3A_223 = arith.select %gt3A_219, %broadcast_in_dim3A_185, %broadcast_in_dim3A_178 : vector<16xi1>, vector<16xi32>
      %gt3A_224 = arith.cmpf ogt, %get3A_190, %get3A_197 : vector<16xf32>
      %select_n3A_225 = arith.select %gt3A_224, %get3A_190, %get3A_197 : vector<16xi1>, vector<16xf32>
      %select_n3A_226 = arith.select %gt3A_224, %get3A_197, %get3A_190 : vector<16xi1>, vector<16xf32>
      %select_n3A_227 = arith.select %gt3A_224, %broadcast_in_dim3A_192, %broadcast_in_dim3A_199 : vector<16xi1>, vector<16xi32>
      %select_n3A_228 = arith.select %gt3A_224, %broadcast_in_dim3A_199, %broadcast_in_dim3A_192 : vector<16xi1>, vector<16xi32>
      %gt3A_229 = arith.cmpf ogt, %get3A_204, %get3A_211 : vector<16xf32>
      %select_n3A_230 = arith.select %gt3A_229, %get3A_204, %get3A_211 : vector<16xi1>, vector<16xf32>
      %select_n3A_231 = arith.select %gt3A_229, %get3A_211, %get3A_204 : vector<16xi1>, vector<16xf32>
      %select_n3A_232 = arith.select %gt3A_229, %broadcast_in_dim3A_206, %broadcast_in_dim3A_213 : vector<16xi1>, vector<16xi32>
      %select_n3A_233 = arith.select %gt3A_229, %broadcast_in_dim3A_213, %broadcast_in_dim3A_206 : vector<16xi1>, vector<16xi32>
      %gt3A_234 = arith.cmpf ogt, %select_n3A_215, %select_n3A_220 : vector<16xf32>
      %select_n3A_235 = arith.select %gt3A_234, %select_n3A_215, %select_n3A_220 : vector<16xi1>, vector<16xf32>
      %select_n3A_236 = arith.select %gt3A_234, %select_n3A_220, %select_n3A_215 : vector<16xi1>, vector<16xf32>
      %select_n3A_237 = arith.select %gt3A_234, %select_n3A_217, %select_n3A_222 : vector<16xi1>, vector<16xi32>
      %select_n3A_238 = arith.select %gt3A_234, %select_n3A_222, %select_n3A_217 : vector<16xi1>, vector<16xi32>
      %gt3A_239 = arith.cmpf ogt, %select_n3A_216, %select_n3A_221 : vector<16xf32>
      %select_n3A_240 = arith.select %gt3A_239, %select_n3A_216, %select_n3A_221 : vector<16xi1>, vector<16xf32>
      %select_n3A_241 = arith.select %gt3A_239, %select_n3A_221, %select_n3A_216 : vector<16xi1>, vector<16xf32>
      %select_n3A_242 = arith.select %gt3A_239, %select_n3A_218, %select_n3A_223 : vector<16xi1>, vector<16xi32>
      %select_n3A_243 = arith.select %gt3A_239, %select_n3A_223, %select_n3A_218 : vector<16xi1>, vector<16xi32>
      %gt3A_244 = arith.cmpf ogt, %select_n3A_225, %select_n3A_230 : vector<16xf32>
      %select_n3A_245 = arith.select %gt3A_244, %select_n3A_225, %select_n3A_230 : vector<16xi1>, vector<16xf32>
      %select_n3A_246 = arith.select %gt3A_244, %select_n3A_230, %select_n3A_225 : vector<16xi1>, vector<16xf32>
      %select_n3A_247 = arith.select %gt3A_244, %select_n3A_227, %select_n3A_232 : vector<16xi1>, vector<16xi32>
      %select_n3A_248 = arith.select %gt3A_244, %select_n3A_232, %select_n3A_227 : vector<16xi1>, vector<16xi32>
      %gt3A_249 = arith.cmpf ogt, %select_n3A_226, %select_n3A_231 : vector<16xf32>
      %select_n3A_250 = arith.select %gt3A_249, %select_n3A_226, %select_n3A_231 : vector<16xi1>, vector<16xf32>
      %select_n3A_251 = arith.select %gt3A_249, %select_n3A_231, %select_n3A_226 : vector<16xi1>, vector<16xf32>
      %select_n3A_252 = arith.select %gt3A_249, %select_n3A_228, %select_n3A_233 : vector<16xi1>, vector<16xi32>
      %select_n3A_253 = arith.select %gt3A_249, %select_n3A_233, %select_n3A_228 : vector<16xi1>, vector<16xi32>
      %gt3A_254 = arith.cmpf ogt, %select_n3A_240, %select_n3A_236 : vector<16xf32>
      %select_n3A_255 = arith.select %gt3A_254, %select_n3A_240, %select_n3A_236 : vector<16xi1>, vector<16xf32>
      %select_n3A_256 = arith.select %gt3A_254, %select_n3A_236, %select_n3A_240 : vector<16xi1>, vector<16xf32>
      %select_n3A_257 = arith.select %gt3A_254, %select_n3A_242, %select_n3A_238 : vector<16xi1>, vector<16xi32>
      %select_n3A_258 = arith.select %gt3A_254, %select_n3A_238, %select_n3A_242 : vector<16xi1>, vector<16xi32>
      %gt3A_259 = arith.cmpf ogt, %select_n3A_250, %select_n3A_246 : vector<16xf32>
      %select_n3A_260 = arith.select %gt3A_259, %select_n3A_250, %select_n3A_246 : vector<16xi1>, vector<16xf32>
      %select_n3A_261 = arith.select %gt3A_259, %select_n3A_246, %select_n3A_250 : vector<16xi1>, vector<16xf32>
      %select_n3A_262 = arith.select %gt3A_259, %select_n3A_252, %select_n3A_248 : vector<16xi1>, vector<16xi32>
      %select_n3A_263 = arith.select %gt3A_259, %select_n3A_248, %select_n3A_252 : vector<16xi1>, vector<16xi32>
      %gt3A_264 = arith.cmpf ogt, %select_n3A_235, %select_n3A_245 : vector<16xf32>
      %select_n3A_265 = arith.select %gt3A_264, %select_n3A_235, %select_n3A_245 : vector<16xi1>, vector<16xf32>
      %select_n3A_266 = arith.select %gt3A_264, %select_n3A_245, %select_n3A_235 : vector<16xi1>, vector<16xf32>
      %select_n3A_267 = arith.select %gt3A_264, %select_n3A_237, %select_n3A_247 : vector<16xi1>, vector<16xi32>
      %select_n3A_268 = arith.select %gt3A_264, %select_n3A_247, %select_n3A_237 : vector<16xi1>, vector<16xi32>
      %gt3A_269 = arith.cmpf ogt, %select_n3A_241, %select_n3A_251 : vector<16xf32>
      %select_n3A_270 = arith.select %gt3A_269, %select_n3A_241, %select_n3A_251 : vector<16xi1>, vector<16xf32>
      %select_n3A_271 = arith.select %gt3A_269, %select_n3A_251, %select_n3A_241 : vector<16xi1>, vector<16xf32>
      %select_n3A_272 = arith.select %gt3A_269, %select_n3A_243, %select_n3A_253 : vector<16xi1>, vector<16xi32>
      %select_n3A_273 = arith.select %gt3A_269, %select_n3A_253, %select_n3A_243 : vector<16xi1>, vector<16xi32>
      %gt3A_274 = arith.cmpf ogt, %select_n3A_255, %select_n3A_260 : vector<16xf32>
      %select_n3A_275 = arith.select %gt3A_274, %select_n3A_255, %select_n3A_260 : vector<16xi1>, vector<16xf32>
      %select_n3A_276 = arith.select %gt3A_274, %select_n3A_260, %select_n3A_255 : vector<16xi1>, vector<16xf32>
      %select_n3A_277 = arith.select %gt3A_274, %select_n3A_257, %select_n3A_262 : vector<16xi1>, vector<16xi32>
      %select_n3A_278 = arith.select %gt3A_274, %select_n3A_262, %select_n3A_257 : vector<16xi1>, vector<16xi32>
      %gt3A_279 = arith.cmpf ogt, %select_n3A_256, %select_n3A_261 : vector<16xf32>
      %select_n3A_280 = arith.select %gt3A_279, %select_n3A_256, %select_n3A_261 : vector<16xi1>, vector<16xf32>
      %select_n3A_281 = arith.select %gt3A_279, %select_n3A_261, %select_n3A_256 : vector<16xi1>, vector<16xf32>
      %select_n3A_282 = arith.select %gt3A_279, %select_n3A_258, %select_n3A_263 : vector<16xi1>, vector<16xi32>
      %select_n3A_283 = arith.select %gt3A_279, %select_n3A_263, %select_n3A_258 : vector<16xi1>, vector<16xi32>
      %gt3A_284 = arith.cmpf ogt, %select_n3A_275, %select_n3A_266 : vector<16xf32>
      %select_n3A_285 = arith.select %gt3A_284, %select_n3A_275, %select_n3A_266 : vector<16xi1>, vector<16xf32>
      %select_n3A_286 = arith.select %gt3A_284, %select_n3A_266, %select_n3A_275 : vector<16xi1>, vector<16xf32>
      %select_n3A_287 = arith.select %gt3A_284, %select_n3A_277, %select_n3A_268 : vector<16xi1>, vector<16xi32>
      %select_n3A_288 = arith.select %gt3A_284, %select_n3A_268, %select_n3A_277 : vector<16xi1>, vector<16xi32>
      %gt3A_289 = arith.cmpf ogt, %select_n3A_270, %select_n3A_281 : vector<16xf32>
      %select_n3A_290 = arith.select %gt3A_289, %select_n3A_270, %select_n3A_281 : vector<16xi1>, vector<16xf32>
      %select_n3A_291 = arith.select %gt3A_289, %select_n3A_281, %select_n3A_270 : vector<16xi1>, vector<16xf32>
      %select_n3A_292 = arith.select %gt3A_289, %select_n3A_272, %select_n3A_283 : vector<16xi1>, vector<16xi32>
      %select_n3A_293 = arith.select %gt3A_289, %select_n3A_283, %select_n3A_272 : vector<16xi1>, vector<16xi32>
      %gt3A_294 = arith.cmpf ogt, %select_n3A_280, %select_n3A_286 : vector<16xf32>
      %select_n3A_295 = arith.select %gt3A_294, %select_n3A_280, %select_n3A_286 : vector<16xi1>, vector<16xf32>
      %select_n3A_296 = arith.select %gt3A_294, %select_n3A_286, %select_n3A_280 : vector<16xi1>, vector<16xf32>
      %select_n3A_297 = arith.select %gt3A_294, %select_n3A_282, %select_n3A_288 : vector<16xi1>, vector<16xi32>
      %select_n3A_298 = arith.select %gt3A_294, %select_n3A_288, %select_n3A_282 : vector<16xi1>, vector<16xi32>
      %gt3A_299 = arith.cmpf ogt, %select_n3A_290, %select_n3A_276 : vector<16xf32>
      %select_n3A_300 = arith.select %gt3A_299, %select_n3A_290, %select_n3A_276 : vector<16xi1>, vector<16xf32>
      %select_n3A_301 = arith.select %gt3A_299, %select_n3A_276, %select_n3A_290 : vector<16xi1>, vector<16xf32>
      %select_n3A_302 = arith.select %gt3A_299, %select_n3A_292, %select_n3A_278 : vector<16xi1>, vector<16xi32>
      %select_n3A_303 = arith.select %gt3A_299, %select_n3A_278, %select_n3A_292 : vector<16xi1>, vector<16xi32>
      %gt3A_304 = arith.cmpf ogt, %select_n3A_300, %select_n3A_296 : vector<16xf32>
      %select_n3A_305 = arith.select %gt3A_304, %select_n3A_300, %select_n3A_296 : vector<16xi1>, vector<16xf32>
      %select_n3A_306 = arith.select %gt3A_304, %select_n3A_296, %select_n3A_300 : vector<16xi1>, vector<16xf32>
      %select_n3A_307 = arith.select %gt3A_304, %select_n3A_302, %select_n3A_298 : vector<16xi1>, vector<16xi32>
      %select_n3A_308 = arith.select %gt3A_304, %select_n3A_298, %select_n3A_302 : vector<16xi1>, vector<16xi32>
      %gt3A_309 = arith.cmpf ogt, %select_n3A_114, %select_n3A_271 : vector<16xf32>
      %select_n3A_310 = arith.select %gt3A_309, %select_n3A_114, %select_n3A_271 : vector<16xi1>, vector<16xf32>
      %select_n3A_311 = arith.select %gt3A_309, %select_n3A_116, %select_n3A_273 : vector<16xi1>, vector<16xi32>
      %gt3A_312 = arith.cmpf ogt, %select_n3A_134, %select_n3A_291 : vector<16xf32>
      %select_n3A_313 = arith.select %gt3A_312, %select_n3A_134, %select_n3A_291 : vector<16xi1>, vector<16xf32>
      %select_n3A_314 = arith.select %gt3A_312, %select_n3A_136, %select_n3A_293 : vector<16xi1>, vector<16xi32>
      %gt3A_315 = arith.cmpf ogt, %select_n3A_144, %select_n3A_301 : vector<16xf32>
      %select_n3A_316 = arith.select %gt3A_315, %select_n3A_144, %select_n3A_301 : vector<16xi1>, vector<16xf32>
      %select_n3A_317 = arith.select %gt3A_315, %select_n3A_146, %select_n3A_303 : vector<16xi1>, vector<16xi32>
      %gt3A_318 = arith.cmpf ogt, %select_n3A_154, %select_n3A_306 : vector<16xf32>
      %select_n3A_319 = arith.select %gt3A_318, %select_n3A_154, %select_n3A_306 : vector<16xi1>, vector<16xf32>
      %select_n3A_320 = arith.select %gt3A_318, %select_n3A_156, %select_n3A_308 : vector<16xi1>, vector<16xi32>
      %gt3A_321 = arith.cmpf ogt, %select_n3A_155, %select_n3A_305 : vector<16xf32>
      %select_n3A_322 = arith.select %gt3A_321, %select_n3A_155, %select_n3A_305 : vector<16xi1>, vector<16xf32>
      %select_n3A_323 = arith.select %gt3A_321, %select_n3A_157, %select_n3A_307 : vector<16xi1>, vector<16xi32>
      %gt3A_324 = arith.cmpf ogt, %select_n3A_150, %select_n3A_295 : vector<16xf32>
      %select_n3A_325 = arith.select %gt3A_324, %select_n3A_150, %select_n3A_295 : vector<16xi1>, vector<16xf32>
      %select_n3A_326 = arith.select %gt3A_324, %select_n3A_152, %select_n3A_297 : vector<16xi1>, vector<16xi32>
      %gt3A_327 = arith.cmpf ogt, %select_n3A_140, %select_n3A_285 : vector<16xf32>
      %select_n3A_328 = arith.select %gt3A_327, %select_n3A_140, %select_n3A_285 : vector<16xi1>, vector<16xf32>
      %select_n3A_329 = arith.select %gt3A_327, %select_n3A_142, %select_n3A_287 : vector<16xi1>, vector<16xi32>
      %gt3A_330 = arith.cmpf ogt, %select_n3A_120, %select_n3A_265 : vector<16xf32>
      %select_n3A_331 = arith.select %gt3A_330, %select_n3A_120, %select_n3A_265 : vector<16xi1>, vector<16xf32>
      %select_n3A_332 = arith.select %gt3A_330, %select_n3A_122, %select_n3A_267 : vector<16xi1>, vector<16xi32>
      %gt3A_333 = arith.cmpf ogt, %select_n3A_310, %select_n3A_322 : vector<16xf32>
      %select_n3A_334 = arith.select %gt3A_333, %select_n3A_310, %select_n3A_322 : vector<16xi1>, vector<16xf32>
      %select_n3A_335 = arith.select %gt3A_333, %select_n3A_322, %select_n3A_310 : vector<16xi1>, vector<16xf32>
      %select_n3A_336 = arith.select %gt3A_333, %select_n3A_311, %select_n3A_323 : vector<16xi1>, vector<16xi32>
      %select_n3A_337 = arith.select %gt3A_333, %select_n3A_323, %select_n3A_311 : vector<16xi1>, vector<16xi32>
      %gt3A_338 = arith.cmpf ogt, %select_n3A_313, %select_n3A_325 : vector<16xf32>
      %select_n3A_339 = arith.select %gt3A_338, %select_n3A_313, %select_n3A_325 : vector<16xi1>, vector<16xf32>
      %select_n3A_340 = arith.select %gt3A_338, %select_n3A_325, %select_n3A_313 : vector<16xi1>, vector<16xf32>
      %select_n3A_341 = arith.select %gt3A_338, %select_n3A_314, %select_n3A_326 : vector<16xi1>, vector<16xi32>
      %select_n3A_342 = arith.select %gt3A_338, %select_n3A_326, %select_n3A_314 : vector<16xi1>, vector<16xi32>
      %gt3A_343 = arith.cmpf ogt, %select_n3A_316, %select_n3A_328 : vector<16xf32>
      %select_n3A_344 = arith.select %gt3A_343, %select_n3A_316, %select_n3A_328 : vector<16xi1>, vector<16xf32>
      %select_n3A_345 = arith.select %gt3A_343, %select_n3A_328, %select_n3A_316 : vector<16xi1>, vector<16xf32>
      %select_n3A_346 = arith.select %gt3A_343, %select_n3A_317, %select_n3A_329 : vector<16xi1>, vector<16xi32>
      %select_n3A_347 = arith.select %gt3A_343, %select_n3A_329, %select_n3A_317 : vector<16xi1>, vector<16xi32>
      %gt3A_348 = arith.cmpf ogt, %select_n3A_319, %select_n3A_331 : vector<16xf32>
      %select_n3A_349 = arith.select %gt3A_348, %select_n3A_319, %select_n3A_331 : vector<16xi1>, vector<16xf32>
      %select_n3A_350 = arith.select %gt3A_348, %select_n3A_331, %select_n3A_319 : vector<16xi1>, vector<16xf32>
      %select_n3A_351 = arith.select %gt3A_348, %select_n3A_320, %select_n3A_332 : vector<16xi1>, vector<16xi32>
      %select_n3A_352 = arith.select %gt3A_348, %select_n3A_332, %select_n3A_320 : vector<16xi1>, vector<16xi32>
      %gt3A_353 = arith.cmpf ogt, %select_n3A_334, %select_n3A_344 : vector<16xf32>
      %select_n3A_354 = arith.select %gt3A_353, %select_n3A_334, %select_n3A_344 : vector<16xi1>, vector<16xf32>
      %select_n3A_355 = arith.select %gt3A_353, %select_n3A_344, %select_n3A_334 : vector<16xi1>, vector<16xf32>
      %select_n3A_356 = arith.select %gt3A_353, %select_n3A_336, %select_n3A_346 : vector<16xi1>, vector<16xi32>
      %select_n3A_357 = arith.select %gt3A_353, %select_n3A_346, %select_n3A_336 : vector<16xi1>, vector<16xi32>
      %gt3A_358 = arith.cmpf ogt, %select_n3A_339, %select_n3A_349 : vector<16xf32>
      %select_n3A_359 = arith.select %gt3A_358, %select_n3A_339, %select_n3A_349 : vector<16xi1>, vector<16xf32>
      %select_n3A_360 = arith.select %gt3A_358, %select_n3A_349, %select_n3A_339 : vector<16xi1>, vector<16xf32>
      %select_n3A_361 = arith.select %gt3A_358, %select_n3A_341, %select_n3A_351 : vector<16xi1>, vector<16xi32>
      %select_n3A_362 = arith.select %gt3A_358, %select_n3A_351, %select_n3A_341 : vector<16xi1>, vector<16xi32>
      %gt3A_363 = arith.cmpf ogt, %select_n3A_335, %select_n3A_345 : vector<16xf32>
      %select_n3A_364 = arith.select %gt3A_363, %select_n3A_335, %select_n3A_345 : vector<16xi1>, vector<16xf32>
      %select_n3A_365 = arith.select %gt3A_363, %select_n3A_345, %select_n3A_335 : vector<16xi1>, vector<16xf32>
      %select_n3A_366 = arith.select %gt3A_363, %select_n3A_337, %select_n3A_347 : vector<16xi1>, vector<16xi32>
      %select_n3A_367 = arith.select %gt3A_363, %select_n3A_347, %select_n3A_337 : vector<16xi1>, vector<16xi32>
      %gt3A_368 = arith.cmpf ogt, %select_n3A_340, %select_n3A_350 : vector<16xf32>
      %select_n3A_369 = arith.select %gt3A_368, %select_n3A_340, %select_n3A_350 : vector<16xi1>, vector<16xf32>
      %select_n3A_370 = arith.select %gt3A_368, %select_n3A_350, %select_n3A_340 : vector<16xi1>, vector<16xf32>
      %select_n3A_371 = arith.select %gt3A_368, %select_n3A_342, %select_n3A_352 : vector<16xi1>, vector<16xi32>
      %select_n3A_372 = arith.select %gt3A_368, %select_n3A_352, %select_n3A_342 : vector<16xi1>, vector<16xi32>
      %gt3A_373 = arith.cmpf ogt, %select_n3A_354, %select_n3A_359 : vector<16xf32>
      %select_n3A_374 = arith.select %gt3A_373, %select_n3A_354, %select_n3A_359 : vector<16xi1>, vector<16xf32>
      %select_n3A_375 = arith.select %gt3A_373, %select_n3A_359, %select_n3A_354 : vector<16xi1>, vector<16xf32>
      %select_n3A_376 = arith.select %gt3A_373, %select_n3A_356, %select_n3A_361 : vector<16xi1>, vector<16xi32>
      %select_n3A_377 = arith.select %gt3A_373, %select_n3A_361, %select_n3A_356 : vector<16xi1>, vector<16xi32>
      %gt3A_378 = arith.cmpf ogt, %select_n3A_355, %select_n3A_360 : vector<16xf32>
      %select_n3A_379 = arith.select %gt3A_378, %select_n3A_355, %select_n3A_360 : vector<16xi1>, vector<16xf32>
      %select_n3A_380 = arith.select %gt3A_378, %select_n3A_360, %select_n3A_355 : vector<16xi1>, vector<16xf32>
      %select_n3A_381 = arith.select %gt3A_378, %select_n3A_357, %select_n3A_362 : vector<16xi1>, vector<16xi32>
      %select_n3A_382 = arith.select %gt3A_378, %select_n3A_362, %select_n3A_357 : vector<16xi1>, vector<16xi32>
      %gt3A_383 = arith.cmpf ogt, %select_n3A_364, %select_n3A_369 : vector<16xf32>
      %select_n3A_384 = arith.select %gt3A_383, %select_n3A_364, %select_n3A_369 : vector<16xi1>, vector<16xf32>
      %select_n3A_385 = arith.select %gt3A_383, %select_n3A_369, %select_n3A_364 : vector<16xi1>, vector<16xf32>
      %select_n3A_386 = arith.select %gt3A_383, %select_n3A_366, %select_n3A_371 : vector<16xi1>, vector<16xi32>
      %select_n3A_387 = arith.select %gt3A_383, %select_n3A_371, %select_n3A_366 : vector<16xi1>, vector<16xi32>
      %gt3A_388 = arith.cmpf ogt, %select_n3A_365, %select_n3A_370 : vector<16xf32>
      %select_n3A_389 = arith.select %gt3A_388, %select_n3A_365, %select_n3A_370 : vector<16xi1>, vector<16xf32>
      %select_n3A_390 = arith.select %gt3A_388, %select_n3A_370, %select_n3A_365 : vector<16xi1>, vector<16xf32>
      %select_n3A_391 = arith.select %gt3A_388, %select_n3A_367, %select_n3A_372 : vector<16xi1>, vector<16xi32>
      %select_n3A_392 = arith.select %gt3A_388, %select_n3A_372, %select_n3A_367 : vector<16xi1>, vector<16xi32>
      %get3A_393 = arith.constant 16 : i32
      %get3A_394 = arith.index_cast %get3A_393 : i32 to index
      %get3A_395 = arith.index_cast %mul3A_10 : i32 to index
      %get3A_396 = tpu.vector_load %arg5[%get3A_394, %get3A_395] {strides = array<i32>} : memref<64x512xf32, #tpu.memory_space<vmem>>, vector<1x16xf32>,
      %get3A_397 = vector.shape_cast %get3A_396 : vector<1x16xf32> to vector<16xf32>
      %broadcast_in_dim3A_398 = arith.constant 16 : i32
      %broadcast_in_dim3A_399 = vector.broadcast %broadcast_in_dim3A_398 : i32 to vector<16xi32>
      %get3A_400 = arith.constant 17 : i32
      %get3A_401 = arith.index_cast %get3A_400 : i32 to index
      %get3A_402 = arith.index_cast %mul3A_10 : i32 to index
      %get3A_403 = tpu.vector_load %arg5[%get3A_401, %get3A_402] {strides = array<i32>} : memref<64x512xf32, #tpu.memory_space<vmem>>, vector<1x16xf32>,
      %get3A_404 = vector.shape_cast %get3A_403 : vector<1x16xf32> to vector<16xf32>
      %broadcast_in_dim3A_405 = arith.constant 17 : i32
      %broadcast_in_dim3A_406 = vector.broadcast %broadcast_in_dim3A_405 : i32 to vector<16xi32>
      %get3A_407 = arith.constant 18 : i32
      %get3A_408 = arith.index_cast %get3A_407 : i32 to index
      %get3A_409 = arith.index_cast %mul3A_10 : i32 to index
      %get3A_410 = tpu.vector_load %arg5[%get3A_408, %get3A_409] {strides = array<i32>} : memref<64x512xf32, #tpu.memory_space<vmem>>, vector<1x16xf32>,
      %get3A_411 = vector.shape_cast %get3A_410 : vector<1x16xf32> to vector<16xf32>
      %broadcast_in_dim3A_412 = arith.constant 18 : i32
      %broadcast_in_dim3A_413 = vector.broadcast %broadcast_in_dim3A_412 : i32 to vector<16xi32>
      %get3A_414 = arith.constant 19 : i32
      %get3A_415 = arith.index_cast %get3A_414 : i32 to index
      %get3A_416 = arith.index_cast %mul3A_10 : i32 to index
      %get3A_417 = tpu.vector_load %arg5[%get3A_415, %get3A_416] {strides = array<i32>} : memref<64x512xf32, #tpu.memory_space<vmem>>, vector<1x16xf32>,
      %get3A_418 = vector.shape_cast %get3A_417 : vector<1x16xf32> to vector<16xf32>
      %broadcast_in_dim3A_419 = arith.constant 19 : i32
      %broadcast_in_dim3A_420 = vector.broadcast %broadcast_in_dim3A_419 : i32 to vector<16xi32>
      %get3A_421 = arith.constant 20 : i32
      %get3A_422 = arith.index_cast %get3A_421 : i32 to index
      %get3A_423 = arith.index_cast %mul3A_10 : i32 to index
      %get3A_424 = tpu.vector_load %arg5[%get3A_422, %get3A_423] {strides = array<i32>} : memref<64x512xf32, #tpu.memory_space<vmem>>, vector<1x16xf32>,
      %get3A_425 = vector.shape_cast %get3A_424 : vector<1x16xf32> to vector<16xf32>
      %broadcast_in_dim3A_426 = arith.constant 20 : i32
      %broadcast_in_dim3A_427 = vector.broadcast %broadcast_in_dim3A_426 : i32 to vector<16xi32>
      %get3A_428 = arith.constant 21 : i32
      %get3A_429 = arith.index_cast %get3A_428 : i32 to index
      %get3A_430 = arith.index_cast %mul3A_10 : i32 to index
      %get3A_431 = tpu.vector_load %arg5[%get3A_429, %get3A_430] {strides = array<i32>} : memref<64x512xf32, #tpu.memory_space<vmem>>, vector<1x16xf32>,
      %get3A_432 = vector.shape_cast %get3A_431 : vector<1x16xf32> to vector<16xf32>
      %broadcast_in_dim3A_433 = arith.constant 21 : i32
      %broadcast_in_dim3A_434 = vector.broadcast %broadcast_in_dim3A_433 : i32 to vector<16xi32>
      %get3A_435 = arith.constant 22 : i32
      %get3A_436 = arith.index_cast %get3A_435 : i32 to index
      %get3A_437 = arith.index_cast %mul3A_10 : i32 to index
      %get3A_438 = tpu.vector_load %arg5[%get3A_436, %get3A_437] {strides = array<i32>} : memref<64x512xf32, #tpu.memory_space<vmem>>, vector<1x16xf32>,
      %get3A_439 = vector.shape_cast %get3A_438 : vector<1x16xf32> to vector<16xf32>
      %broadcast_in_dim3A_440 = arith.constant 22 : i32
      %broadcast_in_dim3A_441 = vector.broadcast %broadcast_in_dim3A_440 : i32 to vector<16xi32>
      %get3A_442 = arith.constant 23 : i32
      %get3A_443 = arith.index_cast %get3A_442 : i32 to index
      %get3A_444 = arith.index_cast %mul3A_10 : i32 to index
      %get3A_445 = tpu.vector_load %arg5[%get3A_443, %get3A_444] {strides = array<i32>} : memref<64x512xf32, #tpu.memory_space<vmem>>, vector<1x16xf32>,
      %get3A_446 = vector.shape_cast %get3A_445 : vector<1x16xf32> to vector<16xf32>
      %broadcast_in_dim3A_447 = arith.constant 23 : i32
      %broadcast_in_dim3A_448 = vector.broadcast %broadcast_in_dim3A_447 : i32 to vector<16xi32>
      %gt3A_449 = arith.cmpf ogt, %get3A_397, %get3A_404 : vector<16xf32>
      %select_n3A_450 = arith.select %gt3A_449, %get3A_397, %get3A_404 : vector<16xi1>, vector<16xf32>
      %select_n3A_451 = arith.select %gt3A_449, %get3A_404, %get3A_397 : vector<16xi1>, vector<16xf32>
      %select_n3A_452 = arith.select %gt3A_449, %broadcast_in_dim3A_399, %broadcast_in_dim3A_406 : vector<16xi1>, vector<16xi32>
      %select_n3A_453 = arith.select %gt3A_449, %broadcast_in_dim3A_406, %broadcast_in_dim3A_399 : vector<16xi1>, vector<16xi32>
      %gt3A_454 = arith.cmpf ogt, %get3A_411, %get3A_418 : vector<16xf32>
      %select_n3A_455 = arith.select %gt3A_454, %get3A_411, %get3A_418 : vector<16xi1>, vector<16xf32>
      %select_n3A_456 = arith.select %gt3A_454, %get3A_418, %get3A_411 : vector<16xi1>, vector<16xf32>
      %select_n3A_457 = arith.select %gt3A_454, %broadcast_in_dim3A_413, %broadcast_in_dim3A_420 : vector<16xi1>, vector<16xi32>
      %select_n3A_458 = arith.select %gt3A_454, %broadcast_in_dim3A_420, %broadcast_in_dim3A_413 : vector<16xi1>, vector<16xi32>
      %gt3A_459 = arith.cmpf ogt, %get3A_425, %get3A_432 : vector<16xf32>
      %select_n3A_460 = arith.select %gt3A_459, %get3A_425, %get3A_432 : vector<16xi1>, vector<16xf32>
      %select_n3A_461 = arith.select %gt3A_459, %get3A_432, %get3A_425 : vector<16xi1>, vector<16xf32>
      %select_n3A_462 = arith.select %gt3A_459, %broadcast_in_dim3A_427, %broadcast_in_dim3A_434 : vector<16xi1>, vector<16xi32>
      %select_n3A_463 = arith.select %gt3A_459, %broadcast_in_dim3A_434, %broadcast_in_dim3A_427 : vector<16xi1>, vector<16xi32>
      %gt3A_464 = arith.cmpf ogt, %get3A_439, %get3A_446 : vector<16xf32>
      %select_n3A_465 = arith.select %gt3A_464, %get3A_439, %get3A_446 : vector<16xi1>, vector<16xf32>
      %select_n3A_466 = arith.select %gt3A_464, %get3A_446, %get3A_439 : vector<16xi1>, vector<16xf32>
      %select_n3A_467 = arith.select %gt3A_464, %broadcast_in_dim3A_441, %broadcast_in_dim3A_448 : vector<16xi1>, vector<16xi32>
      %select_n3A_468 = arith.select %gt3A_464, %broadcast_in_dim3A_448, %broadcast_in_dim3A_441 : vector<16xi1>, vector<16xi32>
      %gt3A_469 = arith.cmpf ogt, %select_n3A_450, %select_n3A_455 : vector<16xf32>
      %select_n3A_470 = arith.select %gt3A_469, %select_n3A_450, %select_n3A_455 : vector<16xi1>, vector<16xf32>
      %select_n3A_471 = arith.select %gt3A_469, %select_n3A_455, %select_n3A_450 : vector<16xi1>, vector<16xf32>
      %select_n3A_472 = arith.select %gt3A_469, %select_n3A_452, %select_n3A_457 : vector<16xi1>, vector<16xi32>
      %select_n3A_473 = arith.select %gt3A_469, %select_n3A_457, %select_n3A_452 : vector<16xi1>, vector<16xi32>
      %gt3A_474 = arith.cmpf ogt, %select_n3A_451, %select_n3A_456 : vector<16xf32>
      %select_n3A_475 = arith.select %gt3A_474, %select_n3A_451, %select_n3A_456 : vector<16xi1>, vector<16xf32>
      %select_n3A_476 = arith.select %gt3A_474, %select_n3A_456, %select_n3A_451 : vector<16xi1>, vector<16xf32>
      %select_n3A_477 = arith.select %gt3A_474, %select_n3A_453, %select_n3A_458 : vector<16xi1>, vector<16xi32>
      %select_n3A_478 = arith.select %gt3A_474, %select_n3A_458, %select_n3A_453 : vector<16xi1>, vector<16xi32>
      %gt3A_479 = arith.cmpf ogt, %select_n3A_460, %select_n3A_465 : vector<16xf32>
      %select_n3A_480 = arith.select %gt3A_479, %select_n3A_460, %select_n3A_465 : vector<16xi1>, vector<16xf32>
      %select_n3A_481 = arith.select %gt3A_479, %select_n3A_465, %select_n3A_460 : vector<16xi1>, vector<16xf32>
      %select_n3A_482 = arith.select %gt3A_479, %select_n3A_462, %select_n3A_467 : vector<16xi1>, vector<16xi32>
      %select_n3A_483 = arith.select %gt3A_479, %select_n3A_467, %select_n3A_462 : vector<16xi1>, vector<16xi32>
      %gt3A_484 = arith.cmpf ogt, %select_n3A_461, %select_n3A_466 : vector<16xf32>
      %select_n3A_485 = arith.select %gt3A_484, %select_n3A_461, %select_n3A_466 : vector<16xi1>, vector<16xf32>
      %select_n3A_486 = arith.select %gt3A_484, %select_n3A_466, %select_n3A_461 : vector<16xi1>, vector<16xf32>
      %select_n3A_487 = arith.select %gt3A_484, %select_n3A_463, %select_n3A_468 : vector<16xi1>, vector<16xi32>
      %select_n3A_488 = arith.select %gt3A_484, %select_n3A_468, %select_n3A_463 : vector<16xi1>, vector<16xi32>
      %gt3A_489 = arith.cmpf ogt, %select_n3A_475, %select_n3A_471 : vector<16xf32>
      %select_n3A_490 = arith.select %gt3A_489, %select_n3A_475, %select_n3A_471 : vector<16xi1>, vector<16xf32>
      %select_n3A_491 = arith.select %gt3A_489, %select_n3A_471, %select_n3A_475 : vector<16xi1>, vector<16xf32>
      %select_n3A_492 = arith.select %gt3A_489, %select_n3A_477, %select_n3A_473 : vector<16xi1>, vector<16xi32>
      %select_n3A_493 = arith.select %gt3A_489, %select_n3A_473, %select_n3A_477 : vector<16xi1>, vector<16xi32>
      %gt3A_494 = arith.cmpf ogt, %select_n3A_485, %select_n3A_481 : vector<16xf32>
      %select_n3A_495 = arith.select %gt3A_494, %select_n3A_485, %select_n3A_481 : vector<16xi1>, vector<16xf32>
      %select_n3A_496 = arith.select %gt3A_494, %select_n3A_481, %select_n3A_485 : vector<16xi1>, vector<16xf32>
      %select_n3A_497 = arith.select %gt3A_494, %select_n3A_487, %select_n3A_483 : vector<16xi1>, vector<16xi32>
      %select_n3A_498 = arith.select %gt3A_494, %select_n3A_483, %select_n3A_487 : vector<16xi1>, vector<16xi32>
      %gt3A_499 = arith.cmpf ogt, %select_n3A_470, %select_n3A_480 : vector<16xf32>
      %select_n3A_500 = arith.select %gt3A_499, %select_n3A_470, %select_n3A_480 : vector<16xi1>, vector<16xf32>
      %select_n3A_501 = arith.select %gt3A_499, %select_n3A_480, %select_n3A_470 : vector<16xi1>, vector<16xf32>
      %select_n3A_502 = arith.select %gt3A_499, %select_n3A_472, %select_n3A_482 : vector<16xi1>, vector<16xi32>
      %select_n3A_503 = arith.select %gt3A_499, %select_n3A_482, %select_n3A_472 : vector<16xi1>, vector<16xi32>
      %gt3A_504 = arith.cmpf ogt, %select_n3A_476, %select_n3A_486 : vector<16xf32>
      %select_n3A_505 = arith.select %gt3A_504, %select_n3A_476, %select_n3A_486 : vector<16xi1>, vector<16xf32>
      %select_n3A_506 = arith.select %gt3A_504, %select_n3A_486, %select_n3A_476 : vector<16xi1>, vector<16xf32>
      %select_n3A_507 = arith.select %gt3A_504, %select_n3A_478, %select_n3A_488 : vector<16xi1>, vector<16xi32>
      %select_n3A_508 = arith.select %gt3A_504, %select_n3A_488, %select_n3A_478 : vector<16xi1>, vector<16xi32>
      %gt3A_509 = arith.cmpf ogt, %select_n3A_490, %select_n3A_495 : vector<16xf32>
      %select_n3A_510 = arith.select %gt3A_509, %select_n3A_490, %select_n3A_495 : vector<16xi1>, vector<16xf32>
      %select_n3A_511 = arith.select %gt3A_509, %select_n3A_495, %select_n3A_490 : vector<16xi1>, vector<16xf32>
      %select_n3A_512 = arith.select %gt3A_509, %select_n3A_492, %select_n3A_497 : vector<16xi1>, vector<16xi32>
      %select_n3A_513 = arith.select %gt3A_509, %select_n3A_497, %select_n3A_492 : vector<16xi1>, vector<16xi32>
      %gt3A_514 = arith.cmpf ogt, %select_n3A_491, %select_n3A_496 : vector<16xf32>
      %select_n3A_515 = arith.select %gt3A_514, %select_n3A_491, %select_n3A_496 : vector<16xi1>, vector<16xf32>
      %select_n3A_516 = arith.select %gt3A_514, %select_n3A_496, %select_n3A_491 : vector<16xi1>, vector<16xf32>
      %select_n3A_517 = arith.select %gt3A_514, %select_n3A_493, %select_n3A_498 : vector<16xi1>, vector<16xi32>
      %select_n3A_518 = arith.select %gt3A_514, %select_n3A_498, %select_n3A_493 : vector<16xi1>, vector<16xi32>
      %gt3A_519 = arith.cmpf ogt, %select_n3A_510, %select_n3A_501 : vector<16xf32>
      %select_n3A_520 = arith.select %gt3A_519, %select_n3A_510, %select_n3A_501 : vector<16xi1>, vector<16xf32>
      %select_n3A_521 = arith.select %gt3A_519, %select_n3A_501, %select_n3A_510 : vector<16xi1>, vector<16xf32>
      %select_n3A_522 = arith.select %gt3A_519, %select_n3A_512, %select_n3A_503 : vector<16xi1>, vector<16xi32>
      %select_n3A_523 = arith.select %gt3A_519, %select_n3A_503, %select_n3A_512 : vector<16xi1>, vector<16xi32>
      %gt3A_524 = arith.cmpf ogt, %select_n3A_505, %select_n3A_516 : vector<16xf32>
      %select_n3A_525 = arith.select %gt3A_524, %select_n3A_505, %select_n3A_516 : vector<16xi1>, vector<16xf32>
      %select_n3A_526 = arith.select %gt3A_524, %select_n3A_516, %select_n3A_505 : vector<16xi1>, vector<16xf32>
      %select_n3A_527 = arith.select %gt3A_524, %select_n3A_507, %select_n3A_518 : vector<16xi1>, vector<16xi32>
      %select_n3A_528 = arith.select %gt3A_524, %select_n3A_518, %select_n3A_507 : vector<16xi1>, vector<16xi32>
      %gt3A_529 = arith.cmpf ogt, %select_n3A_515, %select_n3A_521 : vector<16xf32>
      %select_n3A_530 = arith.select %gt3A_529, %select_n3A_515, %select_n3A_521 : vector<16xi1>, vector<16xf32>
      %select_n3A_531 = arith.select %gt3A_529, %select_n3A_521, %select_n3A_515 : vector<16xi1>, vector<16xf32>
      %select_n3A_532 = arith.select %gt3A_529, %select_n3A_517, %select_n3A_523 : vector<16xi1>, vector<16xi32>
      %select_n3A_533 = arith.select %gt3A_529, %select_n3A_523, %select_n3A_517 : vector<16xi1>, vector<16xi32>
      %gt3A_534 = arith.cmpf ogt, %select_n3A_525, %select_n3A_511 : vector<16xf32>
      %select_n3A_535 = arith.select %gt3A_534, %select_n3A_525, %select_n3A_511 : vector<16xi1>, vector<16xf32>
      %select_n3A_536 = arith.select %gt3A_534, %select_n3A_511, %select_n3A_525 : vector<16xi1>, vector<16xf32>
      %select_n3A_537 = arith.select %gt3A_534, %select_n3A_527, %select_n3A_513 : vector<16xi1>, vector<16xi32>
      %select_n3A_538 = arith.select %gt3A_534, %select_n3A_513, %select_n3A_527 : vector<16xi1>, vector<16xi32>
      %gt3A_539 = arith.cmpf ogt, %select_n3A_535, %select_n3A_531 : vector<16xf32>
      %select_n3A_540 = arith.select %gt3A_539, %select_n3A_535, %select_n3A_531 : vector<16xi1>, vector<16xf32>
      %select_n3A_541 = arith.select %gt3A_539, %select_n3A_531, %select_n3A_535 : vector<16xi1>, vector<16xf32>
      %select_n3A_542 = arith.select %gt3A_539, %select_n3A_537, %select_n3A_533 : vector<16xi1>, vector<16xi32>
      %select_n3A_543 = arith.select %gt3A_539, %select_n3A_533, %select_n3A_537 : vector<16xi1>, vector<16xi32>
      %gt3A_544 = arith.cmpf ogt, %select_n3A_374, %select_n3A_506 : vector<16xf32>
      %select_n3A_545 = arith.select %gt3A_544, %select_n3A_374, %select_n3A_506 : vector<16xi1>, vector<16xf32>
      %select_n3A_546 = arith.select %gt3A_544, %select_n3A_376, %select_n3A_508 : vector<16xi1>, vector<16xi32>
      %gt3A_547 = arith.cmpf ogt, %select_n3A_375, %select_n3A_526 : vector<16xf32>
      %select_n3A_548 = arith.select %gt3A_547, %select_n3A_375, %select_n3A_526 : vector<16xi1>, vector<16xf32>
      %select_n3A_549 = arith.select %gt3A_547, %select_n3A_377, %select_n3A_528 : vector<16xi1>, vector<16xi32>
      %gt3A_550 = arith.cmpf ogt, %select_n3A_379, %select_n3A_536 : vector<16xf32>
      %select_n3A_551 = arith.select %gt3A_550, %select_n3A_379, %select_n3A_536 : vector<16xi1>, vector<16xf32>
      %select_n3A_552 = arith.select %gt3A_550, %select_n3A_381, %select_n3A_538 : vector<16xi1>, vector<16xi32>
      %gt3A_553 = arith.cmpf ogt, %select_n3A_380, %select_n3A_541 : vector<16xf32>
      %select_n3A_554 = arith.select %gt3A_553, %select_n3A_380, %select_n3A_541 : vector<16xi1>, vector<16xf32>
      %select_n3A_555 = arith.select %gt3A_553, %select_n3A_382, %select_n3A_543 : vector<16xi1>, vector<16xi32>
      %gt3A_556 = arith.cmpf ogt, %select_n3A_384, %select_n3A_540 : vector<16xf32>
      %select_n3A_557 = arith.select %gt3A_556, %select_n3A_384, %select_n3A_540 : vector<16xi1>, vector<16xf32>
      %select_n3A_558 = arith.select %gt3A_556, %select_n3A_386, %select_n3A_542 : vector<16xi1>, vector<16xi32>
      %gt3A_559 = arith.cmpf ogt, %select_n3A_385, %select_n3A_530 : vector<16xf32>
      %select_n3A_560 = arith.select %gt3A_559, %select_n3A_385, %select_n3A_530 : vector<16xi1>, vector<16xf32>
      %select_n3A_561 = arith.select %gt3A_559, %select_n3A_387, %select_n3A_532 : vector<16xi1>, vector<16xi32>
      %gt3A_562 = arith.cmpf ogt, %select_n3A_389, %select_n3A_520 : vector<16xf32>
      %select_n3A_563 = arith.select %gt3A_562, %select_n3A_389, %select_n3A_520 : vector<16xi1>, vector<16xf32>
      %select_n3A_564 = arith.select %gt3A_562, %select_n3A_391, %select_n3A_522 : vector<16xi1>, vector<16xi32>
      %gt3A_565 = arith.cmpf ogt, %select_n3A_390, %select_n3A_500 : vector<16xf32>
      %select_n3A_566 = arith.select %gt3A_565, %select_n3A_390, %select_n3A_500 : vector<16xi1>, vector<16xf32>
      %select_n3A_567 = arith.select %gt3A_565, %select_n3A_392, %select_n3A_502 : vector<16xi1>, vector<16xi32>
      %gt3A_568 = arith.cmpf ogt, %select_n3A_545, %select_n3A_557 : vector<16xf32>
      %select_n3A_569 = arith.select %gt3A_568, %select_n3A_545, %select_n3A_557 : vector<16xi1>, vector<16xf32>
      %select_n3A_570 = arith.select %gt3A_568, %select_n3A_557, %select_n3A_545 : vector<16xi1>, vector<16xf32>
      %select_n3A_571 = arith.select %gt3A_568, %select_n3A_546, %select_n3A_558 : vector<16xi1>, vector<16xi32>
      %select_n3A_572 = arith.select %gt3A_568, %select_n3A_558, %select_n3A_546 : vector<16xi1>, vector<16xi32>
      %gt3A_573 = arith.cmpf ogt, %select_n3A_548, %select_n3A_560 : vector<16xf32>
      %select_n3A_574 = arith.select %gt3A_573, %select_n3A_548, %select_n3A_560 : vector<16xi1>, vector<16xf32>
      %select_n3A_575 = arith.select %gt3A_573, %select_n3A_560, %select_n3A_548 : vector<16xi1>, vector<16xf32>
      %select_n3A_576 = arith.select %gt3A_573, %select_n3A_549, %select_n3A_561 : vector<16xi1>, vector<16xi32>
      %select_n3A_577 = arith.select %gt3A_573, %select_n3A_561, %select_n3A_549 : vector<16xi1>, vector<16xi32>
      %gt3A_578 = arith.cmpf ogt, %select_n3A_551, %select_n3A_563 : vector<16xf32>
      %select_n3A_579 = arith.select %gt3A_578, %select_n3A_551, %select_n3A_563 : vector<16xi1>, vector<16xf32>
      %select_n3A_580 = arith.select %gt3A_578, %select_n3A_563, %select_n3A_551 : vector<16xi1>, vector<16xf32>
      %select_n3A_581 = arith.select %gt3A_578, %select_n3A_552, %select_n3A_564 : vector<16xi1>, vector<16xi32>
      %select_n3A_582 = arith.select %gt3A_578, %select_n3A_564, %select_n3A_552 : vector<16xi1>, vector<16xi32>
      %gt3A_583 = arith.cmpf ogt, %select_n3A_554, %select_n3A_566 : vector<16xf32>
      %select_n3A_584 = arith.select %gt3A_583, %select_n3A_554, %select_n3A_566 : vector<16xi1>, vector<16xf32>
      %select_n3A_585 = arith.select %gt3A_583, %select_n3A_566, %select_n3A_554 : vector<16xi1>, vector<16xf32>
      %select_n3A_586 = arith.select %gt3A_583, %select_n3A_555, %select_n3A_567 : vector<16xi1>, vector<16xi32>
      %select_n3A_587 = arith.select %gt3A_583, %select_n3A_567, %select_n3A_555 : vector<16xi1>, vector<16xi32>
      %gt3A_588 = arith.cmpf ogt, %select_n3A_569, %select_n3A_579 : vector<16xf32>
      %select_n3A_589 = arith.select %gt3A_588, %select_n3A_569, %select_n3A_579 : vector<16xi1>, vector<16xf32>
      %select_n3A_590 = arith.select %gt3A_588, %select_n3A_579, %select_n3A_569 : vector<16xi1>, vector<16xf32>
      %select_n3A_591 = arith.select %gt3A_588, %select_n3A_571, %select_n3A_581 : vector<16xi1>, vector<16xi32>
      %select_n3A_592 = arith.select %gt3A_588, %select_n3A_581, %select_n3A_571 : vector<16xi1>, vector<16xi32>
      %gt3A_593 = arith.cmpf ogt, %select_n3A_574, %select_n3A_584 : vector<16xf32>
      %select_n3A_594 = arith.select %gt3A_593, %select_n3A_574, %select_n3A_584 : vector<16xi1>, vector<16xf32>
      %select_n3A_595 = arith.select %gt3A_593, %select_n3A_584, %select_n3A_574 : vector<16xi1>, vector<16xf32>
      %select_n3A_596 = arith.select %gt3A_593, %select_n3A_576, %select_n3A_586 : vector<16xi1>, vector<16xi32>
      %select_n3A_597 = arith.select %gt3A_593, %select_n3A_586, %select_n3A_576 : vector<16xi1>, vector<16xi32>
      %gt3A_598 = arith.cmpf ogt, %select_n3A_570, %select_n3A_580 : vector<16xf32>
      %select_n3A_599 = arith.select %gt3A_598, %select_n3A_570, %select_n3A_580 : vector<16xi1>, vector<16xf32>
      %select_n3A_600 = arith.select %gt3A_598, %select_n3A_580, %select_n3A_570 : vector<16xi1>, vector<16xf32>
      %select_n3A_601 = arith.select %gt3A_598, %select_n3A_572, %select_n3A_582 : vector<16xi1>, vector<16xi32>
      %select_n3A_602 = arith.select %gt3A_598, %select_n3A_582, %select_n3A_572 : vector<16xi1>, vector<16xi32>
      %gt3A_603 = arith.cmpf ogt, %select_n3A_575, %select_n3A_585 : vector<16xf32>
      %select_n3A_604 = arith.select %gt3A_603, %select_n3A_575, %select_n3A_585 : vector<16xi1>, vector<16xf32>
      %select_n3A_605 = arith.select %gt3A_603, %select_n3A_585, %select_n3A_575 : vector<16xi1>, vector<16xf32>
      %select_n3A_606 = arith.select %gt3A_603, %select_n3A_577, %select_n3A_587 : vector<16xi1>, vector<16xi32>
      %select_n3A_607 = arith.select %gt3A_603, %select_n3A_587, %select_n3A_577 : vector<16xi1>, vector<16xi32>
      %gt3A_608 = arith.cmpf ogt, %select_n3A_589, %select_n3A_594 : vector<16xf32>
      %select_n3A_609 = arith.select %gt3A_608, %select_n3A_589, %select_n3A_594 : vector<16xi1>, vector<16xf32>
      %select_n3A_610 = arith.select %gt3A_608, %select_n3A_594, %select_n3A_589 : vector<16xi1>, vector<16xf32>
      %select_n3A_611 = arith.select %gt3A_608, %select_n3A_591, %select_n3A_596 : vector<16xi1>, vector<16xi32>
      %select_n3A_612 = arith.select %gt3A_608, %select_n3A_596, %select_n3A_591 : vector<16xi1>, vector<16xi32>
      %gt3A_613 = arith.cmpf ogt, %select_n3A_590, %select_n3A_595 : vector<16xf32>
      %select_n3A_614 = arith.select %gt3A_613, %select_n3A_590, %select_n3A_595 : vector<16xi1>, vector<16xf32>
      %select_n3A_615 = arith.select %gt3A_613, %select_n3A_595, %select_n3A_590 : vector<16xi1>, vector<16xf32>
      %select_n3A_616 = arith.select %gt3A_613, %select_n3A_592, %select_n3A_597 : vector<16xi1>, vector<16xi32>
      %select_n3A_617 = arith.select %gt3A_613, %select_n3A_597, %select_n3A_592 : vector<16xi1>, vector<16xi32>
      %gt3A_618 = arith.cmpf ogt, %select_n3A_599, %select_n3A_604 : vector<16xf32>
      %select_n3A_619 = arith.select %gt3A_618, %select_n3A_599, %select_n3A_604 : vector<16xi1>, vector<16xf32>
      %select_n3A_620 = arith.select %gt3A_618, %select_n3A_604, %select_n3A_599 : vector<16xi1>, vector<16xf32>
      %select_n3A_621 = arith.select %gt3A_618, %select_n3A_601, %select_n3A_606 : vector<16xi1>, vector<16xi32>
      %select_n3A_622 = arith.select %gt3A_618, %select_n3A_606, %select_n3A_601 : vector<16xi1>, vector<16xi32>
      %gt3A_623 = arith.cmpf ogt, %select_n3A_600, %select_n3A_605 : vector<16xf32>
      %select_n3A_624 = arith.select %gt3A_623, %select_n3A_600, %select_n3A_605 : vector<16xi1>, vector<16xf32>
      %select_n3A_625 = arith.select %gt3A_623, %select_n3A_605, %select_n3A_600 : vector<16xi1>, vector<16xf32>
      %select_n3A_626 = arith.select %gt3A_623, %select_n3A_602, %select_n3A_607 : vector<16xi1>, vector<16xi32>
      %select_n3A_627 = arith.select %gt3A_623, %select_n3A_607, %select_n3A_602 : vector<16xi1>, vector<16xi32>
      %get3A_628 = arith.constant 24 : i32
      %get3A_629 = arith.index_cast %get3A_628 : i32 to index
      %get3A_630 = arith.index_cast %mul3A_10 : i32 to index
      %get3A_631 = tpu.vector_load %arg5[%get3A_629, %get3A_630] {strides = array<i32>} : memref<64x512xf32, #tpu.memory_space<vmem>>, vector<1x16xf32>,
      %get3A_632 = vector.shape_cast %get3A_631 : vector<1x16xf32> to vector<16xf32>
      %broadcast_in_dim3A_633 = arith.constant 24 : i32
      %broadcast_in_dim3A_634 = vector.broadcast %broadcast_in_dim3A_633 : i32 to vector<16xi32>
      %get3A_635 = arith.constant 25 : i32
      %get3A_636 = arith.index_cast %get3A_635 : i32 to index
      %get3A_637 = arith.index_cast %mul3A_10 : i32 to index
      %get3A_638 = tpu.vector_load %arg5[%get3A_636, %get3A_637] {strides = array<i32>} : memref<64x512xf32, #tpu.memory_space<vmem>>, vector<1x16xf32>,
      %get3A_639 = vector.shape_cast %get3A_638 : vector<1x16xf32> to vector<16xf32>
      %broadcast_in_dim3A_640 = arith.constant 25 : i32
      %broadcast_in_dim3A_641 = vector.broadcast %broadcast_in_dim3A_640 : i32 to vector<16xi32>
      %get3A_642 = arith.constant 26 : i32
      %get3A_643 = arith.index_cast %get3A_642 : i32 to index
      %get3A_644 = arith.index_cast %mul3A_10 : i32 to index
      %get3A_645 = tpu.vector_load %arg5[%get3A_643, %get3A_644] {strides = array<i32>} : memref<64x512xf32, #tpu.memory_space<vmem>>, vector<1x16xf32>,
      %get3A_646 = vector.shape_cast %get3A_645 : vector<1x16xf32> to vector<16xf32>
      %broadcast_in_dim3A_647 = arith.constant 26 : i32
      %broadcast_in_dim3A_648 = vector.broadcast %broadcast_in_dim3A_647 : i32 to vector<16xi32>
      %get3A_649 = arith.constant 27 : i32
      %get3A_650 = arith.index_cast %get3A_649 : i32 to index
      %get3A_651 = arith.index_cast %mul3A_10 : i32 to index
      %get3A_652 = tpu.vector_load %arg5[%get3A_650, %get3A_651] {strides = array<i32>} : memref<64x512xf32, #tpu.memory_space<vmem>>, vector<1x16xf32>,
      %get3A_653 = vector.shape_cast %get3A_652 : vector<1x16xf32> to vector<16xf32>
      %broadcast_in_dim3A_654 = arith.constant 27 : i32
      %broadcast_in_dim3A_655 = vector.broadcast %broadcast_in_dim3A_654 : i32 to vector<16xi32>
      %get3A_656 = arith.constant 28 : i32
      %get3A_657 = arith.index_cast %get3A_656 : i32 to index
      %get3A_658 = arith.index_cast %mul3A_10 : i32 to index
      %get3A_659 = tpu.vector_load %arg5[%get3A_657, %get3A_658] {strides = array<i32>} : memref<64x512xf32, #tpu.memory_space<vmem>>, vector<1x16xf32>,
      %get3A_660 = vector.shape_cast %get3A_659 : vector<1x16xf32> to vector<16xf32>
      %broadcast_in_dim3A_661 = arith.constant 28 : i32
      %broadcast_in_dim3A_662 = vector.broadcast %broadcast_in_dim3A_661 : i32 to vector<16xi32>
      %get3A_663 = arith.constant 29 : i32
      %get3A_664 = arith.index_cast %get3A_663 : i32 to index
      %get3A_665 = arith.index_cast %mul3A_10 : i32 to index
      %get3A_666 = tpu.vector_load %arg5[%get3A_664, %get3A_665] {strides = array<i32>} : memref<64x512xf32, #tpu.memory_space<vmem>>, vector<1x16xf32>,
      %get3A_667 = vector.shape_cast %get3A_666 : vector<1x16xf32> to vector<16xf32>
      %broadcast_in_dim3A_668 = arith.constant 29 : i32
      %broadcast_in_dim3A_669 = vector.broadcast %broadcast_in_dim3A_668 : i32 to vector<16xi32>
      %get3A_670 = arith.constant 30 : i32
      %get3A_671 = arith.index_cast %get3A_670 : i32 to index
      %get3A_672 = arith.index_cast %mul3A_10 : i32 to index
      %get3A_673 = tpu.vector_load %arg5[%get3A_671, %get3A_672] {strides = array<i32>} : memref<64x512xf32, #tpu.memory_space<vmem>>, vector<1x16xf32>,
      %get3A_674 = vector.shape_cast %get3A_673 : vector<1x16xf32> to vector<16xf32>
      %broadcast_in_dim3A_675 = arith.constant 30 : i32
      %broadcast_in_dim3A_676 = vector.broadcast %broadcast_in_dim3A_675 : i32 to vector<16xi32>
      %get3A_677 = arith.constant 31 : i32
      %get3A_678 = arith.index_cast %get3A_677 : i32 to index
      %get3A_679 = arith.index_cast %mul3A_10 : i32 to index
      %get3A_680 = tpu.vector_load %arg5[%get3A_678, %get3A_679] {strides = array<i32>} : memref<64x512xf32, #tpu.memory_space<vmem>>, vector<1x16xf32>,
      %get3A_681 = vector.shape_cast %get3A_680 : vector<1x16xf32> to vector<16xf32>
      %broadcast_in_dim3A_682 = arith.constant 31 : i32
      %broadcast_in_dim3A_683 = vector.broadcast %broadcast_in_dim3A_682 : i32 to vector<16xi32>
      %gt3A_684 = arith.cmpf ogt, %get3A_632, %get3A_639 : vector<16xf32>
      %select_n3A_685 = arith.select %gt3A_684, %get3A_632, %get3A_639 : vector<16xi1>, vector<16xf32>
      %select_n3A_686 = arith.select %gt3A_684, %get3A_639, %get3A_632 : vector<16xi1>, vector<16xf32>
      %select_n3A_687 = arith.select %gt3A_684, %broadcast_in_dim3A_634, %broadcast_in_dim3A_641 : vector<16xi1>, vector<16xi32>
      %select_n3A_688 = arith.select %gt3A_684, %broadcast_in_dim3A_641, %broadcast_in_dim3A_634 : vector<16xi1>, vector<16xi32>
      %gt3A_689 = arith.cmpf ogt, %get3A_646, %get3A_653 : vector<16xf32>
      %select_n3A_690 = arith.select %gt3A_689, %get3A_646, %get3A_653 : vector<16xi1>, vector<16xf32>
      %select_n3A_691 = arith.select %gt3A_689, %get3A_653, %get3A_646 : vector<16xi1>, vector<16xf32>
      %select_n3A_692 = arith.select %gt3A_689, %broadcast_in_dim3A_648, %broadcast_in_dim3A_655 : vector<16xi1>, vector<16xi32>
      %select_n3A_693 = arith.select %gt3A_689, %broadcast_in_dim3A_655, %broadcast_in_dim3A_648 : vector<16xi1>, vector<16xi32>
      %gt3A_694 = arith.cmpf ogt, %get3A_660, %get3A_667 : vector<16xf32>
      %select_n3A_695 = arith.select %gt3A_694, %get3A_660, %get3A_667 : vector<16xi1>, vector<16xf32>
      %select_n3A_696 = arith.select %gt3A_694, %get3A_667, %get3A_660 : vector<16xi1>, vector<16xf32>
      %select_n3A_697 = arith.select %gt3A_694, %broadcast_in_dim3A_662, %broadcast_in_dim3A_669 : vector<16xi1>, vector<16xi32>
      %select_n3A_698 = arith.select %gt3A_694, %broadcast_in_dim3A_669, %broadcast_in_dim3A_662 : vector<16xi1>, vector<16xi32>
      %gt3A_699 = arith.cmpf ogt, %get3A_674, %get3A_681 : vector<16xf32>
      %select_n3A_700 = arith.select %gt3A_699, %get3A_674, %get3A_681 : vector<16xi1>, vector<16xf32>
      %select_n3A_701 = arith.select %gt3A_699, %get3A_681, %get3A_674 : vector<16xi1>, vector<16xf32>
      %select_n3A_702 = arith.select %gt3A_699, %broadcast_in_dim3A_676, %broadcast_in_dim3A_683 : vector<16xi1>, vector<16xi32>
      %select_n3A_703 = arith.select %gt3A_699, %broadcast_in_dim3A_683, %broadcast_in_dim3A_676 : vector<16xi1>, vector<16xi32>
      %gt3A_704 = arith.cmpf ogt, %select_n3A_685, %select_n3A_690 : vector<16xf32>
      %select_n3A_705 = arith.select %gt3A_704, %select_n3A_685, %select_n3A_690 : vector<16xi1>, vector<16xf32>
      %select_n3A_706 = arith.select %gt3A_704, %select_n3A_690, %select_n3A_685 : vector<16xi1>, vector<16xf32>
      %select_n3A_707 = arith.select %gt3A_704, %select_n3A_687, %select_n3A_692 : vector<16xi1>, vector<16xi32>
      %select_n3A_708 = arith.select %gt3A_704, %select_n3A_692, %select_n3A_687 : vector<16xi1>, vector<16xi32>
      %gt3A_709 = arith.cmpf ogt, %select_n3A_686, %select_n3A_691 : vector<16xf32>
      %select_n3A_710 = arith.select %gt3A_709, %select_n3A_686, %select_n3A_691 : vector<16xi1>, vector<16xf32>
      %select_n3A_711 = arith.select %gt3A_709, %select_n3A_691, %select_n3A_686 : vector<16xi1>, vector<16xf32>
      %select_n3A_712 = arith.select %gt3A_709, %select_n3A_688, %select_n3A_693 : vector<16xi1>, vector<16xi32>
      %select_n3A_713 = arith.select %gt3A_709, %select_n3A_693, %select_n3A_688 : vector<16xi1>, vector<16xi32>
      %gt3A_714 = arith.cmpf ogt, %select_n3A_695, %select_n3A_700 : vector<16xf32>
      %select_n3A_715 = arith.select %gt3A_714, %select_n3A_695, %select_n3A_700 : vector<16xi1>, vector<16xf32>
      %select_n3A_716 = arith.select %gt3A_714, %select_n3A_700, %select_n3A_695 : vector<16xi1>, vector<16xf32>
      %select_n3A_717 = arith.select %gt3A_714, %select_n3A_697, %select_n3A_702 : vector<16xi1>, vector<16xi32>
      %select_n3A_718 = arith.select %gt3A_714, %select_n3A_702, %select_n3A_697 : vector<16xi1>, vector<16xi32>
      %gt3A_719 = arith.cmpf ogt, %select_n3A_696, %select_n3A_701 : vector<16xf32>
      %select_n3A_720 = arith.select %gt3A_719, %select_n3A_696, %select_n3A_701 : vector<16xi1>, vector<16xf32>
      %select_n3A_721 = arith.select %gt3A_719, %select_n3A_701, %select_n3A_696 : vector<16xi1>, vector<16xf32>
      %select_n3A_722 = arith.select %gt3A_719, %select_n3A_698, %select_n3A_703 : vector<16xi1>, vector<16xi32>
      %select_n3A_723 = arith.select %gt3A_719, %select_n3A_703, %select_n3A_698 : vector<16xi1>, vector<16xi32>
      %gt3A_724 = arith.cmpf ogt, %select_n3A_710, %select_n3A_706 : vector<16xf32>
      %select_n3A_725 = arith.select %gt3A_724, %select_n3A_710, %select_n3A_706 : vector<16xi1>, vector<16xf32>
      %select_n3A_726 = arith.select %gt3A_724, %select_n3A_706, %select_n3A_710 : vector<16xi1>, vector<16xf32>
      %select_n3A_727 = arith.select %gt3A_724, %select_n3A_712, %select_n3A_708 : vector<16xi1>, vector<16xi32>
      %select_n3A_728 = arith.select %gt3A_724, %select_n3A_708, %select_n3A_712 : vector<16xi1>, vector<16xi32>
      %gt3A_729 = arith.cmpf ogt, %select_n3A_720, %select_n3A_716 : vector<16xf32>
      %select_n3A_730 = arith.select %gt3A_729, %select_n3A_720, %select_n3A_716 : vector<16xi1>, vector<16xf32>
      %select_n3A_731 = arith.select %gt3A_729, %select_n3A_716, %select_n3A_720 : vector<16xi1>, vector<16xf32>
      %select_n3A_732 = arith.select %gt3A_729, %select_n3A_722, %select_n3A_718 : vector<16xi1>, vector<16xi32>
      %select_n3A_733 = arith.select %gt3A_729, %select_n3A_718, %select_n3A_722 : vector<16xi1>, vector<16xi32>
      %gt3A_734 = arith.cmpf ogt, %select_n3A_705, %select_n3A_715 : vector<16xf32>
      %select_n3A_735 = arith.select %gt3A_734, %select_n3A_705, %select_n3A_715 : vector<16xi1>, vector<16xf32>
      %select_n3A_736 = arith.select %gt3A_734, %select_n3A_715, %select_n3A_705 : vector<16xi1>, vector<16xf32>
      %select_n3A_737 = arith.select %gt3A_734, %select_n3A_707, %select_n3A_717 : vector<16xi1>, vector<16xi32>
      %select_n3A_738 = arith.select %gt3A_734, %select_n3A_717, %select_n3A_707 : vector<16xi1>, vector<16xi32>
      %gt3A_739 = arith.cmpf ogt, %select_n3A_711, %select_n3A_721 : vector<16xf32>
      %select_n3A_740 = arith.select %gt3A_739, %select_n3A_711, %select_n3A_721 : vector<16xi1>, vector<16xf32>
      %select_n3A_741 = arith.select %gt3A_739, %select_n3A_721, %select_n3A_711 : vector<16xi1>, vector<16xf32>
      %select_n3A_742 = arith.select %gt3A_739, %select_n3A_713, %select_n3A_723 : vector<16xi1>, vector<16xi32>
      %select_n3A_743 = arith.select %gt3A_739, %select_n3A_723, %select_n3A_713 : vector<16xi1>, vector<16xi32>
      %gt3A_744 = arith.cmpf ogt, %select_n3A_725, %select_n3A_730 : vector<16xf32>
      %select_n3A_745 = arith.select %gt3A_744, %select_n3A_725, %select_n3A_730 : vector<16xi1>, vector<16xf32>
      %select_n3A_746 = arith.select %gt3A_744, %select_n3A_730, %select_n3A_725 : vector<16xi1>, vector<16xf32>
      %select_n3A_747 = arith.select %gt3A_744, %select_n3A_727, %select_n3A_732 : vector<16xi1>, vector<16xi32>
      %select_n3A_748 = arith.select %gt3A_744, %select_n3A_732, %select_n3A_727 : vector<16xi1>, vector<16xi32>
      %gt3A_749 = arith.cmpf ogt, %select_n3A_726, %select_n3A_731 : vector<16xf32>
      %select_n3A_750 = arith.select %gt3A_749, %select_n3A_726, %select_n3A_731 : vector<16xi1>, vector<16xf32>
      %select_n3A_751 = arith.select %gt3A_749, %select_n3A_731, %select_n3A_726 : vector<16xi1>, vector<16xf32>
      %select_n3A_752 = arith.select %gt3A_749, %select_n3A_728, %select_n3A_733 : vector<16xi1>, vector<16xi32>
      %select_n3A_753 = arith.select %gt3A_749, %select_n3A_733, %select_n3A_728 : vector<16xi1>, vector<16xi32>
      %gt3A_754 = arith.cmpf ogt, %select_n3A_745, %select_n3A_736 : vector<16xf32>
      %select_n3A_755 = arith.select %gt3A_754, %select_n3A_745, %select_n3A_736 : vector<16xi1>, vector<16xf32>
      %select_n3A_756 = arith.select %gt3A_754, %select_n3A_736, %select_n3A_745 : vector<16xi1>, vector<16xf32>
      %select_n3A_757 = arith.select %gt3A_754, %select_n3A_747, %select_n3A_738 : vector<16xi1>, vector<16xi32>
      %select_n3A_758 = arith.select %gt3A_754, %select_n3A_738, %select_n3A_747 : vector<16xi1>, vector<16xi32>
      %gt3A_759 = arith.cmpf ogt, %select_n3A_740, %select_n3A_751 : vector<16xf32>
      %select_n3A_760 = arith.select %gt3A_759, %select_n3A_740, %select_n3A_751 : vector<16xi1>, vector<16xf32>
      %select_n3A_761 = arith.select %gt3A_759, %select_n3A_751, %select_n3A_740 : vector<16xi1>, vector<16xf32>
      %select_n3A_762 = arith.select %gt3A_759, %select_n3A_742, %select_n3A_753 : vector<16xi1>, vector<16xi32>
      %select_n3A_763 = arith.select %gt3A_759, %select_n3A_753, %select_n3A_742 : vector<16xi1>, vector<16xi32>
      %gt3A_764 = arith.cmpf ogt, %select_n3A_750, %select_n3A_756 : vector<16xf32>
      %select_n3A_765 = arith.select %gt3A_764, %select_n3A_750, %select_n3A_756 : vector<16xi1>, vector<16xf32>
      %select_n3A_766 = arith.select %gt3A_764, %select_n3A_756, %select_n3A_750 : vector<16xi1>, vector<16xf32>
      %select_n3A_767 = arith.select %gt3A_764, %select_n3A_752, %select_n3A_758 : vector<16xi1>, vector<16xi32>
      %select_n3A_768 = arith.select %gt3A_764, %select_n3A_758, %select_n3A_752 : vector<16xi1>, vector<16xi32>
      %gt3A_769 = arith.cmpf ogt, %select_n3A_760, %select_n3A_746 : vector<16xf32>
      %select_n3A_770 = arith.select %gt3A_769, %select_n3A_760, %select_n3A_746 : vector<16xi1>, vector<16xf32>
      %select_n3A_771 = arith.select %gt3A_769, %select_n3A_746, %select_n3A_760 : vector<16xi1>, vector<16xf32>
      %select_n3A_772 = arith.select %gt3A_769, %select_n3A_762, %select_n3A_748 : vector<16xi1>, vector<16xi32>
      %select_n3A_773 = arith.select %gt3A_769, %select_n3A_748, %select_n3A_762 : vector<16xi1>, vector<16xi32>
      %gt3A_774 = arith.cmpf ogt, %select_n3A_770, %select_n3A_766 : vector<16xf32>
      %select_n3A_775 = arith.select %gt3A_774, %select_n3A_770, %select_n3A_766 : vector<16xi1>, vector<16xf32>
      %select_n3A_776 = arith.select %gt3A_774, %select_n3A_766, %select_n3A_770 : vector<16xi1>, vector<16xf32>
      %select_n3A_777 = arith.select %gt3A_774, %select_n3A_772, %select_n3A_768 : vector<16xi1>, vector<16xi32>
      %select_n3A_778 = arith.select %gt3A_774, %select_n3A_768, %select_n3A_772 : vector<16xi1>, vector<16xi32>
      %gt3A_779 = arith.cmpf ogt, %select_n3A_609, %select_n3A_741 : vector<16xf32>
      %select_n3A_780 = arith.select %gt3A_779, %select_n3A_609, %select_n3A_741 : vector<16xi1>, vector<16xf32>
      %select_n3A_781 = arith.select %gt3A_779, %select_n3A_611, %select_n3A_743 : vector<16xi1>, vector<16xi32>
      %gt3A_782 = arith.cmpf ogt, %select_n3A_610, %select_n3A_761 : vector<16xf32>
      %select_n3A_783 = arith.select %gt3A_782, %select_n3A_610, %select_n3A_761 : vector<16xi1>, vector<16xf32>
      %select_n3A_784 = arith.select %gt3A_782, %select_n3A_612, %select_n3A_763 : vector<16xi1>, vector<16xi32>
      %gt3A_785 = arith.cmpf ogt, %select_n3A_614, %select_n3A_771 : vector<16xf32>
      %select_n3A_786 = arith.select %gt3A_785, %select_n3A_614, %select_n3A_771 : vector<16xi1>, vector<16xf32>
      %select_n3A_787 = arith.select %gt3A_785, %select_n3A_616, %select_n3A_773 : vector<16xi1>, vector<16xi32>
      %gt3A_788 = arith.cmpf ogt, %select_n3A_615, %select_n3A_776 : vector<16xf32>
      %select_n3A_789 = arith.select %gt3A_788, %select_n3A_615, %select_n3A_776 : vector<16xi1>, vector<16xf32>
      %select_n3A_790 = arith.select %gt3A_788, %select_n3A_617, %select_n3A_778 : vector<16xi1>, vector<16xi32>
      %gt3A_791 = arith.cmpf ogt, %select_n3A_619, %select_n3A_775 : vector<16xf32>
      %select_n3A_792 = arith.select %gt3A_791, %select_n3A_619, %select_n3A_775 : vector<16xi1>, vector<16xf32>
      %select_n3A_793 = arith.select %gt3A_791, %select_n3A_621, %select_n3A_777 : vector<16xi1>, vector<16xi32>
      %gt3A_794 = arith.cmpf ogt, %select_n3A_620, %select_n3A_765 : vector<16xf32>
      %select_n3A_795 = arith.select %gt3A_794, %select_n3A_620, %select_n3A_765 : vector<16xi1>, vector<16xf32>
      %select_n3A_796 = arith.select %gt3A_794, %select_n3A_622, %select_n3A_767 : vector<16xi1>, vector<16xi32>
      %gt3A_797 = arith.cmpf ogt, %select_n3A_624, %select_n3A_755 : vector<16xf32>
      %select_n3A_798 = arith.select %gt3A_797, %select_n3A_624, %select_n3A_755 : vector<16xi1>, vector<16xf32>
      %select_n3A_799 = arith.select %gt3A_797, %select_n3A_626, %select_n3A_757 : vector<16xi1>, vector<16xi32>
      %gt3A_800 = arith.cmpf ogt, %select_n3A_625, %select_n3A_735 : vector<16xf32>
      %select_n3A_801 = arith.select %gt3A_800, %select_n3A_625, %select_n3A_735 : vector<16xi1>, vector<16xf32>
      %select_n3A_802 = arith.select %gt3A_800, %select_n3A_627, %select_n3A_737 : vector<16xi1>, vector<16xi32>
      %gt3A_803 = arith.cmpf ogt, %select_n3A_780, %select_n3A_792 : vector<16xf32>
      %select_n3A_804 = arith.select %gt3A_803, %select_n3A_780, %select_n3A_792 : vector<16xi1>, vector<16xf32>
      %select_n3A_805 = arith.select %gt3A_803, %select_n3A_792, %select_n3A_780 : vector<16xi1>, vector<16xf32>
      %select_n3A_806 = arith.select %gt3A_803, %select_n3A_781, %select_n3A_793 : vector<16xi1>, vector<16xi32>
      %select_n3A_807 = arith.select %gt3A_803, %select_n3A_793, %select_n3A_781 : vector<16xi1>, vector<16xi32>
      %gt3A_808 = arith.cmpf ogt, %select_n3A_783, %select_n3A_795 : vector<16xf32>
      %select_n3A_809 = arith.select %gt3A_808, %select_n3A_783, %select_n3A_795 : vector<16xi1>, vector<16xf32>
      %select_n3A_810 = arith.select %gt3A_808, %select_n3A_795, %select_n3A_783 : vector<16xi1>, vector<16xf32>
      %select_n3A_811 = arith.select %gt3A_808, %select_n3A_784, %select_n3A_796 : vector<16xi1>, vector<16xi32>
      %select_n3A_812 = arith.select %gt3A_808, %select_n3A_796, %select_n3A_784 : vector<16xi1>, vector<16xi32>
      %gt3A_813 = arith.cmpf ogt, %select_n3A_786, %select_n3A_798 : vector<16xf32>
      %select_n3A_814 = arith.select %gt3A_813, %select_n3A_786, %select_n3A_798 : vector<16xi1>, vector<16xf32>
      %select_n3A_815 = arith.select %gt3A_813, %select_n3A_798, %select_n3A_786 : vector<16xi1>, vector<16xf32>
      %select_n3A_816 = arith.select %gt3A_813, %select_n3A_787, %select_n3A_799 : vector<16xi1>, vector<16xi32>
      %select_n3A_817 = arith.select %gt3A_813, %select_n3A_799, %select_n3A_787 : vector<16xi1>, vector<16xi32>
      %gt3A_818 = arith.cmpf ogt, %select_n3A_789, %select_n3A_801 : vector<16xf32>
      %select_n3A_819 = arith.select %gt3A_818, %select_n3A_789, %select_n3A_801 : vector<16xi1>, vector<16xf32>
      %select_n3A_820 = arith.select %gt3A_818, %select_n3A_801, %select_n3A_789 : vector<16xi1>, vector<16xf32>
      %select_n3A_821 = arith.select %gt3A_818, %select_n3A_790, %select_n3A_802 : vector<16xi1>, vector<16xi32>
      %select_n3A_822 = arith.select %gt3A_818, %select_n3A_802, %select_n3A_790 : vector<16xi1>, vector<16xi32>
      %gt3A_823 = arith.cmpf ogt, %select_n3A_804, %select_n3A_814 : vector<16xf32>
      %select_n3A_824 = arith.select %gt3A_823, %select_n3A_804, %select_n3A_814 : vector<16xi1>, vector<16xf32>
      %select_n3A_825 = arith.select %gt3A_823, %select_n3A_814, %select_n3A_804 : vector<16xi1>, vector<16xf32>
      %select_n3A_826 = arith.select %gt3A_823, %select_n3A_806, %select_n3A_816 : vector<16xi1>, vector<16xi32>
      %select_n3A_827 = arith.select %gt3A_823, %select_n3A_816, %select_n3A_806 : vector<16xi1>, vector<16xi32>
      %gt3A_828 = arith.cmpf ogt, %select_n3A_809, %select_n3A_819 : vector<16xf32>
      %select_n3A_829 = arith.select %gt3A_828, %select_n3A_809, %select_n3A_819 : vector<16xi1>, vector<16xf32>
      %select_n3A_830 = arith.select %gt3A_828, %select_n3A_819, %select_n3A_809 : vector<16xi1>, vector<16xf32>
      %select_n3A_831 = arith.select %gt3A_828, %select_n3A_811, %select_n3A_821 : vector<16xi1>, vector<16xi32>
      %select_n3A_832 = arith.select %gt3A_828, %select_n3A_821, %select_n3A_811 : vector<16xi1>, vector<16xi32>
      %gt3A_833 = arith.cmpf ogt, %select_n3A_805, %select_n3A_815 : vector<16xf32>
      %select_n3A_834 = arith.select %gt3A_833, %select_n3A_805, %select_n3A_815 : vector<16xi1>, vector<16xf32>
      %select_n3A_835 = arith.select %gt3A_833, %select_n3A_815, %select_n3A_805 : vector<16xi1>, vector<16xf32>
      %select_n3A_836 = arith.select %gt3A_833, %select_n3A_807, %select_n3A_817 : vector<16xi1>, vector<16xi32>
      %select_n3A_837 = arith.select %gt3A_833, %select_n3A_817, %select_n3A_807 : vector<16xi1>, vector<16xi32>
      %gt3A_838 = arith.cmpf ogt, %select_n3A_810, %select_n3A_820 : vector<16xf32>
      %select_n3A_839 = arith.select %gt3A_838, %select_n3A_810, %select_n3A_820 : vector<16xi1>, vector<16xf32>
      %select_n3A_840 = arith.select %gt3A_838, %select_n3A_820, %select_n3A_810 : vector<16xi1>, vector<16xf32>
      %select_n3A_841 = arith.select %gt3A_838, %select_n3A_812, %select_n3A_822 : vector<16xi1>, vector<16xi32>
      %select_n3A_842 = arith.select %gt3A_838, %select_n3A_822, %select_n3A_812 : vector<16xi1>, vector<16xi32>
      %gt3A_843 = arith.cmpf ogt, %select_n3A_824, %select_n3A_829 : vector<16xf32>
      %select_n3A_844 = arith.select %gt3A_843, %select_n3A_824, %select_n3A_829 : vector<16xi1>, vector<16xf32>
      %select_n3A_845 = arith.select %gt3A_843, %select_n3A_829, %select_n3A_824 : vector<16xi1>, vector<16xf32>
      %select_n3A_846 = arith.select %gt3A_843, %select_n3A_826, %select_n3A_831 : vector<16xi1>, vector<16xi32>
      %select_n3A_847 = arith.select %gt3A_843, %select_n3A_831, %select_n3A_826 : vector<16xi1>, vector<16xi32>
      %gt3A_848 = arith.cmpf ogt, %select_n3A_825, %select_n3A_830 : vector<16xf32>
      %select_n3A_849 = arith.select %gt3A_848, %select_n3A_825, %select_n3A_830 : vector<16xi1>, vector<16xf32>
      %select_n3A_850 = arith.select %gt3A_848, %select_n3A_830, %select_n3A_825 : vector<16xi1>, vector<16xf32>
      %select_n3A_851 = arith.select %gt3A_848, %select_n3A_827, %select_n3A_832 : vector<16xi1>, vector<16xi32>
      %select_n3A_852 = arith.select %gt3A_848, %select_n3A_832, %select_n3A_827 : vector<16xi1>, vector<16xi32>
      %gt3A_853 = arith.cmpf ogt, %select_n3A_834, %select_n3A_839 : vector<16xf32>
      %select_n3A_854 = arith.select %gt3A_853, %select_n3A_834, %select_n3A_839 : vector<16xi1>, vector<16xf32>
      %select_n3A_855 = arith.select %gt3A_853, %select_n3A_839, %select_n3A_834 : vector<16xi1>, vector<16xf32>
      %select_n3A_856 = arith.select %gt3A_853, %select_n3A_836, %select_n3A_841 : vector<16xi1>, vector<16xi32>
      %select_n3A_857 = arith.select %gt3A_853, %select_n3A_841, %select_n3A_836 : vector<16xi1>, vector<16xi32>
      %gt3A_858 = arith.cmpf ogt, %select_n3A_835, %select_n3A_840 : vector<16xf32>
      %select_n3A_859 = arith.select %gt3A_858, %select_n3A_835, %select_n3A_840 : vector<16xi1>, vector<16xf32>
      %select_n3A_860 = arith.select %gt3A_858, %select_n3A_840, %select_n3A_835 : vector<16xi1>, vector<16xf32>
      %select_n3A_861 = arith.select %gt3A_858, %select_n3A_837, %select_n3A_842 : vector<16xi1>, vector<16xi32>
      %select_n3A_862 = arith.select %gt3A_858, %select_n3A_842, %select_n3A_837 : vector<16xi1>, vector<16xi32>
      %get3A_863 = arith.constant 32 : i32
      %get3A_864 = arith.index_cast %get3A_863 : i32 to index
      %get3A_865 = arith.index_cast %mul3A_10 : i32 to index
      %get3A_866 = tpu.vector_load %arg5[%get3A_864, %get3A_865] {strides = array<i32>} : memref<64x512xf32, #tpu.memory_space<vmem>>, vector<1x16xf32>,
      %get3A_867 = vector.shape_cast %get3A_866 : vector<1x16xf32> to vector<16xf32>
      %broadcast_in_dim3A_868 = arith.constant 32 : i32
      %broadcast_in_dim3A_869 = vector.broadcast %broadcast_in_dim3A_868 : i32 to vector<16xi32>
      %get3A_870 = arith.constant 33 : i32
      %get3A_871 = arith.index_cast %get3A_870 : i32 to index
      %get3A_872 = arith.index_cast %mul3A_10 : i32 to index
      %get3A_873 = tpu.vector_load %arg5[%get3A_871, %get3A_872] {strides = array<i32>} : memref<64x512xf32, #tpu.memory_space<vmem>>, vector<1x16xf32>,
      %get3A_874 = vector.shape_cast %get3A_873 : vector<1x16xf32> to vector<16xf32>
      %broadcast_in_dim3A_875 = arith.constant 33 : i32
      %broadcast_in_dim3A_876 = vector.broadcast %broadcast_in_dim3A_875 : i32 to vector<16xi32>
      %get3A_877 = arith.constant 34 : i32
      %get3A_878 = arith.index_cast %get3A_877 : i32 to index
      %get3A_879 = arith.index_cast %mul3A_10 : i32 to index
      %get3A_880 = tpu.vector_load %arg5[%get3A_878, %get3A_879] {strides = array<i32>} : memref<64x512xf32, #tpu.memory_space<vmem>>, vector<1x16xf32>,
      %get3A_881 = vector.shape_cast %get3A_880 : vector<1x16xf32> to vector<16xf32>
      %broadcast_in_dim3A_882 = arith.constant 34 : i32
      %broadcast_in_dim3A_883 = vector.broadcast %broadcast_in_dim3A_882 : i32 to vector<16xi32>
      %get3A_884 = arith.constant 35 : i32
      %get3A_885 = arith.index_cast %get3A_884 : i32 to index
      %get3A_886 = arith.index_cast %mul3A_10 : i32 to index
      %get3A_887 = tpu.vector_load %arg5[%get3A_885, %get3A_886] {strides = array<i32>} : memref<64x512xf32, #tpu.memory_space<vmem>>, vector<1x16xf32>,
      %get3A_888 = vector.shape_cast %get3A_887 : vector<1x16xf32> to vector<16xf32>
      %broadcast_in_dim3A_889 = arith.constant 35 : i32
      %broadcast_in_dim3A_890 = vector.broadcast %broadcast_in_dim3A_889 : i32 to vector<16xi32>
      %get3A_891 = arith.constant 36 : i32
      %get3A_892 = arith.index_cast %get3A_891 : i32 to index
      %get3A_893 = arith.index_cast %mul3A_10 : i32 to index
      %get3A_894 = tpu.vector_load %arg5[%get3A_892, %get3A_893] {strides = array<i32>} : memref<64x512xf32, #tpu.memory_space<vmem>>, vector<1x16xf32>,
      %get3A_895 = vector.shape_cast %get3A_894 : vector<1x16xf32> to vector<16xf32>
      %broadcast_in_dim3A_896 = arith.constant 36 : i32
      %broadcast_in_dim3A_897 = vector.broadcast %broadcast_in_dim3A_896 : i32 to vector<16xi32>
      %get3A_898 = arith.constant 37 : i32
      %get3A_899 = arith.index_cast %get3A_898 : i32 to index
      %get3A_900 = arith.index_cast %mul3A_10 : i32 to index
      %get3A_901 = tpu.vector_load %arg5[%get3A_899, %get3A_900] {strides = array<i32>} : memref<64x512xf32, #tpu.memory_space<vmem>>, vector<1x16xf32>,
      %get3A_902 = vector.shape_cast %get3A_901 : vector<1x16xf32> to vector<16xf32>
      %broadcast_in_dim3A_903 = arith.constant 37 : i32
      %broadcast_in_dim3A_904 = vector.broadcast %broadcast_in_dim3A_903 : i32 to vector<16xi32>
      %get3A_905 = arith.constant 38 : i32
      %get3A_906 = arith.index_cast %get3A_905 : i32 to index
      %get3A_907 = arith.index_cast %mul3A_10 : i32 to index
      %get3A_908 = tpu.vector_load %arg5[%get3A_906, %get3A_907] {strides = array<i32>} : memref<64x512xf32, #tpu.memory_space<vmem>>, vector<1x16xf32>,
      %get3A_909 = vector.shape_cast %get3A_908 : vector<1x16xf32> to vector<16xf32>
      %broadcast_in_dim3A_910 = arith.constant 38 : i32
      %broadcast_in_dim3A_911 = vector.broadcast %broadcast_in_dim3A_910 : i32 to vector<16xi32>
      %get3A_912 = arith.constant 39 : i32
      %get3A_913 = arith.index_cast %get3A_912 : i32 to index
      %get3A_914 = arith.index_cast %mul3A_10 : i32 to index
      %get3A_915 = tpu.vector_load %arg5[%get3A_913, %get3A_914] {strides = array<i32>} : memref<64x512xf32, #tpu.memory_space<vmem>>, vector<1x16xf32>,
      %get3A_916 = vector.shape_cast %get3A_915 : vector<1x16xf32> to vector<16xf32>
      %broadcast_in_dim3A_917 = arith.constant 39 : i32
      %broadcast_in_dim3A_918 = vector.broadcast %broadcast_in_dim3A_917 : i32 to vector<16xi32>
      %gt3A_919 = arith.cmpf ogt, %get3A_867, %get3A_874 : vector<16xf32>
      %select_n3A_920 = arith.select %gt3A_919, %get3A_867, %get3A_874 : vector<16xi1>, vector<16xf32>
      %select_n3A_921 = arith.select %gt3A_919, %get3A_874, %get3A_867 : vector<16xi1>, vector<16xf32>
      %select_n3A_922 = arith.select %gt3A_919, %broadcast_in_dim3A_869, %broadcast_in_dim3A_876 : vector<16xi1>, vector<16xi32>
      %select_n3A_923 = arith.select %gt3A_919, %broadcast_in_dim3A_876, %broadcast_in_dim3A_869 : vector<16xi1>, vector<16xi32>
      %gt3A_924 = arith.cmpf ogt, %get3A_881, %get3A_888 : vector<16xf32>
      %select_n3A_925 = arith.select %gt3A_924, %get3A_881, %get3A_888 : vector<16xi1>, vector<16xf32>
      %select_n3A_926 = arith.select %gt3A_924, %get3A_888, %get3A_881 : vector<16xi1>, vector<16xf32>
      %select_n3A_927 = arith.select %gt3A_924, %broadcast_in_dim3A_883, %broadcast_in_dim3A_890 : vector<16xi1>, vector<16xi32>
      %select_n3A_928 = arith.select %gt3A_924, %broadcast_in_dim3A_890, %broadcast_in_dim3A_883 : vector<16xi1>, vector<16xi32>
      %gt3A_929 = arith.cmpf ogt, %get3A_895, %get3A_902 : vector<16xf32>
      %select_n3A_930 = arith.select %gt3A_929, %get3A_895, %get3A_902 : vector<16xi1>, vector<16xf32>
      %select_n3A_931 = arith.select %gt3A_929, %get3A_902, %get3A_895 : vector<16xi1>, vector<16xf32>
      %select_n3A_932 = arith.select %gt3A_929, %broadcast_in_dim3A_897, %broadcast_in_dim3A_904 : vector<16xi1>, vector<16xi32>
      %select_n3A_933 = arith.select %gt3A_929, %broadcast_in_dim3A_904, %broadcast_in_dim3A_897 : vector<16xi1>, vector<16xi32>
      %gt3A_934 = arith.cmpf ogt, %get3A_909, %get3A_916 : vector<16xf32>
      %select_n3A_935 = arith.select %gt3A_934, %get3A_909, %get3A_916 : vector<16xi1>, vector<16xf32>
      %select_n3A_936 = arith.select %gt3A_934, %get3A_916, %get3A_909 : vector<16xi1>, vector<16xf32>
      %select_n3A_937 = arith.select %gt3A_934, %broadcast_in_dim3A_911, %broadcast_in_dim3A_918 : vector<16xi1>, vector<16xi32>
      %select_n3A_938 = arith.select %gt3A_934, %broadcast_in_dim3A_918, %broadcast_in_dim3A_911 : vector<16xi1>, vector<16xi32>
      %gt3A_939 = arith.cmpf ogt, %select_n3A_920, %select_n3A_925 : vector<16xf32>
      %select_n3A_940 = arith.select %gt3A_939, %select_n3A_920, %select_n3A_925 : vector<16xi1>, vector<16xf32>
      %select_n3A_941 = arith.select %gt3A_939, %select_n3A_925, %select_n3A_920 : vector<16xi1>, vector<16xf32>
      %select_n3A_942 = arith.select %gt3A_939, %select_n3A_922, %select_n3A_927 : vector<16xi1>, vector<16xi32>
      %select_n3A_943 = arith.select %gt3A_939, %select_n3A_927, %select_n3A_922 : vector<16xi1>, vector<16xi32>
      %gt3A_944 = arith.cmpf ogt, %select_n3A_921, %select_n3A_926 : vector<16xf32>
      %select_n3A_945 = arith.select %gt3A_944, %select_n3A_921, %select_n3A_926 : vector<16xi1>, vector<16xf32>
      %select_n3A_946 = arith.select %gt3A_944, %select_n3A_926, %select_n3A_921 : vector<16xi1>, vector<16xf32>
      %select_n3A_947 = arith.select %gt3A_944, %select_n3A_923, %select_n3A_928 : vector<16xi1>, vector<16xi32>
      %select_n3A_948 = arith.select %gt3A_944, %select_n3A_928, %select_n3A_923 : vector<16xi1>, vector<16xi32>
      %gt3A_949 = arith.cmpf ogt, %select_n3A_930, %select_n3A_935 : vector<16xf32>
      %select_n3A_950 = arith.select %gt3A_949, %select_n3A_930, %select_n3A_935 : vector<16xi1>, vector<16xf32>
      %select_n3A_951 = arith.select %gt3A_949, %select_n3A_935, %select_n3A_930 : vector<16xi1>, vector<16xf32>
      %select_n3A_952 = arith.select %gt3A_949, %select_n3A_932, %select_n3A_937 : vector<16xi1>, vector<16xi32>
      %select_n3A_953 = arith.select %gt3A_949, %select_n3A_937, %select_n3A_932 : vector<16xi1>, vector<16xi32>
      %gt3A_954 = arith.cmpf ogt, %select_n3A_931, %select_n3A_936 : vector<16xf32>
      %select_n3A_955 = arith.select %gt3A_954, %select_n3A_931, %select_n3A_936 : vector<16xi1>, vector<16xf32>
      %select_n3A_956 = arith.select %gt3A_954, %select_n3A_936, %select_n3A_931 : vector<16xi1>, vector<16xf32>
      %select_n3A_957 = arith.select %gt3A_954, %select_n3A_933, %select_n3A_938 : vector<16xi1>, vector<16xi32>
      %select_n3A_958 = arith.select %gt3A_954, %select_n3A_938, %select_n3A_933 : vector<16xi1>, vector<16xi32>
      %gt3A_959 = arith.cmpf ogt, %select_n3A_945, %select_n3A_941 : vector<16xf32>
      %select_n3A_960 = arith.select %gt3A_959, %select_n3A_945, %select_n3A_941 : vector<16xi1>, vector<16xf32>
      %select_n3A_961 = arith.select %gt3A_959, %select_n3A_941, %select_n3A_945 : vector<16xi1>, vector<16xf32>
      %select_n3A_962 = arith.select %gt3A_959, %select_n3A_947, %select_n3A_943 : vector<16xi1>, vector<16xi32>
      %select_n3A_963 = arith.select %gt3A_959, %select_n3A_943, %select_n3A_947 : vector<16xi1>, vector<16xi32>
      %gt3A_964 = arith.cmpf ogt, %select_n3A_955, %select_n3A_951 : vector<16xf32>
      %select_n3A_965 = arith.select %gt3A_964, %select_n3A_955, %select_n3A_951 : vector<16xi1>, vector<16xf32>
      %select_n3A_966 = arith.select %gt3A_964, %select_n3A_951, %select_n3A_955 : vector<16xi1>, vector<16xf32>
      %select_n3A_967 = arith.select %gt3A_964, %select_n3A_957, %select_n3A_953 : vector<16xi1>, vector<16xi32>
      %select_n3A_968 = arith.select %gt3A_964, %select_n3A_953, %select_n3A_957 : vector<16xi1>, vector<16xi32>
      %gt3A_969 = arith.cmpf ogt, %select_n3A_940, %select_n3A_950 : vector<16xf32>
      %select_n3A_970 = arith.select %gt3A_969, %select_n3A_940, %select_n3A_950 : vector<16xi1>, vector<16xf32>
      %select_n3A_971 = arith.select %gt3A_969, %select_n3A_950, %select_n3A_940 : vector<16xi1>, vector<16xf32>
      %select_n3A_972 = arith.select %gt3A_969, %select_n3A_942, %select_n3A_952 : vector<16xi1>, vector<16xi32>
      %select_n3A_973 = arith.select %gt3A_969, %select_n3A_952, %select_n3A_942 : vector<16xi1>, vector<16xi32>
      %gt3A_974 = arith.cmpf ogt, %select_n3A_946, %select_n3A_956 : vector<16xf32>
      %select_n3A_975 = arith.select %gt3A_974, %select_n3A_946, %select_n3A_956 : vector<16xi1>, vector<16xf32>
      %select_n3A_976 = arith.select %gt3A_974, %select_n3A_956, %select_n3A_946 : vector<16xi1>, vector<16xf32>
      %select_n3A_977 = arith.select %gt3A_974, %select_n3A_948, %select_n3A_958 : vector<16xi1>, vector<16xi32>
      %select_n3A_978 = arith.select %gt3A_974, %select_n3A_958, %select_n3A_948 : vector<16xi1>, vector<16xi32>
      %gt3A_979 = arith.cmpf ogt, %select_n3A_960, %select_n3A_965 : vector<16xf32>
      %select_n3A_980 = arith.select %gt3A_979, %select_n3A_960, %select_n3A_965 : vector<16xi1>, vector<16xf32>
      %select_n3A_981 = arith.select %gt3A_979, %select_n3A_965, %select_n3A_960 : vector<16xi1>, vector<16xf32>
      %select_n3A_982 = arith.select %gt3A_979, %select_n3A_962, %select_n3A_967 : vector<16xi1>, vector<16xi32>
      %select_n3A_983 = arith.select %gt3A_979, %select_n3A_967, %select_n3A_962 : vector<16xi1>, vector<16xi32>
      %gt3A_984 = arith.cmpf ogt, %select_n3A_961, %select_n3A_966 : vector<16xf32>
      %select_n3A_985 = arith.select %gt3A_984, %select_n3A_961, %select_n3A_966 : vector<16xi1>, vector<16xf32>
      %select_n3A_986 = arith.select %gt3A_984, %select_n3A_966, %select_n3A_961 : vector<16xi1>, vector<16xf32>
      %select_n3A_987 = arith.select %gt3A_984, %select_n3A_963, %select_n3A_968 : vector<16xi1>, vector<16xi32>
      %select_n3A_988 = arith.select %gt3A_984, %select_n3A_968, %select_n3A_963 : vector<16xi1>, vector<16xi32>
      %gt3A_989 = arith.cmpf ogt, %select_n3A_980, %select_n3A_971 : vector<16xf32>
      %select_n3A_990 = arith.select %gt3A_989, %select_n3A_980, %select_n3A_971 : vector<16xi1>, vector<16xf32>
      %select_n3A_991 = arith.select %gt3A_989, %select_n3A_971, %select_n3A_980 : vector<16xi1>, vector<16xf32>
      %select_n3A_992 = arith.select %gt3A_989, %select_n3A_982, %select_n3A_973 : vector<16xi1>, vector<16xi32>
      %select_n3A_993 = arith.select %gt3A_989, %select_n3A_973, %select_n3A_982 : vector<16xi1>, vector<16xi32>
      %gt3A_994 = arith.cmpf ogt, %select_n3A_975, %select_n3A_986 : vector<16xf32>
      %select_n3A_995 = arith.select %gt3A_994, %select_n3A_975, %select_n3A_986 : vector<16xi1>, vector<16xf32>
      %select_n3A_996 = arith.select %gt3A_994, %select_n3A_986, %select_n3A_975 : vector<16xi1>, vector<16xf32>
      %select_n3A_997 = arith.select %gt3A_994, %select_n3A_977, %select_n3A_988 : vector<16xi1>, vector<16xi32>
      %select_n3A_998 = arith.select %gt3A_994, %select_n3A_988, %select_n3A_977 : vector<16xi1>, vector<16xi32>
      %gt3A_999 = arith.cmpf ogt, %select_n3A_985, %select_n3A_991 : vector<16xf32>
      %select_n3A_1000 = arith.select %gt3A_999, %select_n3A_985, %select_n3A_991 : vector<16xi1>, vector<16xf32>
      %select_n3A_1001 = arith.select %gt3A_999, %select_n3A_991, %select_n3A_985 : vector<16xi1>, vector<16xf32>
      %select_n3A_1002 = arith.select %gt3A_999, %select_n3A_987, %select_n3A_993 : vector<16xi1>, vector<16xi32>
      %select_n3A_1003 = arith.select %gt3A_999, %select_n3A_993, %select_n3A_987 : vector<16xi1>, vector<16xi32>
      %gt3A_1004 = arith.cmpf ogt, %select_n3A_995, %select_n3A_981 : vector<16xf32>
      %select_n3A_1005 = arith.select %gt3A_1004, %select_n3A_995, %select_n3A_981 : vector<16xi1>, vector<16xf32>
      %select_n3A_1006 = arith.select %gt3A_1004, %select_n3A_981, %select_n3A_995 : vector<16xi1>, vector<16xf32>
      %select_n3A_1007 = arith.select %gt3A_1004, %select_n3A_997, %select_n3A_983 : vector<16xi1>, vector<16xi32>
      %select_n3A_1008 = arith.select %gt3A_1004, %select_n3A_983, %select_n3A_997 : vector<16xi1>, vector<16xi32>
      %gt3A_1009 = arith.cmpf ogt, %select_n3A_1005, %select_n3A_1001 : vector<16xf32>
      %select_n3A_1010 = arith.select %gt3A_1009, %select_n3A_1005, %select_n3A_1001 : vector<16xi1>, vector<16xf32>
      %select_n3A_1011 = arith.select %gt3A_1009, %select_n3A_1001, %select_n3A_1005 : vector<16xi1>, vector<16xf32>
      %select_n3A_1012 = arith.select %gt3A_1009, %select_n3A_1007, %select_n3A_1003 : vector<16xi1>, vector<16xi32>
      %select_n3A_1013 = arith.select %gt3A_1009, %select_n3A_1003, %select_n3A_1007 : vector<16xi1>, vector<16xi32>
      %gt3A_1014 = arith.cmpf ogt, %select_n3A_844, %select_n3A_976 : vector<16xf32>
      %select_n3A_1015 = arith.select %gt3A_1014, %select_n3A_844, %select_n3A_976 : vector<16xi1>, vector<16xf32>
      %select_n3A_1016 = arith.select %gt3A_1014, %select_n3A_846, %select_n3A_978 : vector<16xi1>, vector<16xi32>
      %gt3A_1017 = arith.cmpf ogt, %select_n3A_845, %select_n3A_996 : vector<16xf32>
      %select_n3A_1018 = arith.select %gt3A_1017, %select_n3A_845, %select_n3A_996 : vector<16xi1>, vector<16xf32>
      %select_n3A_1019 = arith.select %gt3A_1017, %select_n3A_847, %select_n3A_998 : vector<16xi1>, vector<16xi32>
      %gt3A_1020 = arith.cmpf ogt, %select_n3A_849, %select_n3A_1006 : vector<16xf32>
      %select_n3A_1021 = arith.select %gt3A_1020, %select_n3A_849, %select_n3A_1006 : vector<16xi1>, vector<16xf32>
      %select_n3A_1022 = arith.select %gt3A_1020, %select_n3A_851, %select_n3A_1008 : vector<16xi1>, vector<16xi32>
      %gt3A_1023 = arith.cmpf ogt, %select_n3A_850, %select_n3A_1011 : vector<16xf32>
      %select_n3A_1024 = arith.select %gt3A_1023, %select_n3A_850, %select_n3A_1011 : vector<16xi1>, vector<16xf32>
      %select_n3A_1025 = arith.select %gt3A_1023, %select_n3A_852, %select_n3A_1013 : vector<16xi1>, vector<16xi32>
      %gt3A_1026 = arith.cmpf ogt, %select_n3A_854, %select_n3A_1010 : vector<16xf32>
      %select_n3A_1027 = arith.select %gt3A_1026, %select_n3A_854, %select_n3A_1010 : vector<16xi1>, vector<16xf32>
      %select_n3A_1028 = arith.select %gt3A_1026, %select_n3A_856, %select_n3A_1012 : vector<16xi1>, vector<16xi32>
      %gt3A_1029 = arith.cmpf ogt, %select_n3A_855, %select_n3A_1000 : vector<16xf32>
      %select_n3A_1030 = arith.select %gt3A_1029, %select_n3A_855, %select_n3A_1000 : vector<16xi1>, vector<16xf32>
      %select_n3A_1031 = arith.select %gt3A_1029, %select_n3A_857, %select_n3A_1002 : vector<16xi1>, vector<16xi32>
      %gt3A_1032 = arith.cmpf ogt, %select_n3A_859, %select_n3A_990 : vector<16xf32>
      %select_n3A_1033 = arith.select %gt3A_1032, %select_n3A_859, %select_n3A_990 : vector<16xi1>, vector<16xf32>
      %select_n3A_1034 = arith.select %gt3A_1032, %select_n3A_861, %select_n3A_992 : vector<16xi1>, vector<16xi32>
      %gt3A_1035 = arith.cmpf ogt, %select_n3A_860, %select_n3A_970 : vector<16xf32>
      %select_n3A_1036 = arith.select %gt3A_1035, %select_n3A_860, %select_n3A_970 : vector<16xi1>, vector<16xf32>
      %select_n3A_1037 = arith.select %gt3A_1035, %select_n3A_862, %select_n3A_972 : vector<16xi1>, vector<16xi32>
      %gt3A_1038 = arith.cmpf ogt, %select_n3A_1015, %select_n3A_1027 : vector<16xf32>
      %select_n3A_1039 = arith.select %gt3A_1038, %select_n3A_1015, %select_n3A_1027 : vector<16xi1>, vector<16xf32>
      %select_n3A_1040 = arith.select %gt3A_1038, %select_n3A_1027, %select_n3A_1015 : vector<16xi1>, vector<16xf32>
      %select_n3A_1041 = arith.select %gt3A_1038, %select_n3A_1016, %select_n3A_1028 : vector<16xi1>, vector<16xi32>
      %select_n3A_1042 = arith.select %gt3A_1038, %select_n3A_1028, %select_n3A_1016 : vector<16xi1>, vector<16xi32>
      %gt3A_1043 = arith.cmpf ogt, %select_n3A_1018, %select_n3A_1030 : vector<16xf32>
      %select_n3A_1044 = arith.select %gt3A_1043, %select_n3A_1018, %select_n3A_1030 : vector<16xi1>, vector<16xf32>
      %select_n3A_1045 = arith.select %gt3A_1043, %select_n3A_1030, %select_n3A_1018 : vector<16xi1>, vector<16xf32>
      %select_n3A_1046 = arith.select %gt3A_1043, %select_n3A_1019, %select_n3A_1031 : vector<16xi1>, vector<16xi32>
      %select_n3A_1047 = arith.select %gt3A_1043, %select_n3A_1031, %select_n3A_1019 : vector<16xi1>, vector<16xi32>
      %gt3A_1048 = arith.cmpf ogt, %select_n3A_1021, %select_n3A_1033 : vector<16xf32>
      %select_n3A_1049 = arith.select %gt3A_1048, %select_n3A_1021, %select_n3A_1033 : vector<16xi1>, vector<16xf32>
      %select_n3A_1050 = arith.select %gt3A_1048, %select_n3A_1033, %select_n3A_1021 : vector<16xi1>, vector<16xf32>
      %select_n3A_1051 = arith.select %gt3A_1048, %select_n3A_1022, %select_n3A_1034 : vector<16xi1>, vector<16xi32>
      %select_n3A_1052 = arith.select %gt3A_1048, %select_n3A_1034, %select_n3A_1022 : vector<16xi1>, vector<16xi32>
      %gt3A_1053 = arith.cmpf ogt, %select_n3A_1024, %select_n3A_1036 : vector<16xf32>
      %select_n3A_1054 = arith.select %gt3A_1053, %select_n3A_1024, %select_n3A_1036 : vector<16xi1>, vector<16xf32>
      %select_n3A_1055 = arith.select %gt3A_1053, %select_n3A_1036, %select_n3A_1024 : vector<16xi1>, vector<16xf32>
      %select_n3A_1056 = arith.select %gt3A_1053, %select_n3A_1025, %select_n3A_1037 : vector<16xi1>, vector<16xi32>
      %select_n3A_1057 = arith.select %gt3A_1053, %select_n3A_1037, %select_n3A_1025 : vector<16xi1>, vector<16xi32>
      %gt3A_1058 = arith.cmpf ogt, %select_n3A_1039, %select_n3A_1049 : vector<16xf32>
      %select_n3A_1059 = arith.select %gt3A_1058, %select_n3A_1039, %select_n3A_1049 : vector<16xi1>, vector<16xf32>
      %select_n3A_1060 = arith.select %gt3A_1058, %select_n3A_1049, %select_n3A_1039 : vector<16xi1>, vector<16xf32>
      %select_n3A_1061 = arith.select %gt3A_1058, %select_n3A_1041, %select_n3A_1051 : vector<16xi1>, vector<16xi32>
      %select_n3A_1062 = arith.select %gt3A_1058, %select_n3A_1051, %select_n3A_1041 : vector<16xi1>, vector<16xi32>
      %gt3A_1063 = arith.cmpf ogt, %select_n3A_1044, %select_n3A_1054 : vector<16xf32>
      %select_n3A_1064 = arith.select %gt3A_1063, %select_n3A_1044, %select_n3A_1054 : vector<16xi1>, vector<16xf32>
      %select_n3A_1065 = arith.select %gt3A_1063, %select_n3A_1054, %select_n3A_1044 : vector<16xi1>, vector<16xf32>
      %select_n3A_1066 = arith.select %gt3A_1063, %select_n3A_1046, %select_n3A_1056 : vector<16xi1>, vector<16xi32>
      %select_n3A_1067 = arith.select %gt3A_1063, %select_n3A_1056, %select_n3A_1046 : vector<16xi1>, vector<16xi32>
      %gt3A_1068 = arith.cmpf ogt, %select_n3A_1040, %select_n3A_1050 : vector<16xf32>
      %select_n3A_1069 = arith.select %gt3A_1068, %select_n3A_1040, %select_n3A_1050 : vector<16xi1>, vector<16xf32>
      %select_n3A_1070 = arith.select %gt3A_1068, %select_n3A_1050, %select_n3A_1040 : vector<16xi1>, vector<16xf32>
      %select_n3A_1071 = arith.select %gt3A_1068, %select_n3A_1042, %select_n3A_1052 : vector<16xi1>, vector<16xi32>
      %select_n3A_1072 = arith.select %gt3A_1068, %select_n3A_1052, %select_n3A_1042 : vector<16xi1>, vector<16xi32>
      %gt3A_1073 = arith.cmpf ogt, %select_n3A_1045, %select_n3A_1055 : vector<16xf32>
      %select_n3A_1074 = arith.select %gt3A_1073, %select_n3A_1045, %select_n3A_1055 : vector<16xi1>, vector<16xf32>
      %select_n3A_1075 = arith.select %gt3A_1073, %select_n3A_1055, %select_n3A_1045 : vector<16xi1>, vector<16xf32>
      %select_n3A_1076 = arith.select %gt3A_1073, %select_n3A_1047, %select_n3A_1057 : vector<16xi1>, vector<16xi32>
      %select_n3A_1077 = arith.select %gt3A_1073, %select_n3A_1057, %select_n3A_1047 : vector<16xi1>, vector<16xi32>
      %gt3A_1078 = arith.cmpf ogt, %select_n3A_1059, %select_n3A_1064 : vector<16xf32>
      %select_n3A_1079 = arith.select %gt3A_1078, %select_n3A_1059, %select_n3A_1064 : vector<16xi1>, vector<16xf32>
      %select_n3A_1080 = arith.select %gt3A_1078, %select_n3A_1064, %select_n3A_1059 : vector<16xi1>, vector<16xf32>
      %select_n3A_1081 = arith.select %gt3A_1078, %select_n3A_1061, %select_n3A_1066 : vector<16xi1>, vector<16xi32>
      %select_n3A_1082 = arith.select %gt3A_1078, %select_n3A_1066, %select_n3A_1061 : vector<16xi1>, vector<16xi32>
      %gt3A_1083 = arith.cmpf ogt, %select_n3A_1060, %select_n3A_1065 : vector<16xf32>
      %select_n3A_1084 = arith.select %gt3A_1083, %select_n3A_1060, %select_n3A_1065 : vector<16xi1>, vector<16xf32>
      %select_n3A_1085 = arith.select %gt3A_1083, %select_n3A_1065, %select_n3A_1060 : vector<16xi1>, vector<16xf32>
      %select_n3A_1086 = arith.select %gt3A_1083, %select_n3A_1062, %select_n3A_1067 : vector<16xi1>, vector<16xi32>
      %select_n3A_1087 = arith.select %gt3A_1083, %select_n3A_1067, %select_n3A_1062 : vector<16xi1>, vector<16xi32>
      %gt3A_1088 = arith.cmpf ogt, %select_n3A_1069, %select_n3A_1074 : vector<16xf32>
      %select_n3A_1089 = arith.select %gt3A_1088, %select_n3A_1069, %select_n3A_1074 : vector<16xi1>, vector<16xf32>
      %select_n3A_1090 = arith.select %gt3A_1088, %select_n3A_1074, %select_n3A_1069 : vector<16xi1>, vector<16xf32>
      %select_n3A_1091 = arith.select %gt3A_1088, %select_n3A_1071, %select_n3A_1076 : vector<16xi1>, vector<16xi32>
      %select_n3A_1092 = arith.select %gt3A_1088, %select_n3A_1076, %select_n3A_1071 : vector<16xi1>, vector<16xi32>
      %gt3A_1093 = arith.cmpf ogt, %select_n3A_1070, %select_n3A_1075 : vector<16xf32>
      %select_n3A_1094 = arith.select %gt3A_1093, %select_n3A_1070, %select_n3A_1075 : vector<16xi1>, vector<16xf32>
      %select_n3A_1095 = arith.select %gt3A_1093, %select_n3A_1075, %select_n3A_1070 : vector<16xi1>, vector<16xf32>
      %select_n3A_1096 = arith.select %gt3A_1093, %select_n3A_1072, %select_n3A_1077 : vector<16xi1>, vector<16xi32>
      %select_n3A_1097 = arith.select %gt3A_1093, %select_n3A_1077, %select_n3A_1072 : vector<16xi1>, vector<16xi32>
      %get3A_1098 = arith.constant 40 : i32
      %get3A_1099 = arith.index_cast %get3A_1098 : i32 to index
      %get3A_1100 = arith.index_cast %mul3A_10 : i32 to index
      %get3A_1101 = tpu.vector_load %arg5[%get3A_1099, %get3A_1100] {strides = array<i32>} : memref<64x512xf32, #tpu.memory_space<vmem>>, vector<1x16xf32>,
      %get3A_1102 = vector.shape_cast %get3A_1101 : vector<1x16xf32> to vector<16xf32>
      %broadcast_in_dim3A_1103 = arith.constant 40 : i32
      %broadcast_in_dim3A_1104 = vector.broadcast %broadcast_in_dim3A_1103 : i32 to vector<16xi32>
      %get3A_1105 = arith.constant 41 : i32
      %get3A_1106 = arith.index_cast %get3A_1105 : i32 to index
      %get3A_1107 = arith.index_cast %mul3A_10 : i32 to index
      %get3A_1108 = tpu.vector_load %arg5[%get3A_1106, %get3A_1107] {strides = array<i32>} : memref<64x512xf32, #tpu.memory_space<vmem>>, vector<1x16xf32>,
      %get3A_1109 = vector.shape_cast %get3A_1108 : vector<1x16xf32> to vector<16xf32>
      %broadcast_in_dim3A_1110 = arith.constant 41 : i32
      %broadcast_in_dim3A_1111 = vector.broadcast %broadcast_in_dim3A_1110 : i32 to vector<16xi32>
      %get3A_1112 = arith.constant 42 : i32
      %get3A_1113 = arith.index_cast %get3A_1112 : i32 to index
      %get3A_1114 = arith.index_cast %mul3A_10 : i32 to index
      %get3A_1115 = tpu.vector_load %arg5[%get3A_1113, %get3A_1114] {strides = array<i32>} : memref<64x512xf32, #tpu.memory_space<vmem>>, vector<1x16xf32>,
      %get3A_1116 = vector.shape_cast %get3A_1115 : vector<1x16xf32> to vector<16xf32>
      %broadcast_in_dim3A_1117 = arith.constant 42 : i32
      %broadcast_in_dim3A_1118 = vector.broadcast %broadcast_in_dim3A_1117 : i32 to vector<16xi32>
      %get3A_1119 = arith.constant 43 : i32
      %get3A_1120 = arith.index_cast %get3A_1119 : i32 to index
      %get3A_1121 = arith.index_cast %mul3A_10 : i32 to index
      %get3A_1122 = tpu.vector_load %arg5[%get3A_1120, %get3A_1121] {strides = array<i32>} : memref<64x512xf32, #tpu.memory_space<vmem>>, vector<1x16xf32>,
      %get3A_1123 = vector.shape_cast %get3A_1122 : vector<1x16xf32> to vector<16xf32>
      %broadcast_in_dim3A_1124 = arith.constant 43 : i32
      %broadcast_in_dim3A_1125 = vector.broadcast %broadcast_in_dim3A_1124 : i32 to vector<16xi32>
      %get3A_1126 = arith.constant 44 : i32
      %get3A_1127 = arith.index_cast %get3A_1126 : i32 to index
      %get3A_1128 = arith.index_cast %mul3A_10 : i32 to index
      %get3A_1129 = tpu.vector_load %arg5[%get3A_1127, %get3A_1128] {strides = array<i32>} : memref<64x512xf32, #tpu.memory_space<vmem>>, vector<1x16xf32>,
      %get3A_1130 = vector.shape_cast %get3A_1129 : vector<1x16xf32> to vector<16xf32>
      %broadcast_in_dim3A_1131 = arith.constant 44 : i32
      %broadcast_in_dim3A_1132 = vector.broadcast %broadcast_in_dim3A_1131 : i32 to vector<16xi32>
      %get3A_1133 = arith.constant 45 : i32
      %get3A_1134 = arith.index_cast %get3A_1133 : i32 to index
      %get3A_1135 = arith.index_cast %mul3A_10 : i32 to index
      %get3A_1136 = tpu.vector_load %arg5[%get3A_1134, %get3A_1135] {strides = array<i32>} : memref<64x512xf32, #tpu.memory_space<vmem>>, vector<1x16xf32>,
      %get3A_1137 = vector.shape_cast %get3A_1136 : vector<1x16xf32> to vector<16xf32>
      %broadcast_in_dim3A_1138 = arith.constant 45 : i32
      %broadcast_in_dim3A_1139 = vector.broadcast %broadcast_in_dim3A_1138 : i32 to vector<16xi32>
      %get3A_1140 = arith.constant 46 : i32
      %get3A_1141 = arith.index_cast %get3A_1140 : i32 to index
      %get3A_1142 = arith.index_cast %mul3A_10 : i32 to index
      %get3A_1143 = tpu.vector_load %arg5[%get3A_1141, %get3A_1142] {strides = array<i32>} : memref<64x512xf32, #tpu.memory_space<vmem>>, vector<1x16xf32>,
      %get3A_1144 = vector.shape_cast %get3A_1143 : vector<1x16xf32> to vector<16xf32>
      %broadcast_in_dim3A_1145 = arith.constant 46 : i32
      %broadcast_in_dim3A_1146 = vector.broadcast %broadcast_in_dim3A_1145 : i32 to vector<16xi32>
      %get3A_1147 = arith.constant 47 : i32
      %get3A_1148 = arith.index_cast %get3A_1147 : i32 to index
      %get3A_1149 = arith.index_cast %mul3A_10 : i32 to index
      %get3A_1150 = tpu.vector_load %arg5[%get3A_1148, %get3A_1149] {strides = array<i32>} : memref<64x512xf32, #tpu.memory_space<vmem>>, vector<1x16xf32>,
      %get3A_1151 = vector.shape_cast %get3A_1150 : vector<1x16xf32> to vector<16xf32>
      %broadcast_in_dim3A_1152 = arith.constant 47 : i32
      %broadcast_in_dim3A_1153 = vector.broadcast %broadcast_in_dim3A_1152 : i32 to vector<16xi32>
      %gt3A_1154 = arith.cmpf ogt, %get3A_1102, %get3A_1109 : vector<16xf32>
      %select_n3A_1155 = arith.select %gt3A_1154, %get3A_1102, %get3A_1109 : vector<16xi1>, vector<16xf32>
      %select_n3A_1156 = arith.select %gt3A_1154, %get3A_1109, %get3A_1102 : vector<16xi1>, vector<16xf32>
      %select_n3A_1157 = arith.select %gt3A_1154, %broadcast_in_dim3A_1104, %broadcast_in_dim3A_1111 : vector<16xi1>, vector<16xi32>
      %select_n3A_1158 = arith.select %gt3A_1154, %broadcast_in_dim3A_1111, %broadcast_in_dim3A_1104 : vector<16xi1>, vector<16xi32>
      %gt3A_1159 = arith.cmpf ogt, %get3A_1116, %get3A_1123 : vector<16xf32>
      %select_n3A_1160 = arith.select %gt3A_1159, %get3A_1116, %get3A_1123 : vector<16xi1>, vector<16xf32>
      %select_n3A_1161 = arith.select %gt3A_1159, %get3A_1123, %get3A_1116 : vector<16xi1>, vector<16xf32>
      %select_n3A_1162 = arith.select %gt3A_1159, %broadcast_in_dim3A_1118, %broadcast_in_dim3A_1125 : vector<16xi1>, vector<16xi32>
      %select_n3A_1163 = arith.select %gt3A_1159, %broadcast_in_dim3A_1125, %broadcast_in_dim3A_1118 : vector<16xi1>, vector<16xi32>
      %gt3A_1164 = arith.cmpf ogt, %get3A_1130, %get3A_1137 : vector<16xf32>
      %select_n3A_1165 = arith.select %gt3A_1164, %get3A_1130, %get3A_1137 : vector<16xi1>, vector<16xf32>
      %select_n3A_1166 = arith.select %gt3A_1164, %get3A_1137, %get3A_1130 : vector<16xi1>, vector<16xf32>
      %select_n3A_1167 = arith.select %gt3A_1164, %broadcast_in_dim3A_1132, %broadcast_in_dim3A_1139 : vector<16xi1>, vector<16xi32>
      %select_n3A_1168 = arith.select %gt3A_1164, %broadcast_in_dim3A_1139, %broadcast_in_dim3A_1132 : vector<16xi1>, vector<16xi32>
      %gt3A_1169 = arith.cmpf ogt, %get3A_1144, %get3A_1151 : vector<16xf32>
      %select_n3A_1170 = arith.select %gt3A_1169, %get3A_1144, %get3A_1151 : vector<16xi1>, vector<16xf32>
      %select_n3A_1171 = arith.select %gt3A_1169, %get3A_1151, %get3A_1144 : vector<16xi1>, vector<16xf32>
      %select_n3A_1172 = arith.select %gt3A_1169, %broadcast_in_dim3A_1146, %broadcast_in_dim3A_1153 : vector<16xi1>, vector<16xi32>
      %select_n3A_1173 = arith.select %gt3A_1169, %broadcast_in_dim3A_1153, %broadcast_in_dim3A_1146 : vector<16xi1>, vector<16xi32>
      %gt3A_1174 = arith.cmpf ogt, %select_n3A_1155, %select_n3A_1160 : vector<16xf32>
      %select_n3A_1175 = arith.select %gt3A_1174, %select_n3A_1155, %select_n3A_1160 : vector<16xi1>, vector<16xf32>
      %select_n3A_1176 = arith.select %gt3A_1174, %select_n3A_1160, %select_n3A_1155 : vector<16xi1>, vector<16xf32>
      %select_n3A_1177 = arith.select %gt3A_1174, %select_n3A_1157, %select_n3A_1162 : vector<16xi1>, vector<16xi32>
      %select_n3A_1178 = arith.select %gt3A_1174, %select_n3A_1162, %select_n3A_1157 : vector<16xi1>, vector<16xi32>
      %gt3A_1179 = arith.cmpf ogt, %select_n3A_1156, %select_n3A_1161 : vector<16xf32>
      %select_n3A_1180 = arith.select %gt3A_1179, %select_n3A_1156, %select_n3A_1161 : vector<16xi1>, vector<16xf32>
      %select_n3A_1181 = arith.select %gt3A_1179, %select_n3A_1161, %select_n3A_1156 : vector<16xi1>, vector<16xf32>
      %select_n3A_1182 = arith.select %gt3A_1179, %select_n3A_1158, %select_n3A_1163 : vector<16xi1>, vector<16xi32>
      %select_n3A_1183 = arith.select %gt3A_1179, %select_n3A_1163, %select_n3A_1158 : vector<16xi1>, vector<16xi32>
      %gt3A_1184 = arith.cmpf ogt, %select_n3A_1165, %select_n3A_1170 : vector<16xf32>
      %select_n3A_1185 = arith.select %gt3A_1184, %select_n3A_1165, %select_n3A_1170 : vector<16xi1>, vector<16xf32>
      %select_n3A_1186 = arith.select %gt3A_1184, %select_n3A_1170, %select_n3A_1165 : vector<16xi1>, vector<16xf32>
      %select_n3A_1187 = arith.select %gt3A_1184, %select_n3A_1167, %select_n3A_1172 : vector<16xi1>, vector<16xi32>
      %select_n3A_1188 = arith.select %gt3A_1184, %select_n3A_1172, %select_n3A_1167 : vector<16xi1>, vector<16xi32>
      %gt3A_1189 = arith.cmpf ogt, %select_n3A_1166, %select_n3A_1171 : vector<16xf32>
      %select_n3A_1190 = arith.select %gt3A_1189, %select_n3A_1166, %select_n3A_1171 : vector<16xi1>, vector<16xf32>
      %select_n3A_1191 = arith.select %gt3A_1189, %select_n3A_1171, %select_n3A_1166 : vector<16xi1>, vector<16xf32>
      %select_n3A_1192 = arith.select %gt3A_1189, %select_n3A_1168, %select_n3A_1173 : vector<16xi1>, vector<16xi32>
      %select_n3A_1193 = arith.select %gt3A_1189, %select_n3A_1173, %select_n3A_1168 : vector<16xi1>, vector<16xi32>
      %gt3A_1194 = arith.cmpf ogt, %select_n3A_1180, %select_n3A_1176 : vector<16xf32>
      %select_n3A_1195 = arith.select %gt3A_1194, %select_n3A_1180, %select_n3A_1176 : vector<16xi1>, vector<16xf32>
      %select_n3A_1196 = arith.select %gt3A_1194, %select_n3A_1176, %select_n3A_1180 : vector<16xi1>, vector<16xf32>
      %select_n3A_1197 = arith.select %gt3A_1194, %select_n3A_1182, %select_n3A_1178 : vector<16xi1>, vector<16xi32>
      %select_n3A_1198 = arith.select %gt3A_1194, %select_n3A_1178, %select_n3A_1182 : vector<16xi1>, vector<16xi32>
      %gt3A_1199 = arith.cmpf ogt, %select_n3A_1190, %select_n3A_1186 : vector<16xf32>
      %select_n3A_1200 = arith.select %gt3A_1199, %select_n3A_1190, %select_n3A_1186 : vector<16xi1>, vector<16xf32>
      %select_n3A_1201 = arith.select %gt3A_1199, %select_n3A_1186, %select_n3A_1190 : vector<16xi1>, vector<16xf32>
      %select_n3A_1202 = arith.select %gt3A_1199, %select_n3A_1192, %select_n3A_1188 : vector<16xi1>, vector<16xi32>
      %select_n3A_1203 = arith.select %gt3A_1199, %select_n3A_1188, %select_n3A_1192 : vector<16xi1>, vector<16xi32>
      %gt3A_1204 = arith.cmpf ogt, %select_n3A_1175, %select_n3A_1185 : vector<16xf32>
      %select_n3A_1205 = arith.select %gt3A_1204, %select_n3A_1175, %select_n3A_1185 : vector<16xi1>, vector<16xf32>
      %select_n3A_1206 = arith.select %gt3A_1204, %select_n3A_1185, %select_n3A_1175 : vector<16xi1>, vector<16xf32>
      %select_n3A_1207 = arith.select %gt3A_1204, %select_n3A_1177, %select_n3A_1187 : vector<16xi1>, vector<16xi32>
      %select_n3A_1208 = arith.select %gt3A_1204, %select_n3A_1187, %select_n3A_1177 : vector<16xi1>, vector<16xi32>
      %gt3A_1209 = arith.cmpf ogt, %select_n3A_1181, %select_n3A_1191 : vector<16xf32>
      %select_n3A_1210 = arith.select %gt3A_1209, %select_n3A_1181, %select_n3A_1191 : vector<16xi1>, vector<16xf32>
      %select_n3A_1211 = arith.select %gt3A_1209, %select_n3A_1191, %select_n3A_1181 : vector<16xi1>, vector<16xf32>
      %select_n3A_1212 = arith.select %gt3A_1209, %select_n3A_1183, %select_n3A_1193 : vector<16xi1>, vector<16xi32>
      %select_n3A_1213 = arith.select %gt3A_1209, %select_n3A_1193, %select_n3A_1183 : vector<16xi1>, vector<16xi32>
      %gt3A_1214 = arith.cmpf ogt, %select_n3A_1195, %select_n3A_1200 : vector<16xf32>
      %select_n3A_1215 = arith.select %gt3A_1214, %select_n3A_1195, %select_n3A_1200 : vector<16xi1>, vector<16xf32>
      %select_n3A_1216 = arith.select %gt3A_1214, %select_n3A_1200, %select_n3A_1195 : vector<16xi1>, vector<16xf32>
      %select_n3A_1217 = arith.select %gt3A_1214, %select_n3A_1197, %select_n3A_1202 : vector<16xi1>, vector<16xi32>
      %select_n3A_1218 = arith.select %gt3A_1214, %select_n3A_1202, %select_n3A_1197 : vector<16xi1>, vector<16xi32>
      %gt3A_1219 = arith.cmpf ogt, %select_n3A_1196, %select_n3A_1201 : vector<16xf32>
      %select_n3A_1220 = arith.select %gt3A_1219, %select_n3A_1196, %select_n3A_1201 : vector<16xi1>, vector<16xf32>
      %select_n3A_1221 = arith.select %gt3A_1219, %select_n3A_1201, %select_n3A_1196 : vector<16xi1>, vector<16xf32>
      %select_n3A_1222 = arith.select %gt3A_1219, %select_n3A_1198, %select_n3A_1203 : vector<16xi1>, vector<16xi32>
      %select_n3A_1223 = arith.select %gt3A_1219, %select_n3A_1203, %select_n3A_1198 : vector<16xi1>, vector<16xi32>
      %gt3A_1224 = arith.cmpf ogt, %select_n3A_1215, %select_n3A_1206 : vector<16xf32>
      %select_n3A_1225 = arith.select %gt3A_1224, %select_n3A_1215, %select_n3A_1206 : vector<16xi1>, vector<16xf32>
      %select_n3A_1226 = arith.select %gt3A_1224, %select_n3A_1206, %select_n3A_1215 : vector<16xi1>, vector<16xf32>
      %select_n3A_1227 = arith.select %gt3A_1224, %select_n3A_1217, %select_n3A_1208 : vector<16xi1>, vector<16xi32>
      %select_n3A_1228 = arith.select %gt3A_1224, %select_n3A_1208, %select_n3A_1217 : vector<16xi1>, vector<16xi32>
      %gt3A_1229 = arith.cmpf ogt, %select_n3A_1210, %select_n3A_1221 : vector<16xf32>
      %select_n3A_1230 = arith.select %gt3A_1229, %select_n3A_1210, %select_n3A_1221 : vector<16xi1>, vector<16xf32>
      %select_n3A_1231 = arith.select %gt3A_1229, %select_n3A_1221, %select_n3A_1210 : vector<16xi1>, vector<16xf32>
      %select_n3A_1232 = arith.select %gt3A_1229, %select_n3A_1212, %select_n3A_1223 : vector<16xi1>, vector<16xi32>
      %select_n3A_1233 = arith.select %gt3A_1229, %select_n3A_1223, %select_n3A_1212 : vector<16xi1>, vector<16xi32>
      %gt3A_1234 = arith.cmpf ogt, %select_n3A_1220, %select_n3A_1226 : vector<16xf32>
      %select_n3A_1235 = arith.select %gt3A_1234, %select_n3A_1220, %select_n3A_1226 : vector<16xi1>, vector<16xf32>
      %select_n3A_1236 = arith.select %gt3A_1234, %select_n3A_1226, %select_n3A_1220 : vector<16xi1>, vector<16xf32>
      %select_n3A_1237 = arith.select %gt3A_1234, %select_n3A_1222, %select_n3A_1228 : vector<16xi1>, vector<16xi32>
      %select_n3A_1238 = arith.select %gt3A_1234, %select_n3A_1228, %select_n3A_1222 : vector<16xi1>, vector<16xi32>
      %gt3A_1239 = arith.cmpf ogt, %select_n3A_1230, %select_n3A_1216 : vector<16xf32>
      %select_n3A_1240 = arith.select %gt3A_1239, %select_n3A_1230, %select_n3A_1216 : vector<16xi1>, vector<16xf32>
      %select_n3A_1241 = arith.select %gt3A_1239, %select_n3A_1216, %select_n3A_1230 : vector<16xi1>, vector<16xf32>
      %select_n3A_1242 = arith.select %gt3A_1239, %select_n3A_1232, %select_n3A_1218 : vector<16xi1>, vector<16xi32>
      %select_n3A_1243 = arith.select %gt3A_1239, %select_n3A_1218, %select_n3A_1232 : vector<16xi1>, vector<16xi32>
      %gt3A_1244 = arith.cmpf ogt, %select_n3A_1240, %select_n3A_1236 : vector<16xf32>
      %select_n3A_1245 = arith.select %gt3A_1244, %select_n3A_1240, %select_n3A_1236 : vector<16xi1>, vector<16xf32>
      %select_n3A_1246 = arith.select %gt3A_1244, %select_n3A_1236, %select_n3A_1240 : vector<16xi1>, vector<16xf32>
      %select_n3A_1247 = arith.select %gt3A_1244, %select_n3A_1242, %select_n3A_1238 : vector<16xi1>, vector<16xi32>
      %select_n3A_1248 = arith.select %gt3A_1244, %select_n3A_1238, %select_n3A_1242 : vector<16xi1>, vector<16xi32>
      %gt3A_1249 = arith.cmpf ogt, %select_n3A_1079, %select_n3A_1211 : vector<16xf32>
      %select_n3A_1250 = arith.select %gt3A_1249, %select_n3A_1079, %select_n3A_1211 : vector<16xi1>, vector<16xf32>
      %select_n3A_1251 = arith.select %gt3A_1249, %select_n3A_1081, %select_n3A_1213 : vector<16xi1>, vector<16xi32>
      %gt3A_1252 = arith.cmpf ogt, %select_n3A_1080, %select_n3A_1231 : vector<16xf32>
      %select_n3A_1253 = arith.select %gt3A_1252, %select_n3A_1080, %select_n3A_1231 : vector<16xi1>, vector<16xf32>
      %select_n3A_1254 = arith.select %gt3A_1252, %select_n3A_1082, %select_n3A_1233 : vector<16xi1>, vector<16xi32>
      %gt3A_1255 = arith.cmpf ogt, %select_n3A_1084, %select_n3A_1241 : vector<16xf32>
      %select_n3A_1256 = arith.select %gt3A_1255, %select_n3A_1084, %select_n3A_1241 : vector<16xi1>, vector<16xf32>
      %select_n3A_1257 = arith.select %gt3A_1255, %select_n3A_1086, %select_n3A_1243 : vector<16xi1>, vector<16xi32>
      %gt3A_1258 = arith.cmpf ogt, %select_n3A_1085, %select_n3A_1246 : vector<16xf32>
      %select_n3A_1259 = arith.select %gt3A_1258, %select_n3A_1085, %select_n3A_1246 : vector<16xi1>, vector<16xf32>
      %select_n3A_1260 = arith.select %gt3A_1258, %select_n3A_1087, %select_n3A_1248 : vector<16xi1>, vector<16xi32>
      %gt3A_1261 = arith.cmpf ogt, %select_n3A_1089, %select_n3A_1245 : vector<16xf32>
      %select_n3A_1262 = arith.select %gt3A_1261, %select_n3A_1089, %select_n3A_1245 : vector<16xi1>, vector<16xf32>
      %select_n3A_1263 = arith.select %gt3A_1261, %select_n3A_1091, %select_n3A_1247 : vector<16xi1>, vector<16xi32>
      %gt3A_1264 = arith.cmpf ogt, %select_n3A_1090, %select_n3A_1235 : vector<16xf32>
      %select_n3A_1265 = arith.select %gt3A_1264, %select_n3A_1090, %select_n3A_1235 : vector<16xi1>, vector<16xf32>
      %select_n3A_1266 = arith.select %gt3A_1264, %select_n3A_1092, %select_n3A_1237 : vector<16xi1>, vector<16xi32>
      %gt3A_1267 = arith.cmpf ogt, %select_n3A_1094, %select_n3A_1225 : vector<16xf32>
      %select_n3A_1268 = arith.select %gt3A_1267, %select_n3A_1094, %select_n3A_1225 : vector<16xi1>, vector<16xf32>
      %select_n3A_1269 = arith.select %gt3A_1267, %select_n3A_1096, %select_n3A_1227 : vector<16xi1>, vector<16xi32>
      %gt3A_1270 = arith.cmpf ogt, %select_n3A_1095, %select_n3A_1205 : vector<16xf32>
      %select_n3A_1271 = arith.select %gt3A_1270, %select_n3A_1095, %select_n3A_1205 : vector<16xi1>, vector<16xf32>
      %select_n3A_1272 = arith.select %gt3A_1270, %select_n3A_1097, %select_n3A_1207 : vector<16xi1>, vector<16xi32>
      %gt3A_1273 = arith.cmpf ogt, %select_n3A_1250, %select_n3A_1262 : vector<16xf32>
      %select_n3A_1274 = arith.select %gt3A_1273, %select_n3A_1250, %select_n3A_1262 : vector<16xi1>, vector<16xf32>
      %select_n3A_1275 = arith.select %gt3A_1273, %select_n3A_1262, %select_n3A_1250 : vector<16xi1>, vector<16xf32>
      %select_n3A_1276 = arith.select %gt3A_1273, %select_n3A_1251, %select_n3A_1263 : vector<16xi1>, vector<16xi32>
      %select_n3A_1277 = arith.select %gt3A_1273, %select_n3A_1263, %select_n3A_1251 : vector<16xi1>, vector<16xi32>
      %gt3A_1278 = arith.cmpf ogt, %select_n3A_1253, %select_n3A_1265 : vector<16xf32>
      %select_n3A_1279 = arith.select %gt3A_1278, %select_n3A_1253, %select_n3A_1265 : vector<16xi1>, vector<16xf32>
      %select_n3A_1280 = arith.select %gt3A_1278, %select_n3A_1265, %select_n3A_1253 : vector<16xi1>, vector<16xf32>
      %select_n3A_1281 = arith.select %gt3A_1278, %select_n3A_1254, %select_n3A_1266 : vector<16xi1>, vector<16xi32>
      %select_n3A_1282 = arith.select %gt3A_1278, %select_n3A_1266, %select_n3A_1254 : vector<16xi1>, vector<16xi32>
      %gt3A_1283 = arith.cmpf ogt, %select_n3A_1256, %select_n3A_1268 : vector<16xf32>
      %select_n3A_1284 = arith.select %gt3A_1283, %select_n3A_1256, %select_n3A_1268 : vector<16xi1>, vector<16xf32>
      %select_n3A_1285 = arith.select %gt3A_1283, %select_n3A_1268, %select_n3A_1256 : vector<16xi1>, vector<16xf32>
      %select_n3A_1286 = arith.select %gt3A_1283, %select_n3A_1257, %select_n3A_1269 : vector<16xi1>, vector<16xi32>
      %select_n3A_1287 = arith.select %gt3A_1283, %select_n3A_1269, %select_n3A_1257 : vector<16xi1>, vector<16xi32>
      %gt3A_1288 = arith.cmpf ogt, %select_n3A_1259, %select_n3A_1271 : vector<16xf32>
      %select_n3A_1289 = arith.select %gt3A_1288, %select_n3A_1259, %select_n3A_1271 : vector<16xi1>, vector<16xf32>
      %select_n3A_1290 = arith.select %gt3A_1288, %select_n3A_1271, %select_n3A_1259 : vector<16xi1>, vector<16xf32>
      %select_n3A_1291 = arith.select %gt3A_1288, %select_n3A_1260, %select_n3A_1272 : vector<16xi1>, vector<16xi32>
      %select_n3A_1292 = arith.select %gt3A_1288, %select_n3A_1272, %select_n3A_1260 : vector<16xi1>, vector<16xi32>
      %gt3A_1293 = arith.cmpf ogt, %select_n3A_1274, %select_n3A_1284 : vector<16xf32>
      %select_n3A_1294 = arith.select %gt3A_1293, %select_n3A_1274, %select_n3A_1284 : vector<16xi1>, vector<16xf32>
      %select_n3A_1295 = arith.select %gt3A_1293, %select_n3A_1284, %select_n3A_1274 : vector<16xi1>, vector<16xf32>
      %select_n3A_1296 = arith.select %gt3A_1293, %select_n3A_1276, %select_n3A_1286 : vector<16xi1>, vector<16xi32>
      %select_n3A_1297 = arith.select %gt3A_1293, %select_n3A_1286, %select_n3A_1276 : vector<16xi1>, vector<16xi32>
      %gt3A_1298 = arith.cmpf ogt, %select_n3A_1279, %select_n3A_1289 : vector<16xf32>
      %select_n3A_1299 = arith.select %gt3A_1298, %select_n3A_1279, %select_n3A_1289 : vector<16xi1>, vector<16xf32>
      %select_n3A_1300 = arith.select %gt3A_1298, %select_n3A_1289, %select_n3A_1279 : vector<16xi1>, vector<16xf32>
      %select_n3A_1301 = arith.select %gt3A_1298, %select_n3A_1281, %select_n3A_1291 : vector<16xi1>, vector<16xi32>
      %select_n3A_1302 = arith.select %gt3A_1298, %select_n3A_1291, %select_n3A_1281 : vector<16xi1>, vector<16xi32>
      %gt3A_1303 = arith.cmpf ogt, %select_n3A_1275, %select_n3A_1285 : vector<16xf32>
      %select_n3A_1304 = arith.select %gt3A_1303, %select_n3A_1275, %select_n3A_1285 : vector<16xi1>, vector<16xf32>
      %select_n3A_1305 = arith.select %gt3A_1303, %select_n3A_1285, %select_n3A_1275 : vector<16xi1>, vector<16xf32>
      %select_n3A_1306 = arith.select %gt3A_1303, %select_n3A_1277, %select_n3A_1287 : vector<16xi1>, vector<16xi32>
      %select_n3A_1307 = arith.select %gt3A_1303, %select_n3A_1287, %select_n3A_1277 : vector<16xi1>, vector<16xi32>
      %gt3A_1308 = arith.cmpf ogt, %select_n3A_1280, %select_n3A_1290 : vector<16xf32>
      %select_n3A_1309 = arith.select %gt3A_1308, %select_n3A_1280, %select_n3A_1290 : vector<16xi1>, vector<16xf32>
      %select_n3A_1310 = arith.select %gt3A_1308, %select_n3A_1290, %select_n3A_1280 : vector<16xi1>, vector<16xf32>
      %select_n3A_1311 = arith.select %gt3A_1308, %select_n3A_1282, %select_n3A_1292 : vector<16xi1>, vector<16xi32>
      %select_n3A_1312 = arith.select %gt3A_1308, %select_n3A_1292, %select_n3A_1282 : vector<16xi1>, vector<16xi32>
      %gt3A_1313 = arith.cmpf ogt, %select_n3A_1294, %select_n3A_1299 : vector<16xf32>
      %select_n3A_1314 = arith.select %gt3A_1313, %select_n3A_1294, %select_n3A_1299 : vector<16xi1>, vector<16xf32>
      %select_n3A_1315 = arith.select %gt3A_1313, %select_n3A_1299, %select_n3A_1294 : vector<16xi1>, vector<16xf32>
      %select_n3A_1316 = arith.select %gt3A_1313, %select_n3A_1296, %select_n3A_1301 : vector<16xi1>, vector<16xi32>
      %select_n3A_1317 = arith.select %gt3A_1313, %select_n3A_1301, %select_n3A_1296 : vector<16xi1>, vector<16xi32>
      %gt3A_1318 = arith.cmpf ogt, %select_n3A_1295, %select_n3A_1300 : vector<16xf32>
      %select_n3A_1319 = arith.select %gt3A_1318, %select_n3A_1295, %select_n3A_1300 : vector<16xi1>, vector<16xf32>
      %select_n3A_1320 = arith.select %gt3A_1318, %select_n3A_1300, %select_n3A_1295 : vector<16xi1>, vector<16xf32>
      %select_n3A_1321 = arith.select %gt3A_1318, %select_n3A_1297, %select_n3A_1302 : vector<16xi1>, vector<16xi32>
      %select_n3A_1322 = arith.select %gt3A_1318, %select_n3A_1302, %select_n3A_1297 : vector<16xi1>, vector<16xi32>
      %gt3A_1323 = arith.cmpf ogt, %select_n3A_1304, %select_n3A_1309 : vector<16xf32>
      %select_n3A_1324 = arith.select %gt3A_1323, %select_n3A_1304, %select_n3A_1309 : vector<16xi1>, vector<16xf32>
      %select_n3A_1325 = arith.select %gt3A_1323, %select_n3A_1309, %select_n3A_1304 : vector<16xi1>, vector<16xf32>
      %select_n3A_1326 = arith.select %gt3A_1323, %select_n3A_1306, %select_n3A_1311 : vector<16xi1>, vector<16xi32>
      %select_n3A_1327 = arith.select %gt3A_1323, %select_n3A_1311, %select_n3A_1306 : vector<16xi1>, vector<16xi32>
      %gt3A_1328 = arith.cmpf ogt, %select_n3A_1305, %select_n3A_1310 : vector<16xf32>
      %select_n3A_1329 = arith.select %gt3A_1328, %select_n3A_1305, %select_n3A_1310 : vector<16xi1>, vector<16xf32>
      %select_n3A_1330 = arith.select %gt3A_1328, %select_n3A_1310, %select_n3A_1305 : vector<16xi1>, vector<16xf32>
      %select_n3A_1331 = arith.select %gt3A_1328, %select_n3A_1307, %select_n3A_1312 : vector<16xi1>, vector<16xi32>
      %select_n3A_1332 = arith.select %gt3A_1328, %select_n3A_1312, %select_n3A_1307 : vector<16xi1>, vector<16xi32>
      %get3A_1333 = arith.constant 48 : i32
      %get3A_1334 = arith.index_cast %get3A_1333 : i32 to index
      %get3A_1335 = arith.index_cast %mul3A_10 : i32 to index
      %get3A_1336 = tpu.vector_load %arg5[%get3A_1334, %get3A_1335] {strides = array<i32>} : memref<64x512xf32, #tpu.memory_space<vmem>>, vector<1x16xf32>,
      %get3A_1337 = vector.shape_cast %get3A_1336 : vector<1x16xf32> to vector<16xf32>
      %broadcast_in_dim3A_1338 = arith.constant 48 : i32
      %broadcast_in_dim3A_1339 = vector.broadcast %broadcast_in_dim3A_1338 : i32 to vector<16xi32>
      %get3A_1340 = arith.constant 49 : i32
      %get3A_1341 = arith.index_cast %get3A_1340 : i32 to index
      %get3A_1342 = arith.index_cast %mul3A_10 : i32 to index
      %get3A_1343 = tpu.vector_load %arg5[%get3A_1341, %get3A_1342] {strides = array<i32>} : memref<64x512xf32, #tpu.memory_space<vmem>>, vector<1x16xf32>,
      %get3A_1344 = vector.shape_cast %get3A_1343 : vector<1x16xf32> to vector<16xf32>
      %broadcast_in_dim3A_1345 = arith.constant 49 : i32
      %broadcast_in_dim3A_1346 = vector.broadcast %broadcast_in_dim3A_1345 : i32 to vector<16xi32>
      %get3A_1347 = arith.constant 50 : i32
      %get3A_1348 = arith.index_cast %get3A_1347 : i32 to index
      %get3A_1349 = arith.index_cast %mul3A_10 : i32 to index
      %get3A_1350 = tpu.vector_load %arg5[%get3A_1348, %get3A_1349] {strides = array<i32>} : memref<64x512xf32, #tpu.memory_space<vmem>>, vector<1x16xf32>,
      %get3A_1351 = vector.shape_cast %get3A_1350 : vector<1x16xf32> to vector<16xf32>
      %broadcast_in_dim3A_1352 = arith.constant 50 : i32
      %broadcast_in_dim3A_1353 = vector.broadcast %broadcast_in_dim3A_1352 : i32 to vector<16xi32>
      %get3A_1354 = arith.constant 51 : i32
      %get3A_1355 = arith.index_cast %get3A_1354 : i32 to index
      %get3A_1356 = arith.index_cast %mul3A_10 : i32 to index
      %get3A_1357 = tpu.vector_load %arg5[%get3A_1355, %get3A_1356] {strides = array<i32>} : memref<64x512xf32, #tpu.memory_space<vmem>>, vector<1x16xf32>,
      %get3A_1358 = vector.shape_cast %get3A_1357 : vector<1x16xf32> to vector<16xf32>
      %broadcast_in_dim3A_1359 = arith.constant 51 : i32
      %broadcast_in_dim3A_1360 = vector.broadcast %broadcast_in_dim3A_1359 : i32 to vector<16xi32>
      %get3A_1361 = arith.constant 52 : i32
      %get3A_1362 = arith.index_cast %get3A_1361 : i32 to index
      %get3A_1363 = arith.index_cast %mul3A_10 : i32 to index
      %get3A_1364 = tpu.vector_load %arg5[%get3A_1362, %get3A_1363] {strides = array<i32>} : memref<64x512xf32, #tpu.memory_space<vmem>>, vector<1x16xf32>,
      %get3A_1365 = vector.shape_cast %get3A_1364 : vector<1x16xf32> to vector<16xf32>
      %broadcast_in_dim3A_1366 = arith.constant 52 : i32
      %broadcast_in_dim3A_1367 = vector.broadcast %broadcast_in_dim3A_1366 : i32 to vector<16xi32>
      %get3A_1368 = arith.constant 53 : i32
      %get3A_1369 = arith.index_cast %get3A_1368 : i32 to index
      %get3A_1370 = arith.index_cast %mul3A_10 : i32 to index
      %get3A_1371 = tpu.vector_load %arg5[%get3A_1369, %get3A_1370] {strides = array<i32>} : memref<64x512xf32, #tpu.memory_space<vmem>>, vector<1x16xf32>,
      %get3A_1372 = vector.shape_cast %get3A_1371 : vector<1x16xf32> to vector<16xf32>
      %broadcast_in_dim3A_1373 = arith.constant 53 : i32
      %broadcast_in_dim3A_1374 = vector.broadcast %broadcast_in_dim3A_1373 : i32 to vector<16xi32>
      %get3A_1375 = arith.constant 54 : i32
      %get3A_1376 = arith.index_cast %get3A_1375 : i32 to index
      %get3A_1377 = arith.index_cast %mul3A_10 : i32 to index
      %get3A_1378 = tpu.vector_load %arg5[%get3A_1376, %get3A_1377] {strides = array<i32>} : memref<64x512xf32, #tpu.memory_space<vmem>>, vector<1x16xf32>,
      %get3A_1379 = vector.shape_cast %get3A_1378 : vector<1x16xf32> to vector<16xf32>
      %broadcast_in_dim3A_1380 = arith.constant 54 : i32
      %broadcast_in_dim3A_1381 = vector.broadcast %broadcast_in_dim3A_1380 : i32 to vector<16xi32>
      %get3A_1382 = arith.constant 55 : i32
      %get3A_1383 = arith.index_cast %get3A_1382 : i32 to index
      %get3A_1384 = arith.index_cast %mul3A_10 : i32 to index
      %get3A_1385 = tpu.vector_load %arg5[%get3A_1383, %get3A_1384] {strides = array<i32>} : memref<64x512xf32, #tpu.memory_space<vmem>>, vector<1x16xf32>,
      %get3A_1386 = vector.shape_cast %get3A_1385 : vector<1x16xf32> to vector<16xf32>
      %broadcast_in_dim3A_1387 = arith.constant 55 : i32
      %broadcast_in_dim3A_1388 = vector.broadcast %broadcast_in_dim3A_1387 : i32 to vector<16xi32>
      %gt3A_1389 = arith.cmpf ogt, %get3A_1337, %get3A_1344 : vector<16xf32>
      %select_n3A_1390 = arith.select %gt3A_1389, %get3A_1337, %get3A_1344 : vector<16xi1>, vector<16xf32>
      %select_n3A_1391 = arith.select %gt3A_1389, %get3A_1344, %get3A_1337 : vector<16xi1>, vector<16xf32>
      %select_n3A_1392 = arith.select %gt3A_1389, %broadcast_in_dim3A_1339, %broadcast_in_dim3A_1346 : vector<16xi1>, vector<16xi32>
      %select_n3A_1393 = arith.select %gt3A_1389, %broadcast_in_dim3A_1346, %broadcast_in_dim3A_1339 : vector<16xi1>, vector<16xi32>
      %gt3A_1394 = arith.cmpf ogt, %get3A_1351, %get3A_1358 : vector<16xf32>
      %select_n3A_1395 = arith.select %gt3A_1394, %get3A_1351, %get3A_1358 : vector<16xi1>, vector<16xf32>
      %select_n3A_1396 = arith.select %gt3A_1394, %get3A_1358, %get3A_1351 : vector<16xi1>, vector<16xf32>
      %select_n3A_1397 = arith.select %gt3A_1394, %broadcast_in_dim3A_1353, %broadcast_in_dim3A_1360 : vector<16xi1>, vector<16xi32>
      %select_n3A_1398 = arith.select %gt3A_1394, %broadcast_in_dim3A_1360, %broadcast_in_dim3A_1353 : vector<16xi1>, vector<16xi32>
      %gt3A_1399 = arith.cmpf ogt, %get3A_1365, %get3A_1372 : vector<16xf32>
      %select_n3A_1400 = arith.select %gt3A_1399, %get3A_1365, %get3A_1372 : vector<16xi1>, vector<16xf32>
      %select_n3A_1401 = arith.select %gt3A_1399, %get3A_1372, %get3A_1365 : vector<16xi1>, vector<16xf32>
      %select_n3A_1402 = arith.select %gt3A_1399, %broadcast_in_dim3A_1367, %broadcast_in_dim3A_1374 : vector<16xi1>, vector<16xi32>
      %select_n3A_1403 = arith.select %gt3A_1399, %broadcast_in_dim3A_1374, %broadcast_in_dim3A_1367 : vector<16xi1>, vector<16xi32>
      %gt3A_1404 = arith.cmpf ogt, %get3A_1379, %get3A_1386 : vector<16xf32>
      %select_n3A_1405 = arith.select %gt3A_1404, %get3A_1379, %get3A_1386 : vector<16xi1>, vector<16xf32>
      %select_n3A_1406 = arith.select %gt3A_1404, %get3A_1386, %get3A_1379 : vector<16xi1>, vector<16xf32>
      %select_n3A_1407 = arith.select %gt3A_1404, %broadcast_in_dim3A_1381, %broadcast_in_dim3A_1388 : vector<16xi1>, vector<16xi32>
      %select_n3A_1408 = arith.select %gt3A_1404, %broadcast_in_dim3A_1388, %broadcast_in_dim3A_1381 : vector<16xi1>, vector<16xi32>
      %gt3A_1409 = arith.cmpf ogt, %select_n3A_1390, %select_n3A_1395 : vector<16xf32>
      %select_n3A_1410 = arith.select %gt3A_1409, %select_n3A_1390, %select_n3A_1395 : vector<16xi1>, vector<16xf32>
      %select_n3A_1411 = arith.select %gt3A_1409, %select_n3A_1395, %select_n3A_1390 : vector<16xi1>, vector<16xf32>
      %select_n3A_1412 = arith.select %gt3A_1409, %select_n3A_1392, %select_n3A_1397 : vector<16xi1>, vector<16xi32>
      %select_n3A_1413 = arith.select %gt3A_1409, %select_n3A_1397, %select_n3A_1392 : vector<16xi1>, vector<16xi32>
      %gt3A_1414 = arith.cmpf ogt, %select_n3A_1391, %select_n3A_1396 : vector<16xf32>
      %select_n3A_1415 = arith.select %gt3A_1414, %select_n3A_1391, %select_n3A_1396 : vector<16xi1>, vector<16xf32>
      %select_n3A_1416 = arith.select %gt3A_1414, %select_n3A_1396, %select_n3A_1391 : vector<16xi1>, vector<16xf32>
      %select_n3A_1417 = arith.select %gt3A_1414, %select_n3A_1393, %select_n3A_1398 : vector<16xi1>, vector<16xi32>
      %select_n3A_1418 = arith.select %gt3A_1414, %select_n3A_1398, %select_n3A_1393 : vector<16xi1>, vector<16xi32>
      %gt3A_1419 = arith.cmpf ogt, %select_n3A_1400, %select_n3A_1405 : vector<16xf32>
      %select_n3A_1420 = arith.select %gt3A_1419, %select_n3A_1400, %select_n3A_1405 : vector<16xi1>, vector<16xf32>
      %select_n3A_1421 = arith.select %gt3A_1419, %select_n3A_1405, %select_n3A_1400 : vector<16xi1>, vector<16xf32>
      %select_n3A_1422 = arith.select %gt3A_1419, %select_n3A_1402, %select_n3A_1407 : vector<16xi1>, vector<16xi32>
      %select_n3A_1423 = arith.select %gt3A_1419, %select_n3A_1407, %select_n3A_1402 : vector<16xi1>, vector<16xi32>
      %gt3A_1424 = arith.cmpf ogt, %select_n3A_1401, %select_n3A_1406 : vector<16xf32>
      %select_n3A_1425 = arith.select %gt3A_1424, %select_n3A_1401, %select_n3A_1406 : vector<16xi1>, vector<16xf32>
      %select_n3A_1426 = arith.select %gt3A_1424, %select_n3A_1406, %select_n3A_1401 : vector<16xi1>, vector<16xf32>
      %select_n3A_1427 = arith.select %gt3A_1424, %select_n3A_1403, %select_n3A_1408 : vector<16xi1>, vector<16xi32>
      %select_n3A_1428 = arith.select %gt3A_1424, %select_n3A_1408, %select_n3A_1403 : vector<16xi1>, vector<16xi32>
      %gt3A_1429 = arith.cmpf ogt, %select_n3A_1415, %select_n3A_1411 : vector<16xf32>
      %select_n3A_1430 = arith.select %gt3A_1429, %select_n3A_1415, %select_n3A_1411 : vector<16xi1>, vector<16xf32>
      %select_n3A_1431 = arith.select %gt3A_1429, %select_n3A_1411, %select_n3A_1415 : vector<16xi1>, vector<16xf32>
      %select_n3A_1432 = arith.select %gt3A_1429, %select_n3A_1417, %select_n3A_1413 : vector<16xi1>, vector<16xi32>
      %select_n3A_1433 = arith.select %gt3A_1429, %select_n3A_1413, %select_n3A_1417 : vector<16xi1>, vector<16xi32>
      %gt3A_1434 = arith.cmpf ogt, %select_n3A_1425, %select_n3A_1421 : vector<16xf32>
      %select_n3A_1435 = arith.select %gt3A_1434, %select_n3A_1425, %select_n3A_1421 : vector<16xi1>, vector<16xf32>
      %select_n3A_1436 = arith.select %gt3A_1434, %select_n3A_1421, %select_n3A_1425 : vector<16xi1>, vector<16xf32>
      %select_n3A_1437 = arith.select %gt3A_1434, %select_n3A_1427, %select_n3A_1423 : vector<16xi1>, vector<16xi32>
      %select_n3A_1438 = arith.select %gt3A_1434, %select_n3A_1423, %select_n3A_1427 : vector<16xi1>, vector<16xi32>
      %gt3A_1439 = arith.cmpf ogt, %select_n3A_1410, %select_n3A_1420 : vector<16xf32>
      %select_n3A_1440 = arith.select %gt3A_1439, %select_n3A_1410, %select_n3A_1420 : vector<16xi1>, vector<16xf32>
      %select_n3A_1441 = arith.select %gt3A_1439, %select_n3A_1420, %select_n3A_1410 : vector<16xi1>, vector<16xf32>
      %select_n3A_1442 = arith.select %gt3A_1439, %select_n3A_1412, %select_n3A_1422 : vector<16xi1>, vector<16xi32>
      %select_n3A_1443 = arith.select %gt3A_1439, %select_n3A_1422, %select_n3A_1412 : vector<16xi1>, vector<16xi32>
      %gt3A_1444 = arith.cmpf ogt, %select_n3A_1416, %select_n3A_1426 : vector<16xf32>
      %select_n3A_1445 = arith.select %gt3A_1444, %select_n3A_1416, %select_n3A_1426 : vector<16xi1>, vector<16xf32>
      %select_n3A_1446 = arith.select %gt3A_1444, %select_n3A_1426, %select_n3A_1416 : vector<16xi1>, vector<16xf32>
      %select_n3A_1447 = arith.select %gt3A_1444, %select_n3A_1418, %select_n3A_1428 : vector<16xi1>, vector<16xi32>
      %select_n3A_1448 = arith.select %gt3A_1444, %select_n3A_1428, %select_n3A_1418 : vector<16xi1>, vector<16xi32>
      %gt3A_1449 = arith.cmpf ogt, %select_n3A_1430, %select_n3A_1435 : vector<16xf32>
      %select_n3A_1450 = arith.select %gt3A_1449, %select_n3A_1430, %select_n3A_1435 : vector<16xi1>, vector<16xf32>
      %select_n3A_1451 = arith.select %gt3A_1449, %select_n3A_1435, %select_n3A_1430 : vector<16xi1>, vector<16xf32>
      %select_n3A_1452 = arith.select %gt3A_1449, %select_n3A_1432, %select_n3A_1437 : vector<16xi1>, vector<16xi32>
      %select_n3A_1453 = arith.select %gt3A_1449, %select_n3A_1437, %select_n3A_1432 : vector<16xi1>, vector<16xi32>
      %gt3A_1454 = arith.cmpf ogt, %select_n3A_1431, %select_n3A_1436 : vector<16xf32>
      %select_n3A_1455 = arith.select %gt3A_1454, %select_n3A_1431, %select_n3A_1436 : vector<16xi1>, vector<16xf32>
      %select_n3A_1456 = arith.select %gt3A_1454, %select_n3A_1436, %select_n3A_1431 : vector<16xi1>, vector<16xf32>
      %select_n3A_1457 = arith.select %gt3A_1454, %select_n3A_1433, %select_n3A_1438 : vector<16xi1>, vector<16xi32>
      %select_n3A_1458 = arith.select %gt3A_1454, %select_n3A_1438, %select_n3A_1433 : vector<16xi1>, vector<16xi32>
      %gt3A_1459 = arith.cmpf ogt, %select_n3A_1450, %select_n3A_1441 : vector<16xf32>
      %select_n3A_1460 = arith.select %gt3A_1459, %select_n3A_1450, %select_n3A_1441 : vector<16xi1>, vector<16xf32>
      %select_n3A_1461 = arith.select %gt3A_1459, %select_n3A_1441, %select_n3A_1450 : vector<16xi1>, vector<16xf32>
      %select_n3A_1462 = arith.select %gt3A_1459, %select_n3A_1452, %select_n3A_1443 : vector<16xi1>, vector<16xi32>
      %select_n3A_1463 = arith.select %gt3A_1459, %select_n3A_1443, %select_n3A_1452 : vector<16xi1>, vector<16xi32>
      %gt3A_1464 = arith.cmpf ogt, %select_n3A_1445, %select_n3A_1456 : vector<16xf32>
      %select_n3A_1465 = arith.select %gt3A_1464, %select_n3A_1445, %select_n3A_1456 : vector<16xi1>, vector<16xf32>
      %select_n3A_1466 = arith.select %gt3A_1464, %select_n3A_1456, %select_n3A_1445 : vector<16xi1>, vector<16xf32>
      %select_n3A_1467 = arith.select %gt3A_1464, %select_n3A_1447, %select_n3A_1458 : vector<16xi1>, vector<16xi32>
      %select_n3A_1468 = arith.select %gt3A_1464, %select_n3A_1458, %select_n3A_1447 : vector<16xi1>, vector<16xi32>
      %gt3A_1469 = arith.cmpf ogt, %select_n3A_1455, %select_n3A_1461 : vector<16xf32>
      %select_n3A_1470 = arith.select %gt3A_1469, %select_n3A_1455, %select_n3A_1461 : vector<16xi1>, vector<16xf32>
      %select_n3A_1471 = arith.select %gt3A_1469, %select_n3A_1461, %select_n3A_1455 : vector<16xi1>, vector<16xf32>
      %select_n3A_1472 = arith.select %gt3A_1469, %select_n3A_1457, %select_n3A_1463 : vector<16xi1>, vector<16xi32>
      %select_n3A_1473 = arith.select %gt3A_1469, %select_n3A_1463, %select_n3A_1457 : vector<16xi1>, vector<16xi32>
      %gt3A_1474 = arith.cmpf ogt, %select_n3A_1465, %select_n3A_1451 : vector<16xf32>
      %select_n3A_1475 = arith.select %gt3A_1474, %select_n3A_1465, %select_n3A_1451 : vector<16xi1>, vector<16xf32>
      %select_n3A_1476 = arith.select %gt3A_1474, %select_n3A_1451, %select_n3A_1465 : vector<16xi1>, vector<16xf32>
      %select_n3A_1477 = arith.select %gt3A_1474, %select_n3A_1467, %select_n3A_1453 : vector<16xi1>, vector<16xi32>
      %select_n3A_1478 = arith.select %gt3A_1474, %select_n3A_1453, %select_n3A_1467 : vector<16xi1>, vector<16xi32>
      %gt3A_1479 = arith.cmpf ogt, %select_n3A_1475, %select_n3A_1471 : vector<16xf32>
      %select_n3A_1480 = arith.select %gt3A_1479, %select_n3A_1475, %select_n3A_1471 : vector<16xi1>, vector<16xf32>
      %select_n3A_1481 = arith.select %gt3A_1479, %select_n3A_1471, %select_n3A_1475 : vector<16xi1>, vector<16xf32>
      %select_n3A_1482 = arith.select %gt3A_1479, %select_n3A_1477, %select_n3A_1473 : vector<16xi1>, vector<16xi32>
      %select_n3A_1483 = arith.select %gt3A_1479, %select_n3A_1473, %select_n3A_1477 : vector<16xi1>, vector<16xi32>
      %gt3A_1484 = arith.cmpf ogt, %select_n3A_1314, %select_n3A_1446 : vector<16xf32>
      %select_n3A_1485 = arith.select %gt3A_1484, %select_n3A_1314, %select_n3A_1446 : vector<16xi1>, vector<16xf32>
      %select_n3A_1486 = arith.select %gt3A_1484, %select_n3A_1316, %select_n3A_1448 : vector<16xi1>, vector<16xi32>
      %gt3A_1487 = arith.cmpf ogt, %select_n3A_1315, %select_n3A_1466 : vector<16xf32>
      %select_n3A_1488 = arith.select %gt3A_1487, %select_n3A_1315, %select_n3A_1466 : vector<16xi1>, vector<16xf32>
      %select_n3A_1489 = arith.select %gt3A_1487, %select_n3A_1317, %select_n3A_1468 : vector<16xi1>, vector<16xi32>
      %gt3A_1490 = arith.cmpf ogt, %select_n3A_1319, %select_n3A_1476 : vector<16xf32>
      %select_n3A_1491 = arith.select %gt3A_1490, %select_n3A_1319, %select_n3A_1476 : vector<16xi1>, vector<16xf32>
      %select_n3A_1492 = arith.select %gt3A_1490, %select_n3A_1321, %select_n3A_1478 : vector<16xi1>, vector<16xi32>
      %gt3A_1493 = arith.cmpf ogt, %select_n3A_1320, %select_n3A_1481 : vector<16xf32>
      %select_n3A_1494 = arith.select %gt3A_1493, %select_n3A_1320, %select_n3A_1481 : vector<16xi1>, vector<16xf32>
      %select_n3A_1495 = arith.select %gt3A_1493, %select_n3A_1322, %select_n3A_1483 : vector<16xi1>, vector<16xi32>
      %gt3A_1496 = arith.cmpf ogt, %select_n3A_1324, %select_n3A_1480 : vector<16xf32>
      %select_n3A_1497 = arith.select %gt3A_1496, %select_n3A_1324, %select_n3A_1480 : vector<16xi1>, vector<16xf32>
      %select_n3A_1498 = arith.select %gt3A_1496, %select_n3A_1326, %select_n3A_1482 : vector<16xi1>, vector<16xi32>
      %gt3A_1499 = arith.cmpf ogt, %select_n3A_1325, %select_n3A_1470 : vector<16xf32>
      %select_n3A_1500 = arith.select %gt3A_1499, %select_n3A_1325, %select_n3A_1470 : vector<16xi1>, vector<16xf32>
      %select_n3A_1501 = arith.select %gt3A_1499, %select_n3A_1327, %select_n3A_1472 : vector<16xi1>, vector<16xi32>
      %gt3A_1502 = arith.cmpf ogt, %select_n3A_1329, %select_n3A_1460 : vector<16xf32>
      %select_n3A_1503 = arith.select %gt3A_1502, %select_n3A_1329, %select_n3A_1460 : vector<16xi1>, vector<16xf32>
      %select_n3A_1504 = arith.select %gt3A_1502, %select_n3A_1331, %select_n3A_1462 : vector<16xi1>, vector<16xi32>
      %gt3A_1505 = arith.cmpf ogt, %select_n3A_1330, %select_n3A_1440 : vector<16xf32>
      %select_n3A_1506 = arith.select %gt3A_1505, %select_n3A_1330, %select_n3A_1440 : vector<16xi1>, vector<16xf32>
      %select_n3A_1507 = arith.select %gt3A_1505, %select_n3A_1332, %select_n3A_1442 : vector<16xi1>, vector<16xi32>
      %gt3A_1508 = arith.cmpf ogt, %select_n3A_1485, %select_n3A_1497 : vector<16xf32>
      %select_n3A_1509 = arith.select %gt3A_1508, %select_n3A_1485, %select_n3A_1497 : vector<16xi1>, vector<16xf32>
      %select_n3A_1510 = arith.select %gt3A_1508, %select_n3A_1497, %select_n3A_1485 : vector<16xi1>, vector<16xf32>
      %select_n3A_1511 = arith.select %gt3A_1508, %select_n3A_1486, %select_n3A_1498 : vector<16xi1>, vector<16xi32>
      %select_n3A_1512 = arith.select %gt3A_1508, %select_n3A_1498, %select_n3A_1486 : vector<16xi1>, vector<16xi32>
      %gt3A_1513 = arith.cmpf ogt, %select_n3A_1488, %select_n3A_1500 : vector<16xf32>
      %select_n3A_1514 = arith.select %gt3A_1513, %select_n3A_1488, %select_n3A_1500 : vector<16xi1>, vector<16xf32>
      %select_n3A_1515 = arith.select %gt3A_1513, %select_n3A_1500, %select_n3A_1488 : vector<16xi1>, vector<16xf32>
      %select_n3A_1516 = arith.select %gt3A_1513, %select_n3A_1489, %select_n3A_1501 : vector<16xi1>, vector<16xi32>
      %select_n3A_1517 = arith.select %gt3A_1513, %select_n3A_1501, %select_n3A_1489 : vector<16xi1>, vector<16xi32>
      %gt3A_1518 = arith.cmpf ogt, %select_n3A_1491, %select_n3A_1503 : vector<16xf32>
      %select_n3A_1519 = arith.select %gt3A_1518, %select_n3A_1491, %select_n3A_1503 : vector<16xi1>, vector<16xf32>
      %select_n3A_1520 = arith.select %gt3A_1518, %select_n3A_1503, %select_n3A_1491 : vector<16xi1>, vector<16xf32>
      %select_n3A_1521 = arith.select %gt3A_1518, %select_n3A_1492, %select_n3A_1504 : vector<16xi1>, vector<16xi32>
      %select_n3A_1522 = arith.select %gt3A_1518, %select_n3A_1504, %select_n3A_1492 : vector<16xi1>, vector<16xi32>
      %gt3A_1523 = arith.cmpf ogt, %select_n3A_1494, %select_n3A_1506 : vector<16xf32>
      %select_n3A_1524 = arith.select %gt3A_1523, %select_n3A_1494, %select_n3A_1506 : vector<16xi1>, vector<16xf32>
      %select_n3A_1525 = arith.select %gt3A_1523, %select_n3A_1506, %select_n3A_1494 : vector<16xi1>, vector<16xf32>
      %select_n3A_1526 = arith.select %gt3A_1523, %select_n3A_1495, %select_n3A_1507 : vector<16xi1>, vector<16xi32>
      %select_n3A_1527 = arith.select %gt3A_1523, %select_n3A_1507, %select_n3A_1495 : vector<16xi1>, vector<16xi32>
      %gt3A_1528 = arith.cmpf ogt, %select_n3A_1509, %select_n3A_1519 : vector<16xf32>
      %select_n3A_1529 = arith.select %gt3A_1528, %select_n3A_1509, %select_n3A_1519 : vector<16xi1>, vector<16xf32>
      %select_n3A_1530 = arith.select %gt3A_1528, %select_n3A_1519, %select_n3A_1509 : vector<16xi1>, vector<16xf32>
      %select_n3A_1531 = arith.select %gt3A_1528, %select_n3A_1511, %select_n3A_1521 : vector<16xi1>, vector<16xi32>
      %select_n3A_1532 = arith.select %gt3A_1528, %select_n3A_1521, %select_n3A_1511 : vector<16xi1>, vector<16xi32>
      %gt3A_1533 = arith.cmpf ogt, %select_n3A_1514, %select_n3A_1524 : vector<16xf32>
      %select_n3A_1534 = arith.select %gt3A_1533, %select_n3A_1514, %select_n3A_1524 : vector<16xi1>, vector<16xf32>
      %select_n3A_1535 = arith.select %gt3A_1533, %select_n3A_1524, %select_n3A_1514 : vector<16xi1>, vector<16xf32>
      %select_n3A_1536 = arith.select %gt3A_1533, %select_n3A_1516, %select_n3A_1526 : vector<16xi1>, vector<16xi32>
      %select_n3A_1537 = arith.select %gt3A_1533, %select_n3A_1526, %select_n3A_1516 : vector<16xi1>, vector<16xi32>
      %gt3A_1538 = arith.cmpf ogt, %select_n3A_1510, %select_n3A_1520 : vector<16xf32>
      %select_n3A_1539 = arith.select %gt3A_1538, %select_n3A_1510, %select_n3A_1520 : vector<16xi1>, vector<16xf32>
      %select_n3A_1540 = arith.select %gt3A_1538, %select_n3A_1520, %select_n3A_1510 : vector<16xi1>, vector<16xf32>
      %select_n3A_1541 = arith.select %gt3A_1538, %select_n3A_1512, %select_n3A_1522 : vector<16xi1>, vector<16xi32>
      %select_n3A_1542 = arith.select %gt3A_1538, %select_n3A_1522, %select_n3A_1512 : vector<16xi1>, vector<16xi32>
      %gt3A_1543 = arith.cmpf ogt, %select_n3A_1515, %select_n3A_1525 : vector<16xf32>
      %select_n3A_1544 = arith.select %gt3A_1543, %select_n3A_1515, %select_n3A_1525 : vector<16xi1>, vector<16xf32>
      %select_n3A_1545 = arith.select %gt3A_1543, %select_n3A_1525, %select_n3A_1515 : vector<16xi1>, vector<16xf32>
      %select_n3A_1546 = arith.select %gt3A_1543, %select_n3A_1517, %select_n3A_1527 : vector<16xi1>, vector<16xi32>
      %select_n3A_1547 = arith.select %gt3A_1543, %select_n3A_1527, %select_n3A_1517 : vector<16xi1>, vector<16xi32>
      %gt3A_1548 = arith.cmpf ogt, %select_n3A_1529, %select_n3A_1534 : vector<16xf32>
      %select_n3A_1549 = arith.select %gt3A_1548, %select_n3A_1529, %select_n3A_1534 : vector<16xi1>, vector<16xf32>
      %select_n3A_1550 = arith.select %gt3A_1548, %select_n3A_1534, %select_n3A_1529 : vector<16xi1>, vector<16xf32>
      %select_n3A_1551 = arith.select %gt3A_1548, %select_n3A_1531, %select_n3A_1536 : vector<16xi1>, vector<16xi32>
      %select_n3A_1552 = arith.select %gt3A_1548, %select_n3A_1536, %select_n3A_1531 : vector<16xi1>, vector<16xi32>
      %gt3A_1553 = arith.cmpf ogt, %select_n3A_1530, %select_n3A_1535 : vector<16xf32>
      %select_n3A_1554 = arith.select %gt3A_1553, %select_n3A_1530, %select_n3A_1535 : vector<16xi1>, vector<16xf32>
      %select_n3A_1555 = arith.select %gt3A_1553, %select_n3A_1535, %select_n3A_1530 : vector<16xi1>, vector<16xf32>
      %select_n3A_1556 = arith.select %gt3A_1553, %select_n3A_1532, %select_n3A_1537 : vector<16xi1>, vector<16xi32>
      %select_n3A_1557 = arith.select %gt3A_1553, %select_n3A_1537, %select_n3A_1532 : vector<16xi1>, vector<16xi32>
      %gt3A_1558 = arith.cmpf ogt, %select_n3A_1539, %select_n3A_1544 : vector<16xf32>
      %select_n3A_1559 = arith.select %gt3A_1558, %select_n3A_1539, %select_n3A_1544 : vector<16xi1>, vector<16xf32>
      %select_n3A_1560 = arith.select %gt3A_1558, %select_n3A_1544, %select_n3A_1539 : vector<16xi1>, vector<16xf32>
      %select_n3A_1561 = arith.select %gt3A_1558, %select_n3A_1541, %select_n3A_1546 : vector<16xi1>, vector<16xi32>
      %select_n3A_1562 = arith.select %gt3A_1558, %select_n3A_1546, %select_n3A_1541 : vector<16xi1>, vector<16xi32>
      %gt3A_1563 = arith.cmpf ogt, %select_n3A_1540, %select_n3A_1545 : vector<16xf32>
      %select_n3A_1564 = arith.select %gt3A_1563, %select_n3A_1540, %select_n3A_1545 : vector<16xi1>, vector<16xf32>
      %select_n3A_1565 = arith.select %gt3A_1563, %select_n3A_1545, %select_n3A_1540 : vector<16xi1>, vector<16xf32>
      %select_n3A_1566 = arith.select %gt3A_1563, %select_n3A_1542, %select_n3A_1547 : vector<16xi1>, vector<16xi32>
      %select_n3A_1567 = arith.select %gt3A_1563, %select_n3A_1547, %select_n3A_1542 : vector<16xi1>, vector<16xi32>
      %get3A_1568 = arith.constant 56 : i32
      %get3A_1569 = arith.index_cast %get3A_1568 : i32 to index
      %get3A_1570 = arith.index_cast %mul3A_10 : i32 to index
      %get3A_1571 = tpu.vector_load %arg5[%get3A_1569, %get3A_1570] {strides = array<i32>} : memref<64x512xf32, #tpu.memory_space<vmem>>, vector<1x16xf32>,
      %get3A_1572 = vector.shape_cast %get3A_1571 : vector<1x16xf32> to vector<16xf32>
      %broadcast_in_dim3A_1573 = arith.constant 56 : i32
      %broadcast_in_dim3A_1574 = vector.broadcast %broadcast_in_dim3A_1573 : i32 to vector<16xi32>
      %get3A_1575 = arith.constant 57 : i32
      %get3A_1576 = arith.index_cast %get3A_1575 : i32 to index
      %get3A_1577 = arith.index_cast %mul3A_10 : i32 to index
      %get3A_1578 = tpu.vector_load %arg5[%get3A_1576, %get3A_1577] {strides = array<i32>} : memref<64x512xf32, #tpu.memory_space<vmem>>, vector<1x16xf32>,
      %get3A_1579 = vector.shape_cast %get3A_1578 : vector<1x16xf32> to vector<16xf32>
      %broadcast_in_dim3A_1580 = arith.constant 57 : i32
      %broadcast_in_dim3A_1581 = vector.broadcast %broadcast_in_dim3A_1580 : i32 to vector<16xi32>
      %get3A_1582 = arith.constant 58 : i32
      %get3A_1583 = arith.index_cast %get3A_1582 : i32 to index
      %get3A_1584 = arith.index_cast %mul3A_10 : i32 to index
      %get3A_1585 = tpu.vector_load %arg5[%get3A_1583, %get3A_1584] {strides = array<i32>} : memref<64x512xf32, #tpu.memory_space<vmem>>, vector<1x16xf32>,
      %get3A_1586 = vector.shape_cast %get3A_1585 : vector<1x16xf32> to vector<16xf32>
      %broadcast_in_dim3A_1587 = arith.constant 58 : i32
      %broadcast_in_dim3A_1588 = vector.broadcast %broadcast_in_dim3A_1587 : i32 to vector<16xi32>
      %get3A_1589 = arith.constant 59 : i32
      %get3A_1590 = arith.index_cast %get3A_1589 : i32 to index
      %get3A_1591 = arith.index_cast %mul3A_10 : i32 to index
      %get3A_1592 = tpu.vector_load %arg5[%get3A_1590, %get3A_1591] {strides = array<i32>} : memref<64x512xf32, #tpu.memory_space<vmem>>, vector<1x16xf32>,
      %get3A_1593 = vector.shape_cast %get3A_1592 : vector<1x16xf32> to vector<16xf32>
      %broadcast_in_dim3A_1594 = arith.constant 59 : i32
      %broadcast_in_dim3A_1595 = vector.broadcast %broadcast_in_dim3A_1594 : i32 to vector<16xi32>
      %get3A_1596 = arith.constant 60 : i32
      %get3A_1597 = arith.index_cast %get3A_1596 : i32 to index
      %get3A_1598 = arith.index_cast %mul3A_10 : i32 to index
      %get3A_1599 = tpu.vector_load %arg5[%get3A_1597, %get3A_1598] {strides = array<i32>} : memref<64x512xf32, #tpu.memory_space<vmem>>, vector<1x16xf32>,
      %get3A_1600 = vector.shape_cast %get3A_1599 : vector<1x16xf32> to vector<16xf32>
      %broadcast_in_dim3A_1601 = arith.constant 60 : i32
      %broadcast_in_dim3A_1602 = vector.broadcast %broadcast_in_dim3A_1601 : i32 to vector<16xi32>
      %get3A_1603 = arith.constant 61 : i32
      %get3A_1604 = arith.index_cast %get3A_1603 : i32 to index
      %get3A_1605 = arith.index_cast %mul3A_10 : i32 to index
      %get3A_1606 = tpu.vector_load %arg5[%get3A_1604, %get3A_1605] {strides = array<i32>} : memref<64x512xf32, #tpu.memory_space<vmem>>, vector<1x16xf32>,
      %get3A_1607 = vector.shape_cast %get3A_1606 : vector<1x16xf32> to vector<16xf32>
      %broadcast_in_dim3A_1608 = arith.constant 61 : i32
      %broadcast_in_dim3A_1609 = vector.broadcast %broadcast_in_dim3A_1608 : i32 to vector<16xi32>
      %get3A_1610 = arith.constant 62 : i32
      %get3A_1611 = arith.index_cast %get3A_1610 : i32 to index
      %get3A_1612 = arith.index_cast %mul3A_10 : i32 to index
      %get3A_1613 = tpu.vector_load %arg5[%get3A_1611, %get3A_1612] {strides = array<i32>} : memref<64x512xf32, #tpu.memory_space<vmem>>, vector<1x16xf32>,
      %get3A_1614 = vector.shape_cast %get3A_1613 : vector<1x16xf32> to vector<16xf32>
      %broadcast_in_dim3A_1615 = arith.constant 62 : i32
      %broadcast_in_dim3A_1616 = vector.broadcast %broadcast_in_dim3A_1615 : i32 to vector<16xi32>
      %get3A_1617 = arith.constant 63 : i32
      %get3A_1618 = arith.index_cast %get3A_1617 : i32 to index
      %get3A_1619 = arith.index_cast %mul3A_10 : i32 to index
      %get3A_1620 = tpu.vector_load %arg5[%get3A_1618, %get3A_1619] {strides = array<i32>} : memref<64x512xf32, #tpu.memory_space<vmem>>, vector<1x16xf32>,
      %get3A_1621 = vector.shape_cast %get3A_1620 : vector<1x16xf32> to vector<16xf32>
      %broadcast_in_dim3A_1622 = arith.constant 63 : i32
      %broadcast_in_dim3A_1623 = vector.broadcast %broadcast_in_dim3A_1622 : i32 to vector<16xi32>
      %gt3A_1624 = arith.cmpf ogt, %get3A_1572, %get3A_1579 : vector<16xf32>
      %select_n3A_1625 = arith.select %gt3A_1624, %get3A_1572, %get3A_1579 : vector<16xi1>, vector<16xf32>
      %select_n3A_1626 = arith.select %gt3A_1624, %get3A_1579, %get3A_1572 : vector<16xi1>, vector<16xf32>
      %select_n3A_1627 = arith.select %gt3A_1624, %broadcast_in_dim3A_1574, %broadcast_in_dim3A_1581 : vector<16xi1>, vector<16xi32>
      %select_n3A_1628 = arith.select %gt3A_1624, %broadcast_in_dim3A_1581, %broadcast_in_dim3A_1574 : vector<16xi1>, vector<16xi32>
      %gt3A_1629 = arith.cmpf ogt, %get3A_1586, %get3A_1593 : vector<16xf32>
      %select_n3A_1630 = arith.select %gt3A_1629, %get3A_1586, %get3A_1593 : vector<16xi1>, vector<16xf32>
      %select_n3A_1631 = arith.select %gt3A_1629, %get3A_1593, %get3A_1586 : vector<16xi1>, vector<16xf32>
      %select_n3A_1632 = arith.select %gt3A_1629, %broadcast_in_dim3A_1588, %broadcast_in_dim3A_1595 : vector<16xi1>, vector<16xi32>
      %select_n3A_1633 = arith.select %gt3A_1629, %broadcast_in_dim3A_1595, %broadcast_in_dim3A_1588 : vector<16xi1>, vector<16xi32>
      %gt3A_1634 = arith.cmpf ogt, %get3A_1600, %get3A_1607 : vector<16xf32>
      %select_n3A_1635 = arith.select %gt3A_1634, %get3A_1600, %get3A_1607 : vector<16xi1>, vector<16xf32>
      %select_n3A_1636 = arith.select %gt3A_1634, %get3A_1607, %get3A_1600 : vector<16xi1>, vector<16xf32>
      %select_n3A_1637 = arith.select %gt3A_1634, %broadcast_in_dim3A_1602, %broadcast_in_dim3A_1609 : vector<16xi1>, vector<16xi32>
      %select_n3A_1638 = arith.select %gt3A_1634, %broadcast_in_dim3A_1609, %broadcast_in_dim3A_1602 : vector<16xi1>, vector<16xi32>
      %gt3A_1639 = arith.cmpf ogt, %get3A_1614, %get3A_1621 : vector<16xf32>
      %select_n3A_1640 = arith.select %gt3A_1639, %get3A_1614, %get3A_1621 : vector<16xi1>, vector<16xf32>
      %select_n3A_1641 = arith.select %gt3A_1639, %get3A_1621, %get3A_1614 : vector<16xi1>, vector<16xf32>
      %select_n3A_1642 = arith.select %gt3A_1639, %broadcast_in_dim3A_1616, %broadcast_in_dim3A_1623 : vector<16xi1>, vector<16xi32>
      %select_n3A_1643 = arith.select %gt3A_1639, %broadcast_in_dim3A_1623, %broadcast_in_dim3A_1616 : vector<16xi1>, vector<16xi32>
      %gt3A_1644 = arith.cmpf ogt, %select_n3A_1625, %select_n3A_1630 : vector<16xf32>
      %select_n3A_1645 = arith.select %gt3A_1644, %select_n3A_1625, %select_n3A_1630 : vector<16xi1>, vector<16xf32>
      %select_n3A_1646 = arith.select %gt3A_1644, %select_n3A_1630, %select_n3A_1625 : vector<16xi1>, vector<16xf32>
      %select_n3A_1647 = arith.select %gt3A_1644, %select_n3A_1627, %select_n3A_1632 : vector<16xi1>, vector<16xi32>
      %select_n3A_1648 = arith.select %gt3A_1644, %select_n3A_1632, %select_n3A_1627 : vector<16xi1>, vector<16xi32>
      %gt3A_1649 = arith.cmpf ogt, %select_n3A_1626, %select_n3A_1631 : vector<16xf32>
      %select_n3A_1650 = arith.select %gt3A_1649, %select_n3A_1626, %select_n3A_1631 : vector<16xi1>, vector<16xf32>
      %select_n3A_1651 = arith.select %gt3A_1649, %select_n3A_1631, %select_n3A_1626 : vector<16xi1>, vector<16xf32>
      %select_n3A_1652 = arith.select %gt3A_1649, %select_n3A_1628, %select_n3A_1633 : vector<16xi1>, vector<16xi32>
      %select_n3A_1653 = arith.select %gt3A_1649, %select_n3A_1633, %select_n3A_1628 : vector<16xi1>, vector<16xi32>
      %gt3A_1654 = arith.cmpf ogt, %select_n3A_1635, %select_n3A_1640 : vector<16xf32>
      %select_n3A_1655 = arith.select %gt3A_1654, %select_n3A_1635, %select_n3A_1640 : vector<16xi1>, vector<16xf32>
      %select_n3A_1656 = arith.select %gt3A_1654, %select_n3A_1640, %select_n3A_1635 : vector<16xi1>, vector<16xf32>
      %select_n3A_1657 = arith.select %gt3A_1654, %select_n3A_1637, %select_n3A_1642 : vector<16xi1>, vector<16xi32>
      %select_n3A_1658 = arith.select %gt3A_1654, %select_n3A_1642, %select_n3A_1637 : vector<16xi1>, vector<16xi32>
      %gt3A_1659 = arith.cmpf ogt, %select_n3A_1636, %select_n3A_1641 : vector<16xf32>
      %select_n3A_1660 = arith.select %gt3A_1659, %select_n3A_1636, %select_n3A_1641 : vector<16xi1>, vector<16xf32>
      %select_n3A_1661 = arith.select %gt3A_1659, %select_n3A_1641, %select_n3A_1636 : vector<16xi1>, vector<16xf32>
      %select_n3A_1662 = arith.select %gt3A_1659, %select_n3A_1638, %select_n3A_1643 : vector<16xi1>, vector<16xi32>
      %select_n3A_1663 = arith.select %gt3A_1659, %select_n3A_1643, %select_n3A_1638 : vector<16xi1>, vector<16xi32>
      %gt3A_1664 = arith.cmpf ogt, %select_n3A_1650, %select_n3A_1646 : vector<16xf32>
      %select_n3A_1665 = arith.select %gt3A_1664, %select_n3A_1650, %select_n3A_1646 : vector<16xi1>, vector<16xf32>
      %select_n3A_1666 = arith.select %gt3A_1664, %select_n3A_1646, %select_n3A_1650 : vector<16xi1>, vector<16xf32>
      %select_n3A_1667 = arith.select %gt3A_1664, %select_n3A_1652, %select_n3A_1648 : vector<16xi1>, vector<16xi32>
      %select_n3A_1668 = arith.select %gt3A_1664, %select_n3A_1648, %select_n3A_1652 : vector<16xi1>, vector<16xi32>
      %gt3A_1669 = arith.cmpf ogt, %select_n3A_1660, %select_n3A_1656 : vector<16xf32>
      %select_n3A_1670 = arith.select %gt3A_1669, %select_n3A_1660, %select_n3A_1656 : vector<16xi1>, vector<16xf32>
      %select_n3A_1671 = arith.select %gt3A_1669, %select_n3A_1656, %select_n3A_1660 : vector<16xi1>, vector<16xf32>
      %select_n3A_1672 = arith.select %gt3A_1669, %select_n3A_1662, %select_n3A_1658 : vector<16xi1>, vector<16xi32>
      %select_n3A_1673 = arith.select %gt3A_1669, %select_n3A_1658, %select_n3A_1662 : vector<16xi1>, vector<16xi32>
      %gt3A_1674 = arith.cmpf ogt, %select_n3A_1645, %select_n3A_1655 : vector<16xf32>
      %select_n3A_1675 = arith.select %gt3A_1674, %select_n3A_1645, %select_n3A_1655 : vector<16xi1>, vector<16xf32>
      %select_n3A_1676 = arith.select %gt3A_1674, %select_n3A_1655, %select_n3A_1645 : vector<16xi1>, vector<16xf32>
      %select_n3A_1677 = arith.select %gt3A_1674, %select_n3A_1647, %select_n3A_1657 : vector<16xi1>, vector<16xi32>
      %select_n3A_1678 = arith.select %gt3A_1674, %select_n3A_1657, %select_n3A_1647 : vector<16xi1>, vector<16xi32>
      %gt3A_1679 = arith.cmpf ogt, %select_n3A_1651, %select_n3A_1661 : vector<16xf32>
      %select_n3A_1680 = arith.select %gt3A_1679, %select_n3A_1651, %select_n3A_1661 : vector<16xi1>, vector<16xf32>
      %select_n3A_1681 = arith.select %gt3A_1679, %select_n3A_1661, %select_n3A_1651 : vector<16xi1>, vector<16xf32>
      %select_n3A_1682 = arith.select %gt3A_1679, %select_n3A_1653, %select_n3A_1663 : vector<16xi1>, vector<16xi32>
      %select_n3A_1683 = arith.select %gt3A_1679, %select_n3A_1663, %select_n3A_1653 : vector<16xi1>, vector<16xi32>
      %gt3A_1684 = arith.cmpf ogt, %select_n3A_1665, %select_n3A_1670 : vector<16xf32>
      %select_n3A_1685 = arith.select %gt3A_1684, %select_n3A_1665, %select_n3A_1670 : vector<16xi1>, vector<16xf32>
      %select_n3A_1686 = arith.select %gt3A_1684, %select_n3A_1670, %select_n3A_1665 : vector<16xi1>, vector<16xf32>
      %select_n3A_1687 = arith.select %gt3A_1684, %select_n3A_1667, %select_n3A_1672 : vector<16xi1>, vector<16xi32>
      %select_n3A_1688 = arith.select %gt3A_1684, %select_n3A_1672, %select_n3A_1667 : vector<16xi1>, vector<16xi32>
      %gt3A_1689 = arith.cmpf ogt, %select_n3A_1666, %select_n3A_1671 : vector<16xf32>
      %select_n3A_1690 = arith.select %gt3A_1689, %select_n3A_1666, %select_n3A_1671 : vector<16xi1>, vector<16xf32>
      %select_n3A_1691 = arith.select %gt3A_1689, %select_n3A_1671, %select_n3A_1666 : vector<16xi1>, vector<16xf32>
      %select_n3A_1692 = arith.select %gt3A_1689, %select_n3A_1668, %select_n3A_1673 : vector<16xi1>, vector<16xi32>
      %select_n3A_1693 = arith.select %gt3A_1689, %select_n3A_1673, %select_n3A_1668 : vector<16xi1>, vector<16xi32>
      %gt3A_1694 = arith.cmpf ogt, %select_n3A_1685, %select_n3A_1676 : vector<16xf32>
      %select_n3A_1695 = arith.select %gt3A_1694, %select_n3A_1685, %select_n3A_1676 : vector<16xi1>, vector<16xf32>
      %select_n3A_1696 = arith.select %gt3A_1694, %select_n3A_1676, %select_n3A_1685 : vector<16xi1>, vector<16xf32>
      %select_n3A_1697 = arith.select %gt3A_1694, %select_n3A_1687, %select_n3A_1678 : vector<16xi1>, vector<16xi32>
      %select_n3A_1698 = arith.select %gt3A_1694, %select_n3A_1678, %select_n3A_1687 : vector<16xi1>, vector<16xi32>
      %gt3A_1699 = arith.cmpf ogt, %select_n3A_1680, %select_n3A_1691 : vector<16xf32>
      %select_n3A_1700 = arith.select %gt3A_1699, %select_n3A_1680, %select_n3A_1691 : vector<16xi1>, vector<16xf32>
      %select_n3A_1701 = arith.select %gt3A_1699, %select_n3A_1691, %select_n3A_1680 : vector<16xi1>, vector<16xf32>
      %select_n3A_1702 = arith.select %gt3A_1699, %select_n3A_1682, %select_n3A_1693 : vector<16xi1>, vector<16xi32>
      %select_n3A_1703 = arith.select %gt3A_1699, %select_n3A_1693, %select_n3A_1682 : vector<16xi1>, vector<16xi32>
      %gt3A_1704 = arith.cmpf ogt, %select_n3A_1690, %select_n3A_1696 : vector<16xf32>
      %select_n3A_1705 = arith.select %gt3A_1704, %select_n3A_1690, %select_n3A_1696 : vector<16xi1>, vector<16xf32>
      %select_n3A_1706 = arith.select %gt3A_1704, %select_n3A_1696, %select_n3A_1690 : vector<16xi1>, vector<16xf32>
      %select_n3A_1707 = arith.select %gt3A_1704, %select_n3A_1692, %select_n3A_1698 : vector<16xi1>, vector<16xi32>
      %select_n3A_1708 = arith.select %gt3A_1704, %select_n3A_1698, %select_n3A_1692 : vector<16xi1>, vector<16xi32>
      %gt3A_1709 = arith.cmpf ogt, %select_n3A_1700, %select_n3A_1686 : vector<16xf32>
      %select_n3A_1710 = arith.select %gt3A_1709, %select_n3A_1700, %select_n3A_1686 : vector<16xi1>, vector<16xf32>
      %select_n3A_1711 = arith.select %gt3A_1709, %select_n3A_1686, %select_n3A_1700 : vector<16xi1>, vector<16xf32>
      %select_n3A_1712 = arith.select %gt3A_1709, %select_n3A_1702, %select_n3A_1688 : vector<16xi1>, vector<16xi32>
      %select_n3A_1713 = arith.select %gt3A_1709, %select_n3A_1688, %select_n3A_1702 : vector<16xi1>, vector<16xi32>
      %gt3A_1714 = arith.cmpf ogt, %select_n3A_1710, %select_n3A_1706 : vector<16xf32>
      %select_n3A_1715 = arith.select %gt3A_1714, %select_n3A_1710, %select_n3A_1706 : vector<16xi1>, vector<16xf32>
      %select_n3A_1716 = arith.select %gt3A_1714, %select_n3A_1706, %select_n3A_1710 : vector<16xi1>, vector<16xf32>
      %select_n3A_1717 = arith.select %gt3A_1714, %select_n3A_1712, %select_n3A_1708 : vector<16xi1>, vector<16xi32>
      %select_n3A_1718 = arith.select %gt3A_1714, %select_n3A_1708, %select_n3A_1712 : vector<16xi1>, vector<16xi32>
      %gt3A_1719 = arith.cmpf ogt, %select_n3A_1549, %select_n3A_1681 : vector<16xf32>
      %select_n3A_1720 = arith.select %gt3A_1719, %select_n3A_1549, %select_n3A_1681 : vector<16xi1>, vector<16xf32>
      %select_n3A_1721 = arith.select %gt3A_1719, %select_n3A_1551, %select_n3A_1683 : vector<16xi1>, vector<16xi32>
      %gt3A_1722 = arith.cmpf ogt, %select_n3A_1550, %select_n3A_1701 : vector<16xf32>
      %select_n3A_1723 = arith.select %gt3A_1722, %select_n3A_1550, %select_n3A_1701 : vector<16xi1>, vector<16xf32>
      %select_n3A_1724 = arith.select %gt3A_1722, %select_n3A_1552, %select_n3A_1703 : vector<16xi1>, vector<16xi32>
      %gt3A_1725 = arith.cmpf ogt, %select_n3A_1554, %select_n3A_1711 : vector<16xf32>
      %select_n3A_1726 = arith.select %gt3A_1725, %select_n3A_1554, %select_n3A_1711 : vector<16xi1>, vector<16xf32>
      %select_n3A_1727 = arith.select %gt3A_1725, %select_n3A_1556, %select_n3A_1713 : vector<16xi1>, vector<16xi32>
      %gt3A_1728 = arith.cmpf ogt, %select_n3A_1555, %select_n3A_1716 : vector<16xf32>
      %select_n3A_1729 = arith.select %gt3A_1728, %select_n3A_1555, %select_n3A_1716 : vector<16xi1>, vector<16xf32>
      %select_n3A_1730 = arith.select %gt3A_1728, %select_n3A_1557, %select_n3A_1718 : vector<16xi1>, vector<16xi32>
      %gt3A_1731 = arith.cmpf ogt, %select_n3A_1559, %select_n3A_1715 : vector<16xf32>
      %select_n3A_1732 = arith.select %gt3A_1731, %select_n3A_1559, %select_n3A_1715 : vector<16xi1>, vector<16xf32>
      %select_n3A_1733 = arith.select %gt3A_1731, %select_n3A_1561, %select_n3A_1717 : vector<16xi1>, vector<16xi32>
      %gt3A_1734 = arith.cmpf ogt, %select_n3A_1560, %select_n3A_1705 : vector<16xf32>
      %select_n3A_1735 = arith.select %gt3A_1734, %select_n3A_1560, %select_n3A_1705 : vector<16xi1>, vector<16xf32>
      %select_n3A_1736 = arith.select %gt3A_1734, %select_n3A_1562, %select_n3A_1707 : vector<16xi1>, vector<16xi32>
      %gt3A_1737 = arith.cmpf ogt, %select_n3A_1564, %select_n3A_1695 : vector<16xf32>
      %select_n3A_1738 = arith.select %gt3A_1737, %select_n3A_1564, %select_n3A_1695 : vector<16xi1>, vector<16xf32>
      %select_n3A_1739 = arith.select %gt3A_1737, %select_n3A_1566, %select_n3A_1697 : vector<16xi1>, vector<16xi32>
      %gt3A_1740 = arith.cmpf ogt, %select_n3A_1565, %select_n3A_1675 : vector<16xf32>
      %select_n3A_1741 = arith.select %gt3A_1740, %select_n3A_1565, %select_n3A_1675 : vector<16xi1>, vector<16xf32>
      %select_n3A_1742 = arith.select %gt3A_1740, %select_n3A_1567, %select_n3A_1677 : vector<16xi1>, vector<16xi32>
      %gt3A_1743 = arith.cmpf ogt, %select_n3A_1720, %select_n3A_1732 : vector<16xf32>
      %select_n3A_1744 = arith.select %gt3A_1743, %select_n3A_1720, %select_n3A_1732 : vector<16xi1>, vector<16xf32>
      %select_n3A_1745 = arith.select %gt3A_1743, %select_n3A_1732, %select_n3A_1720 : vector<16xi1>, vector<16xf32>
      %select_n3A_1746 = arith.select %gt3A_1743, %select_n3A_1721, %select_n3A_1733 : vector<16xi1>, vector<16xi32>
      %select_n3A_1747 = arith.select %gt3A_1743, %select_n3A_1733, %select_n3A_1721 : vector<16xi1>, vector<16xi32>
      %gt3A_1748 = arith.cmpf ogt, %select_n3A_1723, %select_n3A_1735 : vector<16xf32>
      %select_n3A_1749 = arith.select %gt3A_1748, %select_n3A_1723, %select_n3A_1735 : vector<16xi1>, vector<16xf32>
      %select_n3A_1750 = arith.select %gt3A_1748, %select_n3A_1735, %select_n3A_1723 : vector<16xi1>, vector<16xf32>
      %select_n3A_1751 = arith.select %gt3A_1748, %select_n3A_1724, %select_n3A_1736 : vector<16xi1>, vector<16xi32>
      %select_n3A_1752 = arith.select %gt3A_1748, %select_n3A_1736, %select_n3A_1724 : vector<16xi1>, vector<16xi32>
      %gt3A_1753 = arith.cmpf ogt, %select_n3A_1726, %select_n3A_1738 : vector<16xf32>
      %select_n3A_1754 = arith.select %gt3A_1753, %select_n3A_1726, %select_n3A_1738 : vector<16xi1>, vector<16xf32>
      %select_n3A_1755 = arith.select %gt3A_1753, %select_n3A_1738, %select_n3A_1726 : vector<16xi1>, vector<16xf32>
      %select_n3A_1756 = arith.select %gt3A_1753, %select_n3A_1727, %select_n3A_1739 : vector<16xi1>, vector<16xi32>
      %select_n3A_1757 = arith.select %gt3A_1753, %select_n3A_1739, %select_n3A_1727 : vector<16xi1>, vector<16xi32>
      %gt3A_1758 = arith.cmpf ogt, %select_n3A_1729, %select_n3A_1741 : vector<16xf32>
      %select_n3A_1759 = arith.select %gt3A_1758, %select_n3A_1729, %select_n3A_1741 : vector<16xi1>, vector<16xf32>
      %select_n3A_1760 = arith.select %gt3A_1758, %select_n3A_1741, %select_n3A_1729 : vector<16xi1>, vector<16xf32>
      %select_n3A_1761 = arith.select %gt3A_1758, %select_n3A_1730, %select_n3A_1742 : vector<16xi1>, vector<16xi32>
      %select_n3A_1762 = arith.select %gt3A_1758, %select_n3A_1742, %select_n3A_1730 : vector<16xi1>, vector<16xi32>
      %gt3A_1763 = arith.cmpf ogt, %select_n3A_1744, %select_n3A_1754 : vector<16xf32>
      %select_n3A_1764 = arith.select %gt3A_1763, %select_n3A_1744, %select_n3A_1754 : vector<16xi1>, vector<16xf32>
      %select_n3A_1765 = arith.select %gt3A_1763, %select_n3A_1754, %select_n3A_1744 : vector<16xi1>, vector<16xf32>
      %select_n3A_1766 = arith.select %gt3A_1763, %select_n3A_1746, %select_n3A_1756 : vector<16xi1>, vector<16xi32>
      %select_n3A_1767 = arith.select %gt3A_1763, %select_n3A_1756, %select_n3A_1746 : vector<16xi1>, vector<16xi32>
      %gt3A_1768 = arith.cmpf ogt, %select_n3A_1749, %select_n3A_1759 : vector<16xf32>
      %select_n3A_1769 = arith.select %gt3A_1768, %select_n3A_1749, %select_n3A_1759 : vector<16xi1>, vector<16xf32>
      %select_n3A_1770 = arith.select %gt3A_1768, %select_n3A_1759, %select_n3A_1749 : vector<16xi1>, vector<16xf32>
      %select_n3A_1771 = arith.select %gt3A_1768, %select_n3A_1751, %select_n3A_1761 : vector<16xi1>, vector<16xi32>
      %select_n3A_1772 = arith.select %gt3A_1768, %select_n3A_1761, %select_n3A_1751 : vector<16xi1>, vector<16xi32>
      %gt3A_1773 = arith.cmpf ogt, %select_n3A_1745, %select_n3A_1755 : vector<16xf32>
      %select_n3A_1774 = arith.select %gt3A_1773, %select_n3A_1745, %select_n3A_1755 : vector<16xi1>, vector<16xf32>
      %select_n3A_1775 = arith.select %gt3A_1773, %select_n3A_1755, %select_n3A_1745 : vector<16xi1>, vector<16xf32>
      %select_n3A_1776 = arith.select %gt3A_1773, %select_n3A_1747, %select_n3A_1757 : vector<16xi1>, vector<16xi32>
      %select_n3A_1777 = arith.select %gt3A_1773, %select_n3A_1757, %select_n3A_1747 : vector<16xi1>, vector<16xi32>
      %gt3A_1778 = arith.cmpf ogt, %select_n3A_1750, %select_n3A_1760 : vector<16xf32>
      %select_n3A_1779 = arith.select %gt3A_1778, %select_n3A_1750, %select_n3A_1760 : vector<16xi1>, vector<16xf32>
      %select_n3A_1780 = arith.select %gt3A_1778, %select_n3A_1760, %select_n3A_1750 : vector<16xi1>, vector<16xf32>
      %select_n3A_1781 = arith.select %gt3A_1778, %select_n3A_1752, %select_n3A_1762 : vector<16xi1>, vector<16xi32>
      %select_n3A_1782 = arith.select %gt3A_1778, %select_n3A_1762, %select_n3A_1752 : vector<16xi1>, vector<16xi32>
      %gt3A_1783 = arith.cmpf ogt, %select_n3A_1764, %select_n3A_1769 : vector<16xf32>
      %select_n3A_1784 = arith.select %gt3A_1783, %select_n3A_1764, %select_n3A_1769 : vector<16xi1>, vector<16xf32>
      %select_n3A_1785 = arith.select %gt3A_1783, %select_n3A_1769, %select_n3A_1764 : vector<16xi1>, vector<16xf32>
      %select_n3A_1786 = arith.select %gt3A_1783, %select_n3A_1766, %select_n3A_1771 : vector<16xi1>, vector<16xi32>
      %select_n3A_1787 = arith.select %gt3A_1783, %select_n3A_1771, %select_n3A_1766 : vector<16xi1>, vector<16xi32>
      %gt3A_1788 = arith.cmpf ogt, %select_n3A_1765, %select_n3A_1770 : vector<16xf32>
      %select_n3A_1789 = arith.select %gt3A_1788, %select_n3A_1765, %select_n3A_1770 : vector<16xi1>, vector<16xf32>
      %select_n3A_1790 = arith.select %gt3A_1788, %select_n3A_1770, %select_n3A_1765 : vector<16xi1>, vector<16xf32>
      %select_n3A_1791 = arith.select %gt3A_1788, %select_n3A_1767, %select_n3A_1772 : vector<16xi1>, vector<16xi32>
      %select_n3A_1792 = arith.select %gt3A_1788, %select_n3A_1772, %select_n3A_1767 : vector<16xi1>, vector<16xi32>
      %gt3A_1793 = arith.cmpf ogt, %select_n3A_1774, %select_n3A_1779 : vector<16xf32>
      %select_n3A_1794 = arith.select %gt3A_1793, %select_n3A_1774, %select_n3A_1779 : vector<16xi1>, vector<16xf32>
      %select_n3A_1795 = arith.select %gt3A_1793, %select_n3A_1779, %select_n3A_1774 : vector<16xi1>, vector<16xf32>
      %select_n3A_1796 = arith.select %gt3A_1793, %select_n3A_1776, %select_n3A_1781 : vector<16xi1>, vector<16xi32>
      %select_n3A_1797 = arith.select %gt3A_1793, %select_n3A_1781, %select_n3A_1776 : vector<16xi1>, vector<16xi32>
      %gt3A_1798 = arith.cmpf ogt, %select_n3A_1775, %select_n3A_1780 : vector<16xf32>
      %select_n3A_1799 = arith.select %gt3A_1798, %select_n3A_1775, %select_n3A_1780 : vector<16xi1>, vector<16xf32>
      %select_n3A_1800 = arith.select %gt3A_1798, %select_n3A_1780, %select_n3A_1775 : vector<16xi1>, vector<16xf32>
      %select_n3A_1801 = arith.select %gt3A_1798, %select_n3A_1777, %select_n3A_1782 : vector<16xi1>, vector<16xi32>
      %select_n3A_1802 = arith.select %gt3A_1798, %select_n3A_1782, %select_n3A_1777 : vector<16xi1>, vector<16xi32>
      %eq3A = arith.cmpf oeq, %select_n3A_1784, %select_n3A_1785 : vector<16xf32>
      %min3A = arith.minsi %select_n3A_1786, %select_n3A_1787 : vector<16xi32>
      %max3A = arith.maxsi %select_n3A_1786, %select_n3A_1787 : vector<16xi32>
      %select_n3A_1803 = arith.select %eq3A, %min3A, %select_n3A_1786 : vector<16xi1>, vector<16xi32>
      %select_n3A_1804 = arith.select %eq3A, %max3A, %select_n3A_1787 : vector<16xi1>, vector<16xi32>
      %eq3A_1805 = arith.cmpf oeq, %select_n3A_1785, %select_n3A_1789 : vector<16xf32>
      %min3A_1806 = arith.minsi %select_n3A_1804, %select_n3A_1791 : vector<16xi32>
      %max3A_1807 = arith.maxsi %select_n3A_1804, %select_n3A_1791 : vector<16xi32>
      %select_n3A_1808 = arith.select %eq3A_1805, %min3A_1806, %select_n3A_1804 : vector<16xi1>, vector<16xi32>
      %select_n3A_1809 = arith.select %eq3A_1805, %max3A_1807, %select_n3A_1791 : vector<16xi1>, vector<16xi32>
      %eq3A_1810 = arith.cmpf oeq, %select_n3A_1789, %select_n3A_1790 : vector<16xf32>
      %min3A_1811 = arith.minsi %select_n3A_1809, %select_n3A_1792 : vector<16xi32>
      %max3A_1812 = arith.maxsi %select_n3A_1809, %select_n3A_1792 : vector<16xi32>
      %select_n3A_1813 = arith.select %eq3A_1810, %min3A_1811, %select_n3A_1809 : vector<16xi1>, vector<16xi32>
      %select_n3A_1814 = arith.select %eq3A_1810, %max3A_1812, %select_n3A_1792 : vector<16xi1>, vector<16xi32>
      %eq3A_1815 = arith.cmpf oeq, %select_n3A_1790, %select_n3A_1794 : vector<16xf32>
      %min3A_1816 = arith.minsi %select_n3A_1814, %select_n3A_1796 : vector<16xi32>
      %max3A_1817 = arith.maxsi %select_n3A_1814, %select_n3A_1796 : vector<16xi32>
      %select_n3A_1818 = arith.select %eq3A_1815, %min3A_1816, %select_n3A_1814 : vector<16xi1>, vector<16xi32>
      %select_n3A_1819 = arith.select %eq3A_1815, %max3A_1817, %select_n3A_1796 : vector<16xi1>, vector<16xi32>
      %eq3A_1820 = arith.cmpf oeq, %select_n3A_1794, %select_n3A_1795 : vector<16xf32>
      %min3A_1821 = arith.minsi %select_n3A_1819, %select_n3A_1797 : vector<16xi32>
      %max3A_1822 = arith.maxsi %select_n3A_1819, %select_n3A_1797 : vector<16xi32>
      %select_n3A_1823 = arith.select %eq3A_1820, %min3A_1821, %select_n3A_1819 : vector<16xi1>, vector<16xi32>
      %select_n3A_1824 = arith.select %eq3A_1820, %max3A_1822, %select_n3A_1797 : vector<16xi1>, vector<16xi32>
      %eq3A_1825 = arith.cmpf oeq, %select_n3A_1795, %select_n3A_1799 : vector<16xf32>
      %min3A_1826 = arith.minsi %select_n3A_1824, %select_n3A_1801 : vector<16xi32>
      %max3A_1827 = arith.maxsi %select_n3A_1824, %select_n3A_1801 : vector<16xi32>
      %select_n3A_1828 = arith.select %eq3A_1825, %min3A_1826, %select_n3A_1824 : vector<16xi1>, vector<16xi32>
      %select_n3A_1829 = arith.select %eq3A_1825, %max3A_1827, %select_n3A_1801 : vector<16xi1>, vector<16xi32>
      %eq3A_1830 = arith.cmpf oeq, %select_n3A_1799, %select_n3A_1800 : vector<16xf32>
      %min3A_1831 = arith.minsi %select_n3A_1829, %select_n3A_1802 : vector<16xi32>
      %max3A_1832 = arith.maxsi %select_n3A_1829, %select_n3A_1802 : vector<16xi32>
      %select_n3A_1833 = arith.select %eq3A_1830, %min3A_1831, %select_n3A_1829 : vector<16xi1>, vector<16xi32>
      %select_n3A_1834 = arith.select %eq3A_1830, %max3A_1832, %select_n3A_1802 : vector<16xi1>, vector<16xi32>
      %eq3A_1835 = arith.cmpf oeq, %select_n3A_1784, %select_n3A_1785 : vector<16xf32>
      %min3A_1836 = arith.minsi %select_n3A_1803, %select_n3A_1808 : vector<16xi32>
      %max3A_1837 = arith.maxsi %select_n3A_1803, %select_n3A_1808 : vector<16xi32>
      %select_n3A_1838 = arith.select %eq3A_1835, %min3A_1836, %select_n3A_1803 : vector<16xi1>, vector<16xi32>
      %select_n3A_1839 = arith.select %eq3A_1835, %max3A_1837, %select_n3A_1808 : vector<16xi1>, vector<16xi32>
      %eq3A_1840 = arith.cmpf oeq, %select_n3A_1785, %select_n3A_1789 : vector<16xf32>
      %min3A_1841 = arith.minsi %select_n3A_1839, %select_n3A_1813 : vector<16xi32>
      %max3A_1842 = arith.maxsi %select_n3A_1839, %select_n3A_1813 : vector<16xi32>
      %select_n3A_1843 = arith.select %eq3A_1840, %min3A_1841, %select_n3A_1839 : vector<16xi1>, vector<16xi32>
      %select_n3A_1844 = arith.select %eq3A_1840, %max3A_1842, %select_n3A_1813 : vector<16xi1>, vector<16xi32>
      %eq3A_1845 = arith.cmpf oeq, %select_n3A_1789, %select_n3A_1790 : vector<16xf32>
      %min3A_1846 = arith.minsi %select_n3A_1844, %select_n3A_1818 : vector<16xi32>
      %max3A_1847 = arith.maxsi %select_n3A_1844, %select_n3A_1818 : vector<16xi32>
      %select_n3A_1848 = arith.select %eq3A_1845, %min3A_1846, %select_n3A_1844 : vector<16xi1>, vector<16xi32>
      %select_n3A_1849 = arith.select %eq3A_1845, %max3A_1847, %select_n3A_1818 : vector<16xi1>, vector<16xi32>
      %eq3A_1850 = arith.cmpf oeq, %select_n3A_1790, %select_n3A_1794 : vector<16xf32>
      %min3A_1851 = arith.minsi %select_n3A_1849, %select_n3A_1823 : vector<16xi32>
      %max3A_1852 = arith.maxsi %select_n3A_1849, %select_n3A_1823 : vector<16xi32>
      %select_n3A_1853 = arith.select %eq3A_1850, %min3A_1851, %select_n3A_1849 : vector<16xi1>, vector<16xi32>
      %select_n3A_1854 = arith.select %eq3A_1850, %max3A_1852, %select_n3A_1823 : vector<16xi1>, vector<16xi32>
      %eq3A_1855 = arith.cmpf oeq, %select_n3A_1794, %select_n3A_1795 : vector<16xf32>
      %min3A_1856 = arith.minsi %select_n3A_1854, %select_n3A_1828 : vector<16xi32>
      %max3A_1857 = arith.maxsi %select_n3A_1854, %select_n3A_1828 : vector<16xi32>
      %select_n3A_1858 = arith.select %eq3A_1855, %min3A_1856, %select_n3A_1854 : vector<16xi1>, vector<16xi32>
      %select_n3A_1859 = arith.select %eq3A_1855, %max3A_1857, %select_n3A_1828 : vector<16xi1>, vector<16xi32>
      %eq3A_1860 = arith.cmpf oeq, %select_n3A_1795, %select_n3A_1799 : vector<16xf32>
      %min3A_1861 = arith.minsi %select_n3A_1859, %select_n3A_1833 : vector<16xi32>
      %max3A_1862 = arith.maxsi %select_n3A_1859, %select_n3A_1833 : vector<16xi32>
      %select_n3A_1863 = arith.select %eq3A_1860, %min3A_1861, %select_n3A_1859 : vector<16xi1>, vector<16xi32>
      %select_n3A_1864 = arith.select %eq3A_1860, %max3A_1862, %select_n3A_1833 : vector<16xi1>, vector<16xi32>
      %eq3A_1865 = arith.cmpf oeq, %select_n3A_1799, %select_n3A_1800 : vector<16xf32>
      %min3A_1866 = arith.minsi %select_n3A_1864, %select_n3A_1834 : vector<16xi32>
      %max3A_1867 = arith.maxsi %select_n3A_1864, %select_n3A_1834 : vector<16xi32>
      %select_n3A_1868 = arith.select %eq3A_1865, %min3A_1866, %select_n3A_1864 : vector<16xi1>, vector<16xi32>
      %select_n3A_1869 = arith.select %eq3A_1865, %max3A_1867, %select_n3A_1834 : vector<16xi1>, vector<16xi32>
      %sub3A = arith.subf %select_n3A_1784, %select_n3A_1784 : vector<16xf32>
      %exp3A = math.exp %sub3A : vector<16xf32>
      %sub3A_1870 = arith.subf %select_n3A_1785, %select_n3A_1784 : vector<16xf32>
      %exp3A_1871 = math.exp %sub3A_1870 : vector<16xf32>
      %sub3A_1872 = arith.subf %select_n3A_1789, %select_n3A_1784 : vector<16xf32>
      %exp3A_1873 = math.exp %sub3A_1872 : vector<16xf32>
      %sub3A_1874 = arith.subf %select_n3A_1790, %select_n3A_1784 : vector<16xf32>
      %exp3A_1875 = math.exp %sub3A_1874 : vector<16xf32>
      %sub3A_1876 = arith.subf %select_n3A_1794, %select_n3A_1784 : vector<16xf32>
      %exp3A_1877 = math.exp %sub3A_1876 : vector<16xf32>
      %sub3A_1878 = arith.subf %select_n3A_1795, %select_n3A_1784 : vector<16xf32>
      %exp3A_1879 = math.exp %sub3A_1878 : vector<16xf32>
      %sub3A_1880 = arith.subf %select_n3A_1799, %select_n3A_1784 : vector<16xf32>
      %exp3A_1881 = math.exp %sub3A_1880 : vector<16xf32>
      %sub3A_1882 = arith.subf %select_n3A_1800, %select_n3A_1784 : vector<16xf32>
      %exp3A_1883 = math.exp %sub3A_1882 : vector<16xf32>
      %add3A_1884 = arith.addf %exp3A, %exp3A_1871 : vector<16xf32>
      %add3A_1885 = arith.addf %add3A_1884, %exp3A_1873 : vector<16xf32>
      %add3A_1886 = arith.addf %add3A_1885, %exp3A_1875 : vector<16xf32>
      %add3A_1887 = arith.addf %add3A_1886, %exp3A_1877 : vector<16xf32>
      %add3A_1888 = arith.addf %add3A_1887, %exp3A_1879 : vector<16xf32>
      %add3A_1889 = arith.addf %add3A_1888, %exp3A_1881 : vector<16xf32>
      %add3A_1890 = arith.addf %add3A_1889, %exp3A_1883 : vector<16xf32>
      %div3A = arith.divf %exp3A, %add3A_1890 : vector<16xf32>
      %swap3A = arith.constant 0 : i32
      %swap3A_1891 = arith.index_cast %swap3A : i32 to index
      %swap3A_1892 = arith.index_cast %mul3A_10 : i32 to index
      %swap3A_1893 = tpu.vector_load %arg6[%swap3A_1891, %swap3A_1892] {strides = array<i32>} : memref<8x512xf32, #tpu.memory_space<vmem>>, vector<1x16xf32>,
      %swap3A_1894 = vector.shape_cast %swap3A_1893 : vector<1x16xf32> to vector<16xf32>
      %swap3A_1895 = vector.shape_cast %div3A : vector<16xf32> to vector<1x16xf32>
      tpu.vector_store %arg6[%swap3A_1891, %swap3A_1892], %swap3A_1895 {strides = array<i32>} : memref<8x512xf32, #tpu.memory_space<vmem>>, vector<1x16xf32>,
      %swap3A_1896 = arith.constant 0 : i32
      %swap3A_1897 = arith.index_cast %swap3A_1896 : i32 to index
      %swap3A_1898 = arith.index_cast %mul3A_10 : i32 to index
      %swap3A_1899 = tpu.vector_load %arg7[%swap3A_1897, %swap3A_1898] {strides = array<i32>} : memref<8x512xi32, #tpu.memory_space<vmem>>, vector<1x16xi32>,
      %swap3A_1900 = vector.shape_cast %swap3A_1899 : vector<1x16xi32> to vector<16xi32>
      %swap3A_1901 = vector.shape_cast %select_n3A_1838 : vector<16xi32> to vector<1x16xi32>
      tpu.vector_store %arg7[%swap3A_1897, %swap3A_1898], %swap3A_1901 {strides = array<i32>} : memref<8x512xi32, #tpu.memory_space<vmem>>, vector<1x16xi32>,
      %div3A_1902 = arith.divf %exp3A_1871, %add3A_1890 : vector<16xf32>
      %swap3A_1903 = arith.constant 1 : i32
      %swap3A_1904 = arith.index_cast %swap3A_1903 : i32 to index
      %swap3A_1905 = arith.index_cast %mul3A_10 : i32 to index
      %swap3A_1906 = tpu.vector_load %arg6[%swap3A_1904, %swap3A_1905] {strides = array<i32>} : memref<8x512xf32, #tpu.memory_space<vmem>>, vector<1x16xf32>,
      %swap3A_1907 = vector.shape_cast %swap3A_1906 : vector<1x16xf32> to vector<16xf32>
      %swap3A_1908 = vector.shape_cast %div3A_1902 : vector<16xf32> to vector<1x16xf32>
      tpu.vector_store %arg6[%swap3A_1904, %swap3A_1905], %swap3A_1908 {strides = array<i32>} : memref<8x512xf32, #tpu.memory_space<vmem>>, vector<1x16xf32>,
      %swap3A_1909 = arith.constant 1 : i32
      %swap3A_1910 = arith.index_cast %swap3A_1909 : i32 to index
      %swap3A_1911 = arith.index_cast %mul3A_10 : i32 to index
      %swap3A_1912 = tpu.vector_load %arg7[%swap3A_1910, %swap3A_1911] {strides = array<i32>} : memref<8x512xi32, #tpu.memory_space<vmem>>, vector<1x16xi32>,
      %swap3A_1913 = vector.shape_cast %swap3A_1912 : vector<1x16xi32> to vector<16xi32>
      %swap3A_1914 = vector.shape_cast %select_n3A_1843 : vector<16xi32> to vector<1x16xi32>
      tpu.vector_store %arg7[%swap3A_1910, %swap3A_1911], %swap3A_1914 {strides = array<i32>} : memref<8x512xi32, #tpu.memory_space<vmem>>, vector<1x16xi32>,
      %div3A_1915 = arith.divf %exp3A_1873, %add3A_1890 : vector<16xf32>
      %swap3A_1916 = arith.constant 2 : i32
      %swap3A_1917 = arith.index_cast %swap3A_1916 : i32 to index
      %swap3A_1918 = arith.index_cast %mul3A_10 : i32 to index
      %swap3A_1919 = tpu.vector_load %arg6[%swap3A_1917, %swap3A_1918] {strides = array<i32>} : memref<8x512xf32, #tpu.memory_space<vmem>>, vector<1x16xf32>,
      %swap3A_1920 = vector.shape_cast %swap3A_1919 : vector<1x16xf32> to vector<16xf32>
      %swap3A_1921 = vector.shape_cast %div3A_1915 : vector<16xf32> to vector<1x16xf32>
      tpu.vector_store %arg6[%swap3A_1917, %swap3A_1918], %swap3A_1921 {strides = array<i32>} : memref<8x512xf32, #tpu.memory_space<vmem>>, vector<1x16xf32>,
      %swap3A_1922 = arith.constant 2 : i32
      %swap3A_1923 = arith.index_cast %swap3A_1922 : i32 to index
      %swap3A_1924 = arith.index_cast %mul3A_10 : i32 to index
      %swap3A_1925 = tpu.vector_load %arg7[%swap3A_1923, %swap3A_1924] {strides = array<i32>} : memref<8x512xi32, #tpu.memory_space<vmem>>, vector<1x16xi32>,
      %swap3A_1926 = vector.shape_cast %swap3A_1925 : vector<1x16xi32> to vector<16xi32>
      %swap3A_1927 = vector.shape_cast %select_n3A_1848 : vector<16xi32> to vector<1x16xi32>
      tpu.vector_store %arg7[%swap3A_1923, %swap3A_1924], %swap3A_1927 {strides = array<i32>} : memref<8x512xi32, #tpu.memory_space<vmem>>, vector<1x16xi32>,
      %div3A_1928 = arith.divf %exp3A_1875, %add3A_1890 : vector<16xf32>
      %swap3A_1929 = arith.constant 3 : i32
      %swap3A_1930 = arith.index_cast %swap3A_1929 : i32 to index
      %swap3A_1931 = arith.index_cast %mul3A_10 : i32 to index
      %swap3A_1932 = tpu.vector_load %arg6[%swap3A_1930, %swap3A_1931] {strides = array<i32>} : memref<8x512xf32, #tpu.memory_space<vmem>>, vector<1x16xf32>,
      %swap3A_1933 = vector.shape_cast %swap3A_1932 : vector<1x16xf32> to vector<16xf32>
      %swap3A_1934 = vector.shape_cast %div3A_1928 : vector<16xf32> to vector<1x16xf32>
      tpu.vector_store %arg6[%swap3A_1930, %swap3A_1931], %swap3A_1934 {strides = array<i32>} : memref<8x512xf32, #tpu.memory_space<vmem>>, vector<1x16xf32>,
      %swap3A_1935 = arith.constant 3 : i32
      %swap3A_1936 = arith.index_cast %swap3A_1935 : i32 to index
      %swap3A_1937 = arith.index_cast %mul3A_10 : i32 to index
      %swap3A_1938 = tpu.vector_load %arg7[%swap3A_1936, %swap3A_1937] {strides = array<i32>} : memref<8x512xi32, #tpu.memory_space<vmem>>, vector<1x16xi32>,
      %swap3A_1939 = vector.shape_cast %swap3A_1938 : vector<1x16xi32> to vector<16xi32>
      %swap3A_1940 = vector.shape_cast %select_n3A_1853 : vector<16xi32> to vector<1x16xi32>
      tpu.vector_store %arg7[%swap3A_1936, %swap3A_1937], %swap3A_1940 {strides = array<i32>} : memref<8x512xi32, #tpu.memory_space<vmem>>, vector<1x16xi32>,
      %div3A_1941 = arith.divf %exp3A_1877, %add3A_1890 : vector<16xf32>
      %swap3A_1942 = arith.constant 4 : i32
      %swap3A_1943 = arith.index_cast %swap3A_1942 : i32 to index
      %swap3A_1944 = arith.index_cast %mul3A_10 : i32 to index
      %swap3A_1945 = tpu.vector_load %arg6[%swap3A_1943, %swap3A_1944] {strides = array<i32>} : memref<8x512xf32, #tpu.memory_space<vmem>>, vector<1x16xf32>,
      %swap3A_1946 = vector.shape_cast %swap3A_1945 : vector<1x16xf32> to vector<16xf32>
      %swap3A_1947 = vector.shape_cast %div3A_1941 : vector<16xf32> to vector<1x16xf32>
      tpu.vector_store %arg6[%swap3A_1943, %swap3A_1944], %swap3A_1947 {strides = array<i32>} : memref<8x512xf32, #tpu.memory_space<vmem>>, vector<1x16xf32>,
      %swap3A_1948 = arith.constant 4 : i32
      %swap3A_1949 = arith.index_cast %swap3A_1948 : i32 to index
      %swap3A_1950 = arith.index_cast %mul3A_10 : i32 to index
      %swap3A_1951 = tpu.vector_load %arg7[%swap3A_1949, %swap3A_1950] {strides = array<i32>} : memref<8x512xi32, #tpu.memory_space<vmem>>, vector<1x16xi32>,
      %swap3A_1952 = vector.shape_cast %swap3A_1951 : vector<1x16xi32> to vector<16xi32>
      %swap3A_1953 = vector.shape_cast %select_n3A_1858 : vector<16xi32> to vector<1x16xi32>
      tpu.vector_store %arg7[%swap3A_1949, %swap3A_1950], %swap3A_1953 {strides = array<i32>} : memref<8x512xi32, #tpu.memory_space<vmem>>, vector<1x16xi32>,
      %div3A_1954 = arith.divf %exp3A_1879, %add3A_1890 : vector<16xf32>
      %swap3A_1955 = arith.constant 5 : i32
      %swap3A_1956 = arith.index_cast %swap3A_1955 : i32 to index
      %swap3A_1957 = arith.index_cast %mul3A_10 : i32 to index
      %swap3A_1958 = tpu.vector_load %arg6[%swap3A_1956, %swap3A_1957] {strides = array<i32>} : memref<8x512xf32, #tpu.memory_space<vmem>>, vector<1x16xf32>,
      %swap3A_1959 = vector.shape_cast %swap3A_1958 : vector<1x16xf32> to vector<16xf32>
      %swap3A_1960 = vector.shape_cast %div3A_1954 : vector<16xf32> to vector<1x16xf32>
      tpu.vector_store %arg6[%swap3A_1956, %swap3A_1957], %swap3A_1960 {strides = array<i32>} : memref<8x512xf32, #tpu.memory_space<vmem>>, vector<1x16xf32>,
      %swap3A_1961 = arith.constant 5 : i32
      %swap3A_1962 = arith.index_cast %swap3A_1961 : i32 to index
      %swap3A_1963 = arith.index_cast %mul3A_10 : i32 to index
      %swap3A_1964 = tpu.vector_load %arg7[%swap3A_1962, %swap3A_1963] {strides = array<i32>} : memref<8x512xi32, #tpu.memory_space<vmem>>, vector<1x16xi32>,
      %swap3A_1965 = vector.shape_cast %swap3A_1964 : vector<1x16xi32> to vector<16xi32>
      %swap3A_1966 = vector.shape_cast %select_n3A_1863 : vector<16xi32> to vector<1x16xi32>
      tpu.vector_store %arg7[%swap3A_1962, %swap3A_1963], %swap3A_1966 {strides = array<i32>} : memref<8x512xi32, #tpu.memory_space<vmem>>, vector<1x16xi32>,
      %div3A_1967 = arith.divf %exp3A_1881, %add3A_1890 : vector<16xf32>
      %swap3A_1968 = arith.constant 6 : i32
      %swap3A_1969 = arith.index_cast %swap3A_1968 : i32 to index
      %swap3A_1970 = arith.index_cast %mul3A_10 : i32 to index
      %swap3A_1971 = tpu.vector_load %arg6[%swap3A_1969, %swap3A_1970] {strides = array<i32>} : memref<8x512xf32, #tpu.memory_space<vmem>>, vector<1x16xf32>,
      %swap3A_1972 = vector.shape_cast %swap3A_1971 : vector<1x16xf32> to vector<16xf32>
      %swap3A_1973 = vector.shape_cast %div3A_1967 : vector<16xf32> to vector<1x16xf32>
      tpu.vector_store %arg6[%swap3A_1969, %swap3A_1970], %swap3A_1973 {strides = array<i32>} : memref<8x512xf32, #tpu.memory_space<vmem>>, vector<1x16xf32>,
      %swap3A_1974 = arith.constant 6 : i32
      %swap3A_1975 = arith.index_cast %swap3A_1974 : i32 to index
      %swap3A_1976 = arith.index_cast %mul3A_10 : i32 to index
      %swap3A_1977 = tpu.vector_load %arg7[%swap3A_1975, %swap3A_1976] {strides = array<i32>} : memref<8x512xi32, #tpu.memory_space<vmem>>, vector<1x16xi32>,
      %swap3A_1978 = vector.shape_cast %swap3A_1977 : vector<1x16xi32> to vector<16xi32>
      %swap3A_1979 = vector.shape_cast %select_n3A_1868 : vector<16xi32> to vector<1x16xi32>
      tpu.vector_store %arg7[%swap3A_1975, %swap3A_1976], %swap3A_1979 {strides = array<i32>} : memref<8x512xi32, #tpu.memory_space<vmem>>, vector<1x16xi32>,
      %div3A_1980 = arith.divf %exp3A_1883, %add3A_1890 : vector<16xf32>
      %swap3A_1981 = arith.constant 7 : i32
      %swap3A_1982 = arith.index_cast %swap3A_1981 : i32 to index
      %swap3A_1983 = arith.index_cast %mul3A_10 : i32 to index
      %swap3A_1984 = tpu.vector_load %arg6[%swap3A_1982, %swap3A_1983] {strides = array<i32>} : memref<8x512xf32, #tpu.memory_space<vmem>>, vector<1x16xf32>,
      %swap3A_1985 = vector.shape_cast %swap3A_1984 : vector<1x16xf32> to vector<16xf32>
      %swap3A_1986 = vector.shape_cast %div3A_1980 : vector<16xf32> to vector<1x16xf32>
      tpu.vector_store %arg6[%swap3A_1982, %swap3A_1983], %swap3A_1986 {strides = array<i32>} : memref<8x512xf32, #tpu.memory_space<vmem>>, vector<1x16xf32>,
      %swap3A_1987 = arith.constant 7 : i32
      %swap3A_1988 = arith.index_cast %swap3A_1987 : i32 to index
      %swap3A_1989 = arith.index_cast %mul3A_10 : i32 to index
      %swap3A_1990 = tpu.vector_load %arg7[%swap3A_1988, %swap3A_1989] {strides = array<i32>} : memref<8x512xi32, #tpu.memory_space<vmem>>, vector<1x16xi32>,
      %swap3A_1991 = vector.shape_cast %swap3A_1990 : vector<1x16xi32> to vector<16xi32>
      %swap3A_1992 = vector.shape_cast %select_n3A_1869 : vector<16xi32> to vector<1x16xi32>
      tpu.vector_store %arg7[%swap3A_1988, %swap3A_1989], %swap3A_1992 {strides = array<i32>} : memref<8x512xi32, #tpu.memory_space<vmem>>, vector<1x16xi32>,
    }
    %scan3A_7 = arith.constant 32 : i32
    "tpu.region"() ({
      %run_scoped3A = tpu.sem_alloc : memref<!tpu.dma_semaphore, #tpu.memory_space<semaphore_mem>>
      %dma_start3A = arith.constant 0 : i32
      %dma_start3A_8 = tpu.memref_slice %arg3[%dma_start3A, %mul3A_2] : memref<8x16384xf32, #tpu.memory_space<hbm>> -> memref<8x512xf32, #tpu.memory_space<hbm>>
      %dma_start3A_9 = arith.constant 0 : i32
      %dma_start3A_10 = tpu.memref_slice %arg3[%dma_start3A_9, %mul3A_2] : memref<8x16384xf32, #tpu.memory_space<hbm>> -> memref<8x512xf32, #tpu.memory_space<hbm>>
      tpu.enqueue_dma source(%arg6 : memref<8x512xf32, #tpu.memory_space<vmem>>) target(%dma_start3A_10 : memref<8x512xf32, #tpu.memory_space<hbm>>) target_semaphore(%run_scoped3A : memref<!tpu.dma_semaphore, #tpu.memory_space<semaphore_mem>>)
      %dma_wait3A = arith.constant 0 : i32
      %dma_wait3A_11 = tpu.memref_slice %arg3[%dma_wait3A, %mul3A_2] : memref<8x16384xf32, #tpu.memory_space<hbm>> -> memref<8x512xf32, #tpu.memory_space<hbm>>
      %dma_wait3A_12 = arith.constant 0 : i32
      %dma_wait3A_13 = tpu.memref_slice %arg3[%dma_wait3A_12, %mul3A_2] : memref<8x16384xf32, #tpu.memory_space<hbm>> -> memref<8x512xf32, #tpu.memory_space<hbm>>
      tpu.wait_dma2 semaphore(%run_scoped3A : memref<!tpu.dma_semaphore, #tpu.memory_space<semaphore_mem>>) src(%arg6 : memref<8x512xf32, #tpu.memory_space<vmem>>) dst(%dma_wait3A_13 : memref<8x512xf32, #tpu.memory_space<hbm>>)
      tpu.yield
    }) : () -> ()
    "tpu.region"() ({
      %run_scoped3A = tpu.sem_alloc : memref<!tpu.dma_semaphore, #tpu.memory_space<semaphore_mem>>
      %dma_start3A = arith.constant 0 : i32
      %dma_start3A_8 = tpu.memref_slice %arg4[%dma_start3A, %mul3A_2] : memref<8x16384xi32, #tpu.memory_space<hbm>> -> memref<8x512xi32, #tpu.memory_space<hbm>>
      %dma_start3A_9 = arith.constant 0 : i32
      %dma_start3A_10 = tpu.memref_slice %arg4[%dma_start3A_9, %mul3A_2] : memref<8x16384xi32, #tpu.memory_space<hbm>> -> memref<8x512xi32, #tpu.memory_space<hbm>>
      tpu.enqueue_dma source(%arg7 : memref<8x512xi32, #tpu.memory_space<vmem>>) target(%dma_start3A_10 : memref<8x512xi32, #tpu.memory_space<hbm>>) target_semaphore(%run_scoped3A : memref<!tpu.dma_semaphore, #tpu.memory_space<semaphore_mem>>)
      %dma_wait3A = arith.constant 0 : i32
      %dma_wait3A_11 = tpu.memref_slice %arg4[%dma_wait3A, %mul3A_2] : memref<8x16384xi32, #tpu.memory_space<hbm>> -> memref<8x512xi32, #tpu.memory_space<hbm>>
      %dma_wait3A_12 = arith.constant 0 : i32
      %dma_wait3A_13 = tpu.memref_slice %arg4[%dma_wait3A_12, %mul3A_2] : memref<8x16384xi32, #tpu.memory_space<hbm>> -> memref<8x512xi32, #tpu.memory_space<hbm>>
      tpu.wait_dma2 semaphore(%run_scoped3A : memref<!tpu.dma_semaphore, #tpu.memory_space<semaphore_mem>>) src(%arg7 : memref<8x512xi32, #tpu.memory_space<vmem>>) dst(%dma_wait3A_13 : memref<8x512xi32, #tpu.memory_space<hbm>>)
      tpu.yield
    }) : () -> ()
    return
  }
}

module attributes {stable_mosaic.version = 14 : i64} {
  func.func @_logits_block(%arg0: i32, %arg1: memref<1024x2048xf32, #tpu.memory_space<vmem>>, %arg2: memref<64x2048xf32, #tpu.memory_space<vmem>>, %arg3: memref<64x1024xf32, #tpu.memory_space<vmem>>) attributes {dimension_semantics = [#tpu.dimension_semantics<parallel>], iteration_bounds = array<i64: 16>, scalar_prefetch = 0 : i64, scratch_operands = 0 : i64, tpu.core_type = #tpu.core_type<tc>, window_params = [{transform_indices = @transform_0, window_bounds = array<i64: 1024, 2048>}, {pipeline_mode = #tpu.pipeline_mode<synchronous>, transform_indices = @transform_1, window_bounds = array<i64: 64, 2048>}, {transform_indices = @transform_2, window_bounds = array<i64: 64, 1024>}]} {
    %get3A = arith.constant 0 : index
    %get3A_0 = arith.constant 0 : index
    %get3A_1 = vector.load %arg2[%get3A, %get3A_0] : memref<64x2048xf32, #tpu.memory_space<vmem>>, vector<64x2048xf32>
    %logistic3A = arith.negf %get3A_1 : vector<64x2048xf32>
    %logistic3A_2 = math.exp %logistic3A : vector<64x2048xf32>
    %logistic3A_3 = arith.constant 1.000000e+00 : f32
    %logistic3A_4 = vector.broadcast %logistic3A_3 : f32 to vector<64x2048xf32>
    %logistic3A_5 = arith.addf %logistic3A_4, %logistic3A_2 : vector<64x2048xf32>
    %logistic3A_6 = arith.divf %logistic3A_4, %logistic3A_5 : vector<64x2048xf32>
    %get3A_7 = arith.constant 0 : index
    %get3A_8 = arith.constant 0 : index
    %get3A_9 = vector.load %arg1[%get3A_7, %get3A_8] : memref<1024x2048xf32, #tpu.memory_space<vmem>>, vector<1024x2048xf32>
    %dot_general3A = arith.constant dense<0.000000e+00> : vector<64x1024xf32>
    %dot_general3A_10 = tpu.matmul %logistic3A_6, %get3A_9, %dot_general3A {dimension_numbers = #tpu.dot_dimension_numbers<[1], [1], [0], [0], [0, 0, 1, 0], [], []>, transpose_lhs_hint = false} : vector<64x2048xf32>, vector<1024x2048xf32>, vector<64x1024xf32> -> vector<64x1024xf32>
    %swap3A = arith.constant 0 : index
    %swap3A_11 = arith.constant 0 : index
    %swap3A_12 = vector.load %arg3[%swap3A, %swap3A_11] : memref<64x1024xf32, #tpu.memory_space<vmem>>, vector<64x1024xf32>
    tpu.vector_store %arg3[%swap3A, %swap3A_11], %dot_general3A_10 {strides = array<i32>} : memref<64x1024xf32, #tpu.memory_space<vmem>>, vector<64x1024xf32>,
    return
  }
  func.func @transform_0(%arg0: i32) -> (i32, i32) {
    %add3A = arith.constant 0 : i32
    %add3A_0 = arith.addi %arg0, %add3A : i32
    %c0_i32 = arith.constant 0 : i32
    %c0_i32_1 = arith.constant 0 : i32
    return %add3A_0, %c0_i32 : i32, i32
  }
  func.func @transform_1(%arg0: i32) -> (i32, i32) {
    %c0_i32 = arith.constant 0 : i32
    %c0_i32_0 = arith.constant 0 : i32
    %c0_i32_1 = arith.constant 0 : i32
    return %c0_i32, %c0_i32_0 : i32, i32
  }
  func.func @transform_2(%arg0: i32) -> (i32, i32) {
    %c0_i32 = arith.constant 0 : i32
    %c0_i32_0 = arith.constant 0 : i32
    return %c0_i32, %arg0 : i32, i32
  }
}

</mosaic_0001>

<sc_bundles>
// kernel: kernel.4.cloned.1.call-start
scs
__scs_entry_jumppad:
0x0: {  	(pc) =	sbr.rel $0x88, $3  }
0x1: {  	(tag) =	ssettag $0x0;
	lr =	simm.s32 $0x1  }
0x2: {  	[smem:$0x3F9F] =	sst lr;
	_ =	strace $0xD0000000  }
0x3: {  	_ = 	snop  }
0x4: {  	_ = 	snop  }
0x5: {  	_ = 	snop  }
0x6: {  	_ = 	snop  }
0x7: {  	_ = 	snop  }
__scs_overlays_trampoline_lowered:
0x8: {  	[smem:$0x3FAE] =	sst s0  }
0x9: {  	[smem:$0x3FAF] =	sst s1  }
0xa: {  	[smem:$0x3FB0] =	sst s2  }
0xb: {  	[smem:$0x3FB1] =	sst s3  }
0xc: {  	[smem:$0x3FB2] =	sst s4  }
0xd: {  	[smem:$0x3FB3] =	sst s5  }
0xe: {  	[smem:$0x3FB4] =	sst s6  }
0xf: {  	[smem:$0x3FB5] =	sst s7  }
0x10: {  	[smem:$0x3FB6] =	sst s8  }
0x11: {  	[smem:$0x3FB7] =	sst s9;
	s0 =	simm.s32 @!p0 $0x0  }
0x12: {  	s1 =	sld [smem:$0x3F9D];
	s0 =	simm.s32 @p0 $0x1  }
0x13: {  	[smem:$0x3FB8] =	sst s0;
	s0 =	simm.s32 @!p1 $0x0  }
0x14: {  	s2 =	sld [smem:$0x3F9C];
	s0 =	simm.s32 @p1 $0x1  }
0x15: {  	[smem:$0x3FB9] =	sst s0;
	s0 =	simm.s32 @!p2 $0x0  }
0x16: {  	s3 =	sld [smem:$0x3FDB];
	s0 =	simm.s32 @p2 $0x1  }
0x17: {  	s4 =	simm.s32 $0x1BF5;
	[smem:$0x3FBB] =	sst s0  }
0x18: {  	s0 =	sld [smem:$0x3F9E];
	_ =	swait.ge [sflag:s4], $0x0  }
0x19: {  	s7 =	sld [smem:$0x3F9F]  }
0x1a: {  	s8 =	sadd.s32 $0xFFFFE003, lr  }
0x1b: {  	s9 =	sadd.s32 $0xFFFFFEF7, lr;
	s5 =	simm.s32 $0xFFFFFFFF;
	p2 =	slt.u32 s8, $0xFFFFF086  }
0x1c: {  	p1 =	slt.u32 s9, $0xF7A;
	s5 =	simm.s32 @!p2 $0x0  }
0x1d: {  	s5 =	simm.s32 @p1 $0x1;
	p0 =	seq.s32 s7, s2  }
0x1e: {  	s7 =	smul.u32 @!p0 $0xF7A, s2;
	p2 =	seq.s32 @!p0 s5, $0x0  }
0x1f: {  	s9 =	smul.u32 $0xF7A, s1;
	s8 =	simm.s32 @!p0 $0x1BF5;
	p2 =	por !p2, p0  }
0x20: {  	[sflag:s8] =	ssyncset.s32 @!p0 $0xFFFFF086;
	s6 =	sadd.s32 @!p0 s3, s7;
	s7 =	simm.s32 @!p0 $0x108  }
0x21: {  	s3 =	sadd.s32 s3, s9;
	s6 =	sadd.s32 @!p0 $0x88, s6;
	s7 =	simm.s32 @p2 $0x1082  }
0x22: {  	[simem:s7], [sflag:s8] =	dma.local @!p0 [hbm:s6], $0xF7A  }
0x23: {  	s9 =	sor.u32 $0xD0000000, s2;
	s6 =	simm.s32 $0x108;
	_ =	swait.ge @!p0 [sflag:s8], $0x0  }
0x24: {  	s3 =	sadd.s32 $0x88, s3;
	s6 =	simm.s32 @!p1 $0x1082;
	[sflag:s4] =	ssyncset.s32 $0xFFFFF086  }
0x25: {  	[simem:s6], [sflag:s4] =	dma.local [hbm:s3], $0xF7A  }
0x26: {  	[smem:$0x3F9F] =	sst s1;
	(tag) =	ssettag s2;
	_ =	strace s9  }
0x27: {  	s1 =	sld [smem:$0x3FAF]  }
0x28: {  	s2 =	sld [smem:$0x3FB0]  }
0x29: {  	s4 =	sld [smem:$0x3FB2]  }
0x2a: {  	p0 =	seq.s32 s5, $0x0;
	s5 =	sld [smem:$0x3FB3]  }
0x2b: {  	s6 =	sld [smem:$0x3FB4]  }
0x2c: {  	s7 =	sld [smem:$0x3FB5]  }
0x2d: {  	s3 =	simm.s32 $0x108;
	s8 =	sld [smem:$0x3FB6]  }
0x2e: {  	s3 =	simm.s32 @!p0 $0x1082;
	s9 =	sld [smem:$0x3FB7]  }
0x2f: {  	lr =	sadd.s32 s0, s3;
	s0 =	sld [smem:$0x3FAE]  }
0x30: {  	s3 =	sld [smem:$0x3FB1]  }
0x31: {  	[smem:$0x3FBA] =	sst s10  }
0x32: {  	s10 =	sld [smem:$0x3FB8];
	_ =	sdelay $0x3  }
0x33: {  	p0 =	seq.s32 s10, $0x1;
	s10 =	sld [smem:$0x3FBA];
	_ =	sdelay $0x3  }
0x34: {  	[smem:$0x3FBA] =	sst s10  }
0x35: {  	s10 =	sld [smem:$0x3FB9];
	_ =	sdelay $0x3  }
0x36: {  	p1 =	seq.s32 s10, $0x1;
	s10 =	sld [smem:$0x3FBA];
	_ =	sdelay $0x3  }
0x37: {  	[smem:$0x3FBA] =	sst s10  }
0x38: {  	s10 =	sld [smem:$0x3FBB]  }
0x39: {  	_ = 	snop;
	(pc) =	sbr.ind lr, $3  }
0x3a: {  	_ = 	snop  }
0x3b: {  	_ = 	snop  }
0x3c: {  	p2 =	seq.s32 s10, $0x1;
	s10 =	sld [smem:$0x3FBA]  }
0x3d: {  	_ =	shalt  }
0x3e: {  	_ =	shalt  }
0x3f: {  	_ =	shalt  }
0x40: {  	_ =	shalt  }
0x41: {  	_ =	shalt  }
0x42: {  	_ =	shalt  }
0x43: {  	_ =	shalt  }
0x44: {  	_ =	shalt  }
0x45: {  	_ =	shalt  }
0x46: {  	_ =	shalt  }
0x47: {  	_ =	shalt  }
0x48: {  	_ =	shalt  }
0x49: {  	_ =	shalt  }
0x4a: {  	_ =	shalt  }
0x4b: {  	_ =	shalt  }
0x4c: {  	_ =	shalt  }
0x4d: {  	_ =	shalt  }
0x4e: {  	_ =	shalt  }
0x4f: {  	_ =	shalt  }
0x50: {  	_ =	shalt  }
0x51: {  	_ =	shalt  }
0x52: {  	_ =	shalt  }
0x53: {  	_ =	shalt  }
0x54: {  	_ =	shalt  }
0x55: {  	_ =	shalt  }
0x56: {  	_ =	shalt  }
0x57: {  	_ =	shalt  }
0x58: {  	_ =	shalt  }
0x59: {  	_ =	shalt  }
0x5a: {  	_ =	shalt  }
0x5b: {  	_ =	shalt  }
0x5c: {  	_ =	shalt  }
0x5d: {  	_ =	shalt  }
0x5e: {  	_ =	shalt  }
0x5f: {  	_ =	shalt  }
0x60: {  	_ =	shalt  }
0x61: {  	_ =	shalt  }
0x62: {  	_ =	shalt  }
0x63: {  	_ =	shalt  }
0x64: {  	_ =	shalt  }
0x65: {  	_ =	shalt  }
0x66: {  	_ =	shalt  }
0x67: {  	_ =	shalt  }
0x68: {  	_ =	shalt  }
0x69: {  	_ =	shalt  }
0x6a: {  	_ =	shalt  }
0x6b: {  	_ =	shalt  }
0x6c: {  	_ =	shalt  }
0x6d: {  	_ =	shalt  }
0x6e: {  	_ =	shalt  }
0x6f: {  	_ =	shalt  }
0x70: {  	_ =	shalt  }
0x71: {  	_ =	shalt  }
0x72: {  	_ =	shalt  }
0x73: {  	_ =	shalt  }
0x74: {  	_ =	shalt  }
0x75: {  	_ =	shalt  }
0x76: {  	_ =	shalt  }
0x77: {  	_ =	shalt  }
0x78: {  	_ =	shalt  }
0x79: {  	_ =	shalt  }
0x7a: {  	_ =	shalt  }
0x7b: {  	_ =	shalt  }
0x7c: {  	_ =	shalt  }
0x7d: {  	_ =	shalt  }
0x7e: {  	_ =	shalt  }
0x7f: {  	_ =	shalt  }
0x80: {  	_ =	shalt  }
0x81: {  	_ =	shalt  }
0x82: {  	_ =	shalt  }
0x83: {  	_ =	shalt  }
0x84: {  	_ =	shalt  }
0x85: {  	_ =	shalt  }
0x86: {  	_ =	shalt  }
0x87: {  	_ =	shalt  }
.Lfunc_end0:
.L_simem_size_0:
called_computation_lowered:
.L_overlay_start_0:
0x88: {  	s2 =	sld [smem:$0x3FD9]  }
0x89: {  	s3 =	sld [smem:$0x3FFE];
	_ =	sdelay $0x1  }
0x8a: {  	s1 =	srdreg.scid  }
0x8b: {  	s0 =	sand.u32 $0x1, s1  }
0x8c: {  	s14 =	sshll.u32 s0, $0xA;
	s2 =	sadd.s32 s3, s2  }
0x8d: {  	s2 =	sadd.s32 s2, s14  }
0x8e: {  	[smem:$0x3FC6] =	sst s2  }
0x8f: {  	_ = 	snop  }
0x90: {  	s2 =	sld [smem:$0x3FD0];
	_ =	sdelay $0x2  }
0x91: {  	s15 =	simm.s32 $0xA;
	s4 =	simm.s32 $0x10  }
0x92: {  	[smem:s4], [sflag:s15] =	dma.local [hbm:s2], $0x1  }
0x93: {  	_ =	swait.eq [sflag:s15], $0x1  }
0x94: {  	[sflag:s15] =	ssyncset.done $0x0  }
0x95: {  	s16 =	sld [smem:$0x10];
	[sflag:s15] =	ssyncadd.s32 $0xFFFFFFFF  }
0x96: {  	s17 =	sld [smem:$0x11];
	(tm) =	ssettm $0x1  }
0x97: {  	s18 =	sld [smem:$0x3FFB];
	_ =	sdelay $0x3  }
0x98: {  	_ =	strace s18  }
0x99: {  	s4 =	sld [smem:$0x3FFC];
	_ =	sdelay $0x3  }
0x9a: {  	_ =	strace s4  }
0x9b: {  	s4 =	sld [smem:$0x3FFD];
	_ =	sdelay $0x3  }
0x9c: {  	_ =	strace s4  }
0x9d: {  	_ =	strace $0x8FFFFFFF  }
0x9e: {  	s19 =	sld [smem:$0x3FDB];
	_ =	sdelay $0x1  }
0x9f: {  	s5 =	simm.s32 $_scs_section_size  }
0xa0: {  	s6 =	simm.s32 $_size__tile_overlayer_lowered;
	s7 =	simm.s32 $_tile_overlayer_lowered  }
0xa1: {  	s22 =	simm.s32 $0x1BFF;
	s21 =	sshll.u32 s7, $0x1;
	s4 =	sadd.s32 s5, s19  }
0xa2: {  	s8 =	simm.s32 $0x0;
	s20 =	sshll.u32 s6, $0x1;
	s6 =	sadd.s32 s21, s4  }
0xa3: {  	[timem:s8], [sflag:s22] =	dma.local [hbm:s6], s20  }
0xa4: {  	_ =	swait.ge [sflag:s22], s20  }
0xa5: {  	s5 =	ssub.s32 $0x0, s20;
	[sflag:s22] =	ssyncset.done $0x0  }
0xa6: {  	[sflag:s22] =	ssyncadd.s32 s5;
	_ =	sdelay $0x1  }
0xa7: {  	s23 =	simm.s32 $0x1B8B  }
0xa8: {  	_ =	swait.ge [sflag:s23], $0x1  }
0xa9: {  	[sflag:s23] =	ssyncset.done $0x0  }
0xaa: {  	s25 =	simm.s32 $0x1B8E;
	s24 =	sld [smem:$0x3FFE];
	[sflag:s23] =	ssyncadd.s32 $0xFFFFFFFF  }
0xab: {  	s26 =	simm.s32 $execute0_lowered;
	[smem:$0x3FD2] =	sst s25  }
0xac: {  	s6 =	sshll.u32 s26, $0x1;
	_ =	strace $0x80000046;
	[dreg:$0x1] =	wrdreg $0xFFFFFFFF  }
0xad: {  	s28 =	simm.s32 $_size_execute0_lowered;
	s4 =	sadd.s32 s4, s6;
	[dreg:$0x0] =	wrdreg $0x0  }
0xae: {  	s6 =	sshll.u32 s28, $0x1;
	[dreg:$0x2] =	wrdreg s4  }
0xaf: {  	[dreg:$0x3] =	wrdreg s6  }
0xb0: {  	[dreg:$0x4] =	wrdreg $0xC0  }
0xb1: {  	_ =	task [dreg:s8], $0x5FFFF  }
0xb2: {  	[dreg:$0x1] =	wrdreg $0xFFFFFFFF  }
0xb3: {  	[dreg:$0x0] =	wrdreg $0x60  }
0xb4: {  	[dreg:$0x2] =	wrdreg s24  }
0xb5: {  	[dreg:$0x3] =	wrdreg s16  }
0xb6: {  	[dreg:$0x4] =	wrdreg s17  }
0xb7: {  	[dreg:$0x5] =	wrdreg $0x9  }
0xb8: {  	_ =	task.clear_ibuf [dreg:s8], $0x6FFFF;
	_ =	strace $0x90000046  }
0xb9: {  	s29 =	simm.s32 $0x9;
	_ =	strace $0x80000048  }
0xba: {  	_ =	swait.ge [sflag:s29], $0x1  }
0xbb: {  	[sflag:s29] =	ssyncadd.s32 $0xFFFFFFFF  }
0xbc: {  	_ =	strace $0x90000048  }
0xbd: {  	_ =	sfence  }
0xbe: {  	s30 =	sld [smem:$0x0];
	_ =	sdelay $0x2  }
0xbf: {  	s31 =	sshll.u32 s1, $0xD;
	s1 =	sshrl.u32 s1, $0x2  }
0xc0: {  	s3 =	sand.u32 $0x4000, s31;
	s1 =	sadd.s32 s1, s30  }
0xc1: {  	s0 =	sor.u32 s3, s0;
	s1 =	sshll.u32 s1, $0x11  }
0xc2: {  	s0 =	sor.u32 s1, s0  }
0xc3: {  	s0 =	sadd.s32 $0x8F2B, s0  }
0xc4: {  	[sflag:s0] =	ssyncadd.remote.s32 $0x1  }
0xc5: {  	_ =	sfence.sel $0xFFFF  }
0xc6: {  	[dreg:$0x0] =	wrdreg $0xFFFFFFFF;
	(pc) =	sbr.abs _section_cstart, $3  }
0xc7: {  	[dreg:$0x1] =	wrdreg $0xFFFFFFFF  }
0xc8: {  	_ =	task.clear_ibuf [dreg:s8], $0x2FFFF;
	_ =	strace $0x9FFFFFFF  }
0xc9: {  	(tm) =	ssettm $0x7FFFFFFF  }
tec
execute0_lowered:
.L_overlay_start_1:
0x0: {  	(tag) =	ssettag $0x1  }
0x1: {  	v0 =	vimm.s32 $0x0;
	v11 =	vimm.s32 $0x3  }
0x2: {  	v12 =	vimm.s32 $0x2;
	v13 =	vimm.s32 $0x5;
	v14 =	vimm.s32 $0x4  }
0x3: {  	v15 =	vimm.s32 $0x7;
	v16 =	vimm.s32 $0x6;
	v25 =	vimm.s32 $0x9  }
0x4: {  	v26 =	vimm.s32 $0x8;
	v27 =	vimm.s32 $0xB;
	v28 =	vimm.s32 $0xA  }
0x5: {  	v29 =	vimm.s32 $0xD;
	v30 =	vimm.s32 $0xC;
	v31 =	vimm.s32 $0xF  }
0x6: {  	v32 =	vimm.s32 $0xE;
	s3 =	rddreg [dreg:$0x0];
	v53 =	vimm.s32 $0x22;
	v54 =	vimm.s32 $0x25  }
0x7: {  	s4 =	rddreg [dreg:$0x1];
	s1 =	srdreg.scid;
	v55 =	vimm.s32 $0x24;
	v56 =	vimm.s32 $0x27;
	v57 =	vimm.s32 $0x26  }
0x8: {  	s5 =	rddreg [dreg:$0x2];
	s0 =	stileid.u32;
	s2 =	simm.s32 $0x0;
	v58 =	vimm.s32 $0x29;
	v59 =	vimm.s32 $0x28;
	v60 =	vimm.s32 $0x2B  }
0x9: {  	s9 =	simm.s32 $0x1;
	s10 =	simm.s32 $0x8000;
	s11 =	simm.s32 $0x9000;
	v61 =	vimm.s32 $0x2A;
	v62 =	vimm.s32 $0x2D;
	v34 =	vimm.s32 $0x2C  }
0xa: {  	s12 =	simm.s32 $0x0;
	v35 =	vimm.s32 $0x2F;
	v36 =	vimm.s32 $0x2E;
	v37 =	vimm.s32 $0x31;
	s6 =	sand.u32 $0x1, s1;
	s1 =	rddreg [dreg:$0x3]  }
0xb: {  	v38 =	vimm.s32 $0x30;
	v39 =	vimm.s32 $0x33;
	v40 =	vimm.s32 $0x32;
	s7 =	sshll.u32 s0, $0xA;
	[smem:$0x7FF] =	sst s2;
	s8 =	sshll.u32 s6, $0x9  }
0xc: {  	v41 =	vimm.s32 $0x35;
	v42 =	vimm.s32 $0x34;
	v43 =	vimm.s32 $0x37;
	s6 =	ssub.s32 $0x2, s6;
	_ =	strace $0x80000047;
	s7 =	sor.u32 s8, s7  }
0xd: {  	v44 =	vimm.s32 $0x36;
	v45 =	vimm.s32 $0x39;
	v46 =	vimm.s32 $0x38;
	s31 =	sshrl.u32 s6, $0x1;
	s8 =	simm.s32 $0x20000;
	s3 =	sadd.s32 s7, s3  }
0xe: {  	v47 =	vimm.s32 $0x3B;
	v48 =	vimm.s32 $0x3A;
	v49 =	vimm.s32 $0x3D;
	s6 =	ssub.s32 s6, s31;
	s4 =	sadd.s32 s4, s7;
	s5 =	sadd.s32 s5, s7  }
0xf: {  	v50 =	vimm.s32 $0x3C;
	v51 =	vimm.s32 $0x3F;
	v52 =	vimm.s32 $0x3E;
	s7 =	simm.s32 $0x1000;
	s3 =	sadd.s32 $0xC00, s3;
	s6 =	smax.u32 s6, $0x1  }
.LBB2_1:
0x10: {  	[tilespmem:s2], [sflag:$0x1] =	stream.strided.gather [hbm4b:s3+s7], $0x8000, s8, s7, $0x38;
	[tilespmem:$0xA000] =	vst v63  }
0x11: {  	_ =	swait.ge [sflag:s9], $0x8000  }
0x12: {  	[sflag:s9] =	ssyncset.done $0x0  }
0x13: {  	s13 =	simm.s32 $0x0;
	s14 =	simm.s32 $0x0;
	[sflag:s9] =	ssyncadd.s32 $0xFFFF8000  }
.LBB2_2:
0x14: {  	s15 =	sand.u32 $0x70, s14;
	s16 =	sand.u32 $0xC00, s13  }
0x15: {  	s15 =	sor.u32 s15, s16  }
0x16: {  	v1 =	vld [tilespmem:s15+$0x0]  }
0x17: {  	v2 =	vld [tilespmem:s15+$0x80]  }
0x18: {  	v3 =	vld [tilespmem:s15+$0x100]  }
0x19: {  	v5 =	vld [tilespmem:s15+$0x200]  }
0x1a: {  	s16 =	sor.u32 s16, s14;
	v6 =	vld [tilespmem:s15+$0x280]  }
0x1b: {  	s31 =	sor.u32 s13, s14;
	s17 =	sor.u32 $0x180, s16;
	v7 =	vld [tilespmem:s15+$0x300]  }
0x1c: {  	s16 =	sor.u32 $0x380, s31;
	v4 =	vld [tilespmem:s17+$0x0]  }
0x1d: {  	v8 =	vld [tilespmem:s16+$0x0];
	_ =	sdelay $0x2  }
0x1e: {  	vm0 =	vgt.f32 v1, v2;
	vm9 =	vgt.f32 v5, v6  }
0x1f: {  	vm1 =	vmneg vm0;
	vm2 =	vgt.f32 v3, v4;
	v9 =	vsel vm0, $0x1, v0  }
0x20: {  	v23 =	vsel vm9, $0x4, v13;
	v13 =	vsel vm9, $0x5, v14;
	vm10 =	vgt.f32 v7, v8  }
0x21: {  	v63 =	vsel vm1, v2, v1;
	v1 =	vsel vm1, v1, v2;
	v2 =	vsel vm1, $0x1, v0  }
0x22: {  	v10 =	vsel vm2, v3, v4;
	v3 =	vsel vm2, v4, v3;
	v22 =	vsel vm2, $0x2, v11  }
0x23: {  	v11 =	vsel vm2, $0x3, v12;
	v12 =	vsel vm9, v5, v6;
	v5 =	vsel vm9, v6, v5  }
0x24: {  	v14 =	vsel vm10, v7, v8;
	v7 =	vsel vm10, v8, v7;
	v8 =	vsel vm10, $0x6, v15  }
0x25: {  	v15 =	vsel vm10, $0x7, v16;
	vm11 =	vgt.f32 v63, v10;
	vm12 =	vgt.f32 v1, v3  }
0x26: {  	vm13 =	vgt.f32 v12, v14;
	vm14 =	vgt.f32 v5, v7;
	v16 =	vsel vm11, v63, v10  }
0x27: {  	v10 =	vsel vm11, v10, v63;
	v33 =	vsel vm11, v2, v22;
	v2 =	vsel vm11, v22, v2  }
0x28: {  	v21 =	vsel vm12, v1, v3;
	v1 =	vsel vm12, v3, v1;
	v3 =	vsel vm12, v9, v11  }
0x29: {  	v9 =	vsel vm12, v11, v9;
	v11 =	vsel vm13, v12, v14;
	v12 =	vsel vm13, v14, v12  }
0x2a: {  	v14 =	vsel vm13, v23, v8;
	v6 =	vsel vm13, v8, v23;
	v8 =	vsel vm14, v5, v7  }
0x2b: {  	v5 =	vsel vm14, v7, v5;
	v22 =	vsel vm14, v13, v15;
	v13 =	vsel vm14, v15, v13  }
0x2c: {  	vm15 =	vgt.f32 v21, v10;
	vm4 =	vgt.f32 v8, v12;
	vm5 =	vgt.f32 v16, v11  }
0x2d: {  	vm6 =	vgt.f32 v1, v5;
	v15 =	vsel vm15, v21, v10;
	v10 =	vsel vm15, v10, v21  }
0x2e: {  	v17 =	vsel vm15, v3, v2;
	v18 =	vsel vm15, v2, v3;
	v19 =	vsel vm4, v8, v12  }
0x2f: {  	v8 =	vsel vm4, v12, v8;
	v12 =	vsel vm4, v22, v6;
	v6 =	vsel vm4, v6, v22  }
0x30: {  	v3 =	vsel vm5, v16, v11;
	v11 =	vsel vm5, v11, v16;
	v4 =	vsel vm5, v33, v14  }
0x31: {  	v14 =	vsel vm5, v14, v33;
	v16 =	vsel vm6, v1, v5;
	v1 =	vsel vm6, v5, v1  }
0x32: {  	v20 =	vsel vm6, v9, v13;
	v2 =	vsel vm6, v13, v9;
	vm7 =	vgt.f32 v15, v19  }
0x33: {  	vm8 =	vgt.f32 v10, v8;
	v23 =	vsel vm7, v15, v19;
	v9 =	vsel vm7, v19, v15  }
0x34: {  	v13 =	vsel vm7, v17, v12;
	v12 =	vsel vm7, v12, v17;
	v15 =	vsel vm8, v10, v8  }
0x35: {  	v8 =	vsel vm8, v8, v10;
	v10 =	vsel vm8, v18, v6;
	vm9 =	vgt.f32 v23, v11  }
0x36: {  	v33 =	vld [tilespmem:s15+$0x1180];
	v6 =	vsel vm8, v6, v18;
	vm10 =	vgt.f32 v16, v8;
	v7 =	vsel vm9, v23, v11  }
0x37: {  	v17 =	vld [tilespmem:s15+$0x1000];
	v11 =	vsel vm9, v11, v23;
	v63 =	vsel vm9, v13, v14;
	v13 =	vsel vm9, v14, v13  }
0x38: {  	v14 =	vld [tilespmem:s15+$0x1080];
	v18 =	vsel vm10, v16, v8;
	v5 =	vsel vm10, v8, v16;
	v16 =	vsel vm10, v20, v6  }
0x39: {  	v8 =	vld [tilespmem:s15+$0x1100];
	v6 =	vsel vm10, v6, v20;
	vm11 =	vgt.f32 v15, v11;
	vm12 =	vgt.f32 v18, v9  }
0x3a: {  	v19 =	vsel vm11, v15, v11;
	v11 =	vsel vm11, v11, v15;
	v15 =	vsel vm11, v10, v13  }
0x3b: {  	v21 =	vld [tilespmem:s15+$0x1200];
	v10 =	vsel vm11, v13, v10;
	v13 =	vsel vm12, v18, v9;
	v9 =	vsel vm12, v9, v18  }
0x3c: {  	v18 =	vld [tilespmem:s15+$0x1280];
	v22 =	vsel vm12, v16, v12;
	v12 =	vsel vm12, v12, v16;
	vm13 =	vgt.f32 v13, v11  }
0x3d: {  	v16 =	vld [tilespmem:s15+$0x1300];
	v23 =	vsel vm13, v13, v11;
	v11 =	vsel vm13, v11, v13;
	v24 =	vsel vm13, v22, v10  }
0x3e: {  	v13 =	vld [tilespmem:s15+$0x1380];
	v10 =	vsel vm13, v10, v22;
	vm14 =	vgt.f32 v17, v14;
	vm15 =	vgt.f32 v8, v33  }
0x3f: {  	v22 =	vsel vm14, v17, v14;
	v14 =	vsel vm14, v14, v17;
	v17 =	vsel vm14, $0x8, v25  }
0x40: {  	v25 =	vsel vm14, $0x9, v26;
	v26 =	vsel vm15, v8, v33;
	v8 =	vsel vm15, v33, v8  }
0x41: {  	v20 =	vsel vm15, $0xA, v27;
	v27 =	vsel vm15, $0xB, v28;
	vm4 =	vgt.f32 v21, v18  }
0x42: {  	vm6 =	vgt.f32 v22, v26;
	vm7 =	vgt.f32 v14, v8;
	v28 =	vsel vm4, v21, v18  }
0x43: {  	v18 =	vsel vm4, v18, v21;
	v21 =	vsel vm4, $0xC, v29;
	vm5 =	vgt.f32 v16, v13  }
0x44: {  	v29 =	vsel vm4, $0xD, v30;
	v30 =	vsel vm5, v16, v13;
	v13 =	vsel vm5, v13, v16  }
0x45: {  	v16 =	vsel vm5, $0xE, v31;
	v31 =	vsel vm5, $0xF, v32;
	v32 =	vsel vm6, v22, v26  }
0x46: {  	v22 =	vsel vm6, v26, v22;
	v26 =	vsel vm6, v17, v20;
	v17 =	vsel vm6, v20, v17  }
0x47: {  	v20 =	vsel vm7, v14, v8;
	v8 =	vsel vm7, v8, v14;
	v14 =	vsel vm7, v25, v27  }
0x48: {  	v25 =	vsel vm7, v27, v25;
	vm8 =	vgt.f32 v28, v30;
	vm9 =	vgt.f32 v18, v13  }
0x49: {  	vm10 =	vgt.f32 v20, v22;
	v27 =	vsel vm8, v28, v30;
	v28 =	vsel vm8, v30, v28  }
0x4a: {  	v30 =	vsel vm8, v21, v16;
	v16 =	vsel vm8, v16, v21;
	v33 =	vsel vm9, v18, v13  }
0x4b: {  	v13 =	vsel vm9, v13, v18;
	v18 =	vsel vm9, v29, v31;
	v29 =	vsel vm9, v31, v29  }
0x4c: {  	v31 =	vsel vm10, v20, v22;
	v20 =	vsel vm10, v22, v20;
	v22 =	vsel vm10, v14, v17  }
0x4d: {  	v14 =	vsel vm10, v17, v14;
	vm11 =	vgt.f32 v33, v28;
	vm12 =	vgt.f32 v32, v27  }
0x4e: {  	vm13 =	vgt.f32 v8, v13;
	v17 =	vsel vm11, v33, v28;
	v21 =	vsel vm11, v28, v33  }
0x4f: {  	v28 =	vsel vm11, v18, v16;
	v16 =	vsel vm11, v16, v18;
	v18 =	vsel vm12, v32, v27  }
0x50: {  	v27 =	vsel vm12, v27, v32;
	v32 =	vsel vm12, v26, v30;
	v26 =	vsel vm12, v30, v26  }
0x51: {  	v30 =	vsel vm13, v8, v13;
	v8 =	vsel vm13, v13, v8;
	v13 =	vsel vm13, v25, v29  }
0x52: {  	v25 =	vsel vm13, v29, v25;
	vm14 =	vgt.f32 v31, v17;
	vm15 =	vgt.f32 v20, v21  }
0x53: {  	vm9 =	vgt.f32 v3, v8;
	v29 =	vsel vm14, v31, v17;
	v17 =	vsel vm14, v17, v31  }
0x54: {  	v31 =	vsel vm14, v22, v28;
	v22 =	vsel vm14, v28, v22;
	v28 =	vsel vm15, v20, v21  }
0x55: {  	v20 =	vsel vm15, v21, v20;
	v21 =	vsel vm15, v14, v16;
	v14 =	vsel vm15, v16, v14  }
0x56: {  	v3 =	vsel vm9, v3, v8;
	v4 =	vsel vm9, v4, v25;
	vm4 =	vgt.f32 v29, v27  }
0x57: {  	vm5 =	vgt.f32 v30, v20;
	v16 =	vsel vm4, v29, v27;
	v27 =	vsel vm4, v27, v29  }
0x58: {  	v29 =	vsel vm4, v31, v26;
	v26 =	vsel vm4, v26, v31;
	v31 =	vsel vm5, v30, v20  }
0x59: {  	v20 =	vsel vm5, v20, v30;
	v30 =	vsel vm5, v13, v14;
	v13 =	vsel vm5, v14, v13  }
0x5a: {  	vm4 =	vgt.f32 v1, v18;
	vm6 =	vgt.f32 v28, v27;
	vm7 =	vgt.f32 v31, v17  }
0x5b: {  	vm10 =	vgt.f32 v7, v20;
	vm15 =	vgt.f32 v5, v16;
	v1 =	vsel vm4, v1, v18  }
0x5c: {  	v2 =	vsel vm4, v2, v32;
	v14 =	vsel vm6, v28, v27;
	v27 =	vsel vm6, v27, v28  }
0x5d: {  	v28 =	vsel vm6, v21, v26;
	v33 =	vsel vm7, v31, v17;
	v21 =	vsel vm6, v26, v21  }
0x5e: {  	v17 =	vsel vm7, v17, v31;
	v26 =	vsel vm7, v30, v22;
	v22 =	vsel vm7, v22, v30  }
0x5f: {  	v7 =	vsel vm10, v7, v20;
	v8 =	vsel vm10, v63, v13;
	v5 =	vsel vm15, v5, v16  }
0x60: {  	v6 =	vsel vm15, v6, v29;
	vm8 =	vgt.f32 v33, v27;
	vm11 =	vgt.f32 v19, v17  }
0x61: {  	vm14 =	vgt.f32 v9, v14;
	v30 =	vsel vm8, v33, v27;
	v27 =	vsel vm8, v27, v33  }
0x62: {  	v31 =	vsel vm8, v26, v21;
	v21 =	vsel vm8, v21, v26;
	v13 =	vsel vm11, v19, v17  }
0x63: {  	v15 =	vsel vm11, v15, v22;
	v9 =	vsel vm14, v9, v14;
	v12 =	vsel vm14, v12, v28  }
0x64: {  	v26 =	vimm.s32 $0x10;
	v28 =	vimm.s32 $0x12;
	vm12 =	vgt.f32 v23, v27  }
0x65: {  	vm13 =	vgt.f32 v11, v30;
	vm6 =	vgt.f32 v7, v9;
	vm7 =	vgt.f32 v13, v5  }
0x66: {  	v17 =	vsel vm12, v23, v27;
	v19 =	vsel vm12, v24, v21;
	v11 =	vsel vm13, v11, v30  }
0x67: {  	v10 =	vsel vm13, v10, v31;
	v30 =	vimm.s32 $0x14;
	vm5 =	vgt.f32 v3, v11  }
0x68: {  	vm8 =	vgt.f32 v17, v1;
	v14 =	vsel vm5, v3, v11;
	v3 =	vsel vm5, v11, v3  }
0x69: {  	v11 =	vsel vm5, v4, v10;
	v4 =	vsel vm5, v10, v4;
	v10 =	vsel vm6, v7, v9  }
0x6a: {  	v7 =	vsel vm6, v9, v7;
	v9 =	vsel vm6, v8, v12;
	v8 =	vsel vm6, v12, v8  }
0x6b: {  	v12 =	vsel vm7, v13, v5;
	v5 =	vsel vm7, v5, v13;
	v13 =	vsel vm7, v15, v6  }
0x6c: {  	v6 =	vsel vm7, v6, v15;
	v15 =	vsel vm8, v17, v1;
	v1 =	vsel vm8, v1, v17  }
0x6d: {  	v16 =	vsel vm8, v19, v2;
	v2 =	vsel vm8, v2, v19;
	vm9 =	vgt.f32 v14, v12  }
0x6e: {  	vm10 =	vgt.f32 v10, v15;
	vm11 =	vgt.f32 v3, v5;
	vm12 =	vgt.f32 v7, v1  }
0x6f: {  	v25 =	vld [tilespmem:s15+$0x2380];
	v17 =	vsel vm9, v14, v12;
	v12 =	vsel vm9, v12, v14;
	v14 =	vsel vm9, v11, v13  }
0x70: {  	v24 =	vld [tilespmem:s15+$0x2300];
	v11 =	vsel vm9, v13, v11;
	v13 =	vsel vm10, v10, v15;
	v10 =	vsel vm10, v15, v10  }
0x71: {  	v15 =	vsel vm10, v9, v16;
	v9 =	vsel vm10, v16, v9;
	v16 =	vsel vm11, v3, v5  }
0x72: {  	v3 =	vsel vm11, v5, v3;
	v5 =	vsel vm11, v4, v6;
	v4 =	vsel vm11, v6, v4  }
0x73: {  	v33 =	vsel vm12, v7, v1;
	v1 =	vsel vm12, v1, v7;
	v18 =	vsel vm12, v8, v2  }
0x74: {  	v2 =	vsel vm12, v2, v8;
	vm13 =	vgt.f32 v17, v13;
	vm14 =	vgt.f32 v12, v10  }
0x75: {  	v32 =	vld [tilespmem:s15+$0x2100];
	vm15 =	vgt.f32 v16, v33;
	vm4 =	vgt.f32 v3, v1;
	vm8 =	vgt.f32 v24, v25  }
0x76: {  	v63 =	vld [tilespmem:s15+$0x2000];
	v8 =	vsel vm13, v17, v13;
	v13 =	vsel vm13, v13, v17;
	v17 =	vsel vm13, v14, v15  }
0x77: {  	v19 =	vld [tilespmem:s15+$0x2080];
	v14 =	vsel vm13, v15, v14;
	v15 =	vsel vm14, v12, v10;
	v10 =	vsel vm14, v10, v12  }
0x78: {  	v12 =	vld [tilespmem:s15+$0x2180];
	v21 =	vsel vm14, v11, v9;
	v9 =	vsel vm14, v9, v11;
	v22 =	vsel vm15, v16, v33  }
0x79: {  	v11 =	vld [tilespmem:s15+$0x2200];
	v6 =	vsel vm15, v33, v16;
	v23 =	vsel vm15, v5, v18;
	v5 =	vsel vm15, v18, v5  }
0x7a: {  	v16 =	vld [tilespmem:s15+$0x2280];
	v18 =	vsel vm4, v3, v1;
	v1 =	vsel vm4, v1, v3;
	v3 =	vsel vm4, v4, v2  }
0x7b: {  	v2 =	vsel vm4, v2, v4;
	v33 =	vimm.s32 $0x13;
	v31 =	vsel vm8, v24, v25  }
0x7c: {  	v24 =	vsel vm8, v25, v24;
	v25 =	vimm.s32 $0x17;
	vm5 =	vgt.f32 v63, v19  }
0x7d: {  	v25 =	vsel vm8, $0x16, v25;
	v4 =	vsel vm5, v63, v19;
	v7 =	vsel vm5, v19, v63  }
0x7e: {  	v19 =	vimm.s32 $0x11;
	v26 =	vsel vm5, $0x11, v26;
	v63 =	vimm.s32 $0x16  }
0x7f: {  	v19 =	vsel vm5, $0x10, v19;
	vm6 =	vgt.f32 v32, v12;
	vm7 =	vgt.f32 v11, v16  }
0x80: {  	v27 =	vsel vm6, v32, v12;
	v12 =	vsel vm6, v12, v32;
	v20 =	vsel vm6, $0x12, v33  }
0x81: {  	v28 =	vsel vm6, $0x13, v28;
	v29 =	vsel vm7, v11, v16;
	v11 =	vsel vm7, v16, v11  }
0x82: {  	v16 =	vimm.s32 $0x15;
	v30 =	vsel vm7, $0x15, v30;
	v32 =	vsel vm8, $0x17, v63  }
0x83: {  	v16 =	vsel vm7, $0x14, v16;
	vm9 =	vgt.f32 v4, v27;
	vm10 =	vgt.f32 v7, v12  }
0x84: {  	vm11 =	vgt.f32 v29, v31;
	vm12 =	vgt.f32 v11, v24;
	v33 =	vsel vm9, v4, v27  }
0x85: {  	v4 =	vsel vm9, v27, v4;
	v27 =	vsel vm9, v19, v20;
	v19 =	vsel vm9, v20, v19  }
0x86: {  	v20 =	vsel vm10, v7, v12;
	v7 =	vsel vm10, v12, v7;
	v12 =	vsel vm10, v26, v28  }
0x87: {  	v26 =	vsel vm10, v28, v26;
	v28 =	vsel vm11, v29, v31;
	v29 =	vsel vm11, v31, v29  }
0x88: {  	v31 =	vsel vm11, v16, v25;
	v16 =	vsel vm11, v25, v16;
	v25 =	vsel vm12, v11, v24  }
0x89: {  	v11 =	vsel vm12, v24, v11;
	v24 =	vsel vm12, v30, v32;
	v30 =	vsel vm12, v32, v30  }
0x8a: {  	vm13 =	vgt.f32 v20, v4;
	vm14 =	vgt.f32 v25, v29;
	vm15 =	vgt.f32 v33, v28  }
0x8b: {  	vm4 =	vgt.f32 v7, v11;
	v63 =	vsel vm13, v20, v4;
	v4 =	vsel vm13, v4, v20  }
0x8c: {  	v20 =	vsel vm13, v12, v19;
	v12 =	vsel vm13, v19, v12;
	v19 =	vsel vm14, v25, v29  }
0x8d: {  	v25 =	vsel vm14, v29, v25;
	v29 =	vsel vm14, v24, v16;
	v16 =	vsel vm14, v16, v24  }
0x8e: {  	v24 =	vsel vm15, v33, v28;
	v28 =	vsel vm15, v28, v33;
	v33 =	vsel vm15, v27, v31  }
0x8f: {  	v27 =	vsel vm15, v31, v27;
	v31 =	vsel vm4, v7, v11;
	v7 =	vsel vm4, v11, v7  }
0x90: {  	v11 =	vsel vm4, v26, v30;
	v26 =	vsel vm4, v30, v26;
	vm5 =	vgt.f32 v63, v19  }
0x91: {  	vm6 =	vgt.f32 v4, v25;
	vm12 =	vgt.f32 v8, v7;
	v30 =	vsel vm5, v63, v19  }
0x92: {  	v19 =	vsel vm5, v19, v63;
	v63 =	vsel vm5, v20, v29;
	v20 =	vsel vm5, v29, v20  }
0x93: {  	v29 =	vsel vm6, v4, v25;
	v4 =	vsel vm6, v25, v4;
	v25 =	vsel vm6, v12, v16  }
0x94: {  	v12 =	vsel vm6, v16, v12;
	v7 =	vsel vm12, v8, v7;
	vm7 =	vgt.f32 v30, v28  }
0x95: {  	v8 =	vsel vm12, v17, v26;
	vm8 =	vgt.f32 v31, v4;
	v16 =	vsel vm7, v30, v28  }
0x96: {  	v28 =	vsel vm7, v28, v30;
	v30 =	vsel vm7, v63, v27;
	v27 =	vsel vm7, v27, v63  }
0x97: {  	v63 =	vsel vm8, v31, v4;
	v4 =	vsel vm8, v4, v31;
	v31 =	vsel vm8, v11, v12  }
0x98: {  	v11 =	vsel vm8, v12, v11;
	vm7 =	vgt.f32 v1, v24;
	vm9 =	vgt.f32 v29, v28  }
0x99: {  	vm10 =	vgt.f32 v63, v19;
	vm13 =	vgt.f32 v13, v4;
	vm6 =	vgt.f32 v18, v16  }
0x9a: {  	v1 =	vsel vm7, v1, v24;
	v2 =	vsel vm7, v2, v33;
	v12 =	vsel vm9, v29, v28  }
0x9b: {  	v28 =	vsel vm9, v28, v29;
	v29 =	vsel vm9, v25, v27;
	v25 =	vsel vm9, v27, v25  }
0x9c: {  	v27 =	vsel vm10, v63, v19;
	v19 =	vsel vm10, v19, v63;
	v63 =	vsel vm10, v31, v20  }
0x9d: {  	v20 =	vsel vm10, v20, v31;
	v4 =	vsel vm13, v13, v4;
	v11 =	vsel vm13, v14, v11  }
0x9e: {  	v3 =	vsel vm6, v3, v30;
	vm11 =	vgt.f32 v27, v28;
	vm14 =	vgt.f32 v15, v19  }
0x9f: {  	vm5 =	vgt.f32 v6, v12;
	v31 =	vsel vm11, v27, v28;
	v27 =	vsel vm11, v28, v27  }
0xa0: {  	v28 =	vsel vm11, v63, v25;
	v25 =	vsel vm11, v25, v63;
	v13 =	vsel vm14, v15, v19  }
0xa1: {  	v14 =	vsel vm14, v21, v20;
	v6 =	vsel vm5, v6, v12;
	v5 =	vsel vm5, v5, v29  }
0xa2: {  	v12 =	vsel vm6, v18, v16;
	vm15 =	vgt.f32 v10, v27;
	vm4 =	vgt.f32 v22, v31  }
0xa3: {  	vm9 =	vgt.f32 v4, v6;
	vm10 =	vgt.f32 v13, v12;
	v10 =	vsel vm15, v10, v27  }
0xa4: {  	v9 =	vsel vm15, v9, v25;
	v15 =	vsel vm4, v22, v31;
	v17 =	vsel vm4, v23, v28  }
0xa5: {  	v33 =	vsel vm9, v11, v5;
	v5 =	vsel vm9, v5, v11;
	v11 =	vsel vm10, v13, v12  }
0xa6: {  	v12 =	vsel vm10, v12, v13;
	v13 =	vsel vm10, v14, v3;
	vm8 =	vgt.f32 v7, v15  }
0xa7: {  	v3 =	vsel vm10, v3, v14;
	vm11 =	vgt.f32 v10, v1;
	v16 =	vsel vm8, v7, v15  }
0xa8: {  	v7 =	vsel vm8, v15, v7;
	v15 =	vsel vm8, v8, v17;
	v8 =	vsel vm8, v17, v8  }
0xa9: {  	v17 =	vsel vm9, v4, v6;
	v4 =	vsel vm9, v6, v4;
	v14 =	vsel vm11, v10, v1  }
0xaa: {  	v1 =	vsel vm11, v1, v10;
	v10 =	vsel vm11, v9, v2;
	v2 =	vsel vm11, v2, v9  }
0xab: {  	vm12 =	vgt.f32 v16, v11;
	vm13 =	vgt.f32 v17, v14;
	vm14 =	vgt.f32 v7, v12  }
0xac: {  	vm15 =	vgt.f32 v4, v1;
	v9 =	vsel vm12, v16, v11;
	v11 =	vsel vm12, v11, v16  }
0xad: {  	v16 =	vsel vm12, v15, v13;
	v13 =	vsel vm12, v13, v15;
	v15 =	vsel vm13, v17, v14  }
0xae: {  	v14 =	vsel vm13, v14, v17;
	v17 =	vsel vm13, v33, v10;
	v6 =	vsel vm13, v10, v33  }
0xaf: {  	v10 =	vsel vm14, v7, v12;
	v7 =	vsel vm14, v12, v7;
	v12 =	vsel vm14, v8, v3  }
0xb0: {  	v32 =	vld [tilespmem:s15+$0x3200];
	v3 =	vsel vm14, v3, v8;
	v8 =	vsel vm15, v4, v1;
	v1 =	vsel vm15, v1, v4  }
0xb1: {  	v18 =	vld [tilespmem:s15+$0x3000];
	v63 =	vsel vm15, v5, v2;
	v2 =	vsel vm15, v2, v5;
	vm4 =	vgt.f32 v9, v15  }
0xb2: {  	v33 =	vld [tilespmem:s15+$0x3280];
	vm5 =	vgt.f32 v11, v14;
	vm6 =	vgt.f32 v10, v8;
	vm7 =	vgt.f32 v7, v1  }
0xb3: {  	v5 =	vsel vm4, v9, v15;
	v9 =	vsel vm4, v15, v9;
	v15 =	vld [tilespmem:s15+$0x3080];
	v19 =	vsel vm4, v16, v17  }
0xb4: {  	v16 =	vsel vm4, v17, v16;
	v17 =	vld [tilespmem:s15+$0x3100];
	v20 =	vsel vm5, v11, v14;
	v11 =	vsel vm5, v14, v11  }
0xb5: {  	v14 =	vld [tilespmem:s15+$0x3180];
	v21 =	vsel vm5, v13, v6;
	v6 =	vsel vm5, v6, v13;
	v13 =	vsel vm6, v10, v8  }
0xb6: {  	v8 =	vsel vm6, v8, v10;
	v10 =	vsel vm6, v12, v63;
	v4 =	vsel vm6, v63, v12;
	v63 =	vld [tilespmem:s15+$0x3300]  }
0xb7: {  	v26 =	vimm.s32 $0x18;
	v24 =	vsel vm7, v3, v2;
	v2 =	vsel vm7, v2, v3;
	v3 =	vld [tilespmem:s15+$0x3380]  }
0xb8: {  	v30 =	vimm.s32 $0x1C;
	v28 =	vimm.s32 $0x1A;
	vm10 =	vgt.f32 v32, v33  }
0xb9: {  	v12 =	vsel vm7, v7, v1;
	v1 =	vsel vm7, v1, v7;
	v29 =	vsel vm10, v32, v33  }
0xba: {  	v22 =	vsel vm10, v33, v32;
	v32 =	vimm.s32 $0x1D;
	v30 =	vsel vm10, $0x1D, v30  }
0xbb: {  	v33 =	vimm.s32 $0x1F;
	vm8 =	vgt.f32 v18, v15;
	vm9 =	vgt.f32 v17, v14  }
0xbc: {  	v23 =	vsel vm10, $0x1C, v32;
	vm11 =	vgt.f32 v63, v3;
	v25 =	vsel vm8, v18, v15  }
0xbd: {  	v15 =	vsel vm8, v15, v18;
	v18 =	vimm.s32 $0x19;
	v26 =	vsel vm8, $0x19, v26  }
0xbe: {  	v27 =	vsel vm9, v17, v14;
	v14 =	vsel vm9, v14, v17;
	v17 =	vimm.s32 $0x1B  }
0xbf: {  	v28 =	vsel vm9, $0x1B, v28;
	v31 =	vsel vm11, v63, v3;
	v3 =	vsel vm11, v3, v63  }
0xc0: {  	v7 =	vsel vm11, $0x1E, v33;
	v63 =	vimm.s32 $0x1E;
	v18 =	vsel vm8, $0x18, v18  }
0xc1: {  	v17 =	vsel vm9, $0x1A, v17;
	vm12 =	vgt.f32 v25, v27;
	v32 =	vsel vm11, $0x1F, v63  }
0xc2: {  	vm13 =	vgt.f32 v15, v14;
	vm14 =	vgt.f32 v29, v31;
	vm15 =	vgt.f32 v22, v3  }
0xc3: {  	v33 =	vsel vm12, v25, v27;
	v25 =	vsel vm12, v27, v25;
	v27 =	vsel vm12, v18, v17  }
0xc4: {  	v17 =	vsel vm12, v17, v18;
	v18 =	vsel vm13, v15, v14;
	v14 =	vsel vm13, v14, v15  }
0xc5: {  	v15 =	vsel vm13, v26, v28;
	v26 =	vsel vm13, v28, v26;
	v28 =	vsel vm14, v29, v31  }
0xc6: {  	v29 =	vsel vm14, v31, v29;
	v31 =	vsel vm14, v23, v7;
	v7 =	vsel vm14, v7, v23  }
0xc7: {  	v23 =	vsel vm15, v22, v3;
	v3 =	vsel vm15, v3, v22;
	v22 =	vsel vm15, v30, v32  }
0xc8: {  	v30 =	vsel vm15, v32, v30;
	vm4 =	vgt.f32 v18, v25;
	vm5 =	vgt.f32 v23, v29  }
0xc9: {  	vm6 =	vgt.f32 v33, v28;
	vm7 =	vgt.f32 v14, v3;
	v63 =	vsel vm4, v18, v25  }
0xca: {  	v18 =	vsel vm4, v25, v18;
	v25 =	vsel vm4, v15, v17;
	v15 =	vsel vm4, v17, v15  }
0xcb: {  	v17 =	vsel vm5, v23, v29;
	v23 =	vsel vm5, v29, v23;
	v29 =	vsel vm5, v22, v7  }
0xcc: {  	v7 =	vsel vm5, v7, v22;
	v22 =	vsel vm6, v33, v28;
	v28 =	vsel vm6, v28, v33  }
0xcd: {  	v33 =	vsel vm6, v27, v31;
	v27 =	vsel vm6, v31, v27;
	v31 =	vsel vm7, v14, v3  }
0xce: {  	v3 =	vsel vm7, v3, v14;
	v14 =	vsel vm7, v26, v30;
	v26 =	vsel vm7, v30, v26  }
0xcf: {  	vm8 =	vgt.f32 v63, v17;
	vm9 =	vgt.f32 v18, v23;
	vm15 =	vgt.f32 v5, v3  }
0xd0: {  	v30 =	vsel vm8, v63, v17;
	v17 =	vsel vm8, v17, v63;
	v63 =	vsel vm8, v25, v29  }
0xd1: {  	v25 =	vsel vm8, v29, v25;
	v29 =	vsel vm9, v18, v23;
	v18 =	vsel vm9, v23, v18  }
0xd2: {  	v23 =	vsel vm9, v15, v7;
	v7 =	vsel vm9, v7, v15;
	vm10 =	vgt.f32 v30, v28  }
0xd3: {  	v3 =	vsel vm15, v5, v3;
	vm11 =	vgt.f32 v31, v18;
	v15 =	vsel vm10, v30, v28  }
0xd4: {  	v28 =	vsel vm10, v28, v30;
	v30 =	vsel vm10, v63, v27;
	v27 =	vsel vm10, v27, v63  }
0xd5: {  	v63 =	vsel vm11, v31, v18;
	v18 =	vsel vm11, v18, v31;
	v31 =	vsel vm11, v14, v7  }
0xd6: {  	v7 =	vsel vm11, v7, v14;
	vm10 =	vgt.f32 v1, v22;
	vm12 =	vgt.f32 v29, v28  }
0xd7: {  	vm13 =	vgt.f32 v63, v17;
	vm4 =	vgt.f32 v9, v18;
	vm9 =	vgt.f32 v12, v15  }
0xd8: {  	v1 =	vsel vm10, v1, v22;
	v2 =	vsel vm10, v2, v33;
	v14 =	vsel vm12, v29, v28  }
0xd9: {  	v28 =	vsel vm12, v28, v29;
	v29 =	vsel vm12, v23, v27;
	v23 =	vsel vm12, v27, v23  }
0xda: {  	v27 =	vsel vm13, v63, v17;
	v17 =	vsel vm13, v17, v63;
	v63 =	vsel vm13, v31, v25  }
0xdb: {  	v25 =	vsel vm13, v25, v31;
	v9 =	vsel vm4, v9, v18;
	v7 =	vsel vm4, v16, v7  }
0xdc: {  	v12 =	vsel vm9, v12, v15;
	vm14 =	vgt.f32 v27, v28;
	vm5 =	vgt.f32 v20, v17  }
0xdd: {  	vm8 =	vgt.f32 v8, v14;
	v31 =	vsel vm14, v27, v28;
	v27 =	vsel vm14, v28, v27  }
0xde: {  	v28 =	vsel vm14, v63, v23;
	v23 =	vsel vm14, v23, v63;
	v63 =	vsel vm15, v19, v26  }
0xdf: {  	v16 =	vsel vm5, v20, v17;
	v17 =	vsel vm5, v21, v25;
	v8 =	vsel vm8, v8, v14  }
0xe0: {  	v4 =	vsel vm8, v4, v29;
	v14 =	vsel vm9, v24, v30;
	vm6 =	vgt.f32 v11, v27  }
0xe1: {  	vm7 =	vgt.f32 v13, v31;
	vm12 =	vgt.f32 v9, v8;
	vm13 =	vgt.f32 v16, v12  }
0xe2: {  	v11 =	vsel vm6, v11, v27;
	v6 =	vsel vm6, v6, v23;
	v13 =	vsel vm7, v13, v31  }
0xe3: {  	v10 =	vsel vm7, v10, v28;
	v23 =	vsel vm13, v16, v12;
	v12 =	vsel vm13, v12, v16  }
0xe4: {  	v16 =	vsel vm13, v17, v14;
	v14 =	vsel vm13, v14, v17;
	vm11 =	vgt.f32 v3, v13  }
0xe5: {  	vm14 =	vgt.f32 v11, v1;
	v15 =	vsel vm11, v3, v13;
	v3 =	vsel vm11, v13, v3  }
0xe6: {  	v13 =	vsel vm11, v63, v10;
	v5 =	vsel vm11, v10, v63;
	v10 =	vsel vm12, v9, v8  }
0xe7: {  	v8 =	vsel vm12, v8, v9;
	v9 =	vsel vm12, v7, v4;
	v4 =	vsel vm12, v4, v7  }
0xe8: {  	v17 =	vsel vm14, v11, v1;
	v1 =	vsel vm14, v1, v11;
	v11 =	vsel vm14, v6, v2  }
0xe9: {  	v2 =	vsel vm14, v2, v6;
	vm15 =	vgt.f32 v15, v23;
	vm4 =	vgt.f32 v10, v17  }
0xea: {  	vm5 =	vgt.f32 v3, v12;
	vm6 =	vgt.f32 v8, v1;
	v32 =	vsel vm15, v15, v23  }
0xeb: {  	v7 =	vsel vm15, v23, v15;
	v15 =	vsel vm15, v13, v16;
	v13 =	vsel vm15, v16, v13  }
0xec: {  	v16 =	vsel vm4, v10, v17;
	v10 =	vsel vm4, v17, v10;
	v17 =	vsel vm4, v9, v11  }
0xed: {  	v9 =	vsel vm4, v11, v9;
	v11 =	vsel vm5, v3, v12;
	v3 =	vsel vm5, v12, v3  }
0xee: {  	v33 =	vld [tilespmem:s15+$0x4080];
	v12 =	vsel vm5, v5, v14;
	v5 =	vsel vm5, v14, v5;
	v14 =	vsel vm6, v8, v1  }
0xef: {  	v63 =	vld [tilespmem:s15+$0x4180];
	v1 =	vsel vm6, v1, v8;
	v18 =	vsel vm6, v4, v2;
	vm7 =	vgt.f32 v32, v16  }
0xf0: {  	v8 =	vld [tilespmem:s15+$0x4000];
	vm8 =	vgt.f32 v7, v10;
	vm9 =	vgt.f32 v11, v14;
	v19 =	vsel vm7, v32, v16  }
0xf1: {  	v6 =	vsel vm7, v16, v32;
	v16 =	vld [tilespmem:s15+$0x4100];
	v20 =	vsel vm7, v15, v17;
	v15 =	vsel vm7, v17, v15  }
0xf2: {  	v17 =	vsel vm8, v7, v10;
	v7 =	vsel vm8, v10, v7;
	v10 =	vsel vm8, v13, v9;
	v32 =	vld [tilespmem:s15+$0x4200]  }
0xf3: {  	v9 =	vsel vm8, v9, v13;
	v13 =	vsel vm9, v11, v14;
	v11 =	vsel vm9, v14, v11;
	v14 =	vld [tilespmem:s15+$0x4280]  }
0xf4: {  	vm10 =	vgt.f32 v3, v1;
	v23 =	vsel vm9, v12, v18;
	v12 =	vsel vm9, v18, v12;
	v18 =	vld [tilespmem:s15+$0x4300]  }
0xf5: {  	v2 =	vsel vm6, v2, v4;
	v24 =	vsel vm10, v3, v1;
	v1 =	vsel vm10, v1, v3;
	v3 =	vld [tilespmem:s15+$0x4380]  }
0xf6: {  	v26 =	vimm.s32 $0x20;
	v25 =	vsel vm10, v5, v2;
	vm11 =	vgt.f32 v8, v33  }
0xf7: {  	v2 =	vsel vm10, v2, v5;
	v5 =	vsel vm11, v8, v33;
	v4 =	vsel vm11, v33, v8  }
0xf8: {  	v8 =	vimm.s32 $0x21;
	v26 =	vsel vm11, $0x21, v26;
	v33 =	vimm.s32 $0x23  }
0xf9: {  	v8 =	vsel vm11, $0x20, v8;
	vm12 =	vgt.f32 v16, v63;
	vm13 =	vgt.f32 v32, v14  }
0xfa: {  	vm14 =	vgt.f32 v18, v3;
	v27 =	vsel vm12, v16, v63;
	v16 =	vsel vm12, v63, v16  }
0xfb: {  	v21 =	vsel vm12, $0x22, v33;
	v28 =	vsel vm12, $0x23, v53;
	v29 =	vsel vm13, v32, v14  }
0xfc: {  	v14 =	vsel vm13, v14, v32;
	v22 =	vsel vm13, $0x24, v54;
	v30 =	vsel vm13, $0x25, v55  }
0xfd: {  	v31 =	vsel vm14, v18, v3;
	v3 =	vsel vm14, v3, v18;
	v18 =	vsel vm14, $0x26, v56  }
0xfe: {  	v63 =	vsel vm14, $0x27, v57;
	vm15 =	vgt.f32 v5, v27;
	vm4 =	vgt.f32 v4, v16  }
0xff: {  	vm5 =	vgt.f32 v29, v31;
	vm6 =	vgt.f32 v14, v3;
	v33 =	vsel vm15, v5, v27  }
0x100: {  	v5 =	vsel vm15, v27, v5;
	v27 =	vsel vm15, v8, v21;
	v8 =	vsel vm15, v21, v8  }
0x101: {  	v21 =	vsel vm4, v4, v16;
	v4 =	vsel vm4, v16, v4;
	v16 =	vsel vm4, v26, v28  }
0x102: {  	v26 =	vsel vm4, v28, v26;
	v28 =	vsel vm5, v29, v31;
	v29 =	vsel vm5, v31, v29  }
0x103: {  	v31 =	vsel vm5, v22, v18;
	v18 =	vsel vm5, v18, v22;
	v22 =	vsel vm6, v14, v3  }
0x104: {  	v3 =	vsel vm6, v3, v14;
	v14 =	vsel vm6, v30, v63;
	v30 =	vsel vm6, v63, v30  }
0x105: {  	vm7 =	vgt.f32 v21, v5;
	vm8 =	vgt.f32 v22, v29;
	vm9 =	vgt.f32 v33, v28  }
0x106: {  	vm10 =	vgt.f32 v4, v3;
	v63 =	vsel vm7, v21, v5;
	v5 =	vsel vm7, v5, v21  }
0x107: {  	v21 =	vsel vm7, v16, v8;
	v8 =	vsel vm7, v8, v16;
	v16 =	vsel vm8, v22, v29  }
0x108: {  	v22 =	vsel vm8, v29, v22;
	v29 =	vsel vm8, v14, v18;
	v14 =	vsel vm8, v18, v14  }
0x109: {  	v18 =	vsel vm9, v33, v28;
	v28 =	vsel vm9, v28, v33;
	v33 =	vsel vm9, v27, v31  }
0x10a: {  	v27 =	vsel vm9, v31, v27;
	v31 =	vsel vm10, v4, v3;
	v3 =	vsel vm10, v3, v4  }
0x10b: {  	v4 =	vsel vm10, v26, v30;
	v26 =	vsel vm10, v30, v26;
	vm11 =	vgt.f32 v63, v16  }
0x10c: {  	vm12 =	vgt.f32 v5, v22;
	vm6 =	vgt.f32 v19, v3;
	v30 =	vsel vm11, v63, v16  }
0x10d: {  	v16 =	vsel vm11, v16, v63;
	v63 =	vsel vm11, v21, v29;
	v21 =	vsel vm11, v29, v21  }
0x10e: {  	v29 =	vsel vm12, v5, v22;
	v5 =	vsel vm12, v22, v5;
	v22 =	vsel vm12, v8, v14  }
0x10f: {  	v8 =	vsel vm12, v14, v8;
	v3 =	vsel vm6, v19, v3;
	vm13 =	vgt.f32 v30, v28  }
0x110: {  	v19 =	vsel vm6, v20, v26;
	vm14 =	vgt.f32 v31, v5;
	v14 =	vsel vm13, v30, v28  }
0x111: {  	v28 =	vsel vm13, v28, v30;
	v30 =	vsel vm13, v63, v27;
	v27 =	vsel vm13, v27, v63  }
0x112: {  	v32 =	vsel vm14, v31, v5;
	v5 =	vsel vm14, v5, v31;
	v31 =	vsel vm14, v4, v8  }
0x113: {  	v4 =	vsel vm14, v8, v4;
	vm13 =	vgt.f32 v1, v18;
	vm15 =	vgt.f32 v29, v28  }
0x114: {  	vm4 =	vgt.f32 v32, v16;
	vm7 =	vgt.f32 v6, v5;
	vm12 =	vgt.f32 v24, v14  }
0x115: {  	v1 =	vsel vm13, v1, v18;
	v2 =	vsel vm13, v2, v33;
	v8 =	vsel vm15, v29, v28  }
0x116: {  	v28 =	vsel vm15, v28, v29;
	v29 =	vsel vm15, v22, v27;
	v63 =	vsel vm4, v32, v16  }
0x117: {  	v22 =	vsel vm15, v27, v22;
	v16 =	vsel vm4, v16, v32;
	v27 =	vsel vm4, v31, v21  }
0x118: {  	v21 =	vsel vm4, v21, v31;
	v5 =	vsel vm7, v6, v5;
	v4 =	vsel vm7, v15, v4  }
0x119: {  	vm5 =	vgt.f32 v63, v28;
	vm8 =	vgt.f32 v17, v16;
	vm11 =	vgt.f32 v11, v8  }
0x11a: {  	v31 =	vsel vm5, v63, v28;
	v28 =	vsel vm5, v28, v63;
	v63 =	vsel vm5, v27, v22  }
0x11b: {  	v22 =	vsel vm5, v22, v27;
	v20 =	vsel vm8, v17, v16;
	v10 =	vsel vm8, v10, v21  }
0x11c: {  	v8 =	vsel vm11, v11, v8;
	v11 =	vsel vm11, v12, v29;
	v12 =	vsel vm12, v24, v14  }
0x11d: {  	v14 =	vsel vm12, v25, v30;
	vm9 =	vgt.f32 v7, v28;
	vm10 =	vgt.f32 v13, v31  }
0x11e: {  	vm15 =	vgt.f32 v5, v8;
	vm4 =	vgt.f32 v20, v12;
	v7 =	vsel vm9, v7, v28  }
0x11f: {  	v9 =	vsel vm9, v9, v22;
	v13 =	vsel vm10, v13, v31;
	v15 =	vsel vm10, v23, v63  }
0x120: {  	v17 =	vsel vm15, v5, v8;
	v5 =	vsel vm15, v8, v5;
	v8 =	vsel vm15, v4, v11  }
0x121: {  	v24 =	vld [tilespmem:s15+$0x5300];
	v4 =	vsel vm15, v11, v4;
	v11 =	vsel vm4, v20, v12;
	v6 =	vsel vm4, v12, v20  }
0x122: {  	v25 =	vld [tilespmem:s15+$0x5380];
	v12 =	vsel vm4, v10, v14;
	v10 =	vsel vm4, v14, v10;
	vm14 =	vgt.f32 v3, v13  }
0x123: {  	vm5 =	vgt.f32 v7, v1;
	v16 =	vsel vm14, v3, v13;
	v3 =	vsel vm14, v13, v3  }
0x124: {  	v13 =	vsel vm14, v19, v15;
	v15 =	vsel vm14, v15, v19;
	v14 =	vsel vm5, v7, v1  }
0x125: {  	v1 =	vsel vm5, v1, v7;
	v33 =	vsel vm5, v9, v2;
	v2 =	vsel vm5, v2, v9  }
0x126: {  	vm6 =	vgt.f32 v16, v11;
	vm7 =	vgt.f32 v17, v14;
	vm8 =	vgt.f32 v3, v6  }
0x127: {  	vm9 =	vgt.f32 v5, v1;
	vm5 =	vgt.f32 v24, v25;
	v9 =	vsel vm6, v16, v11  }
0x128: {  	v11 =	vsel vm6, v11, v16;
	v16 =	vsel vm6, v13, v12;
	v12 =	vsel vm6, v12, v13  }
0x129: {  	v13 =	vsel vm7, v17, v14;
	v14 =	vsel vm7, v14, v17;
	v17 =	vsel vm7, v8, v33  }
0x12a: {  	v7 =	vsel vm7, v33, v8;
	v8 =	vsel vm8, v3, v6;
	v3 =	vsel vm8, v6, v3  }
0x12b: {  	v63 =	vsel vm8, v15, v10;
	v10 =	vsel vm8, v10, v15;
	v15 =	vsel vm9, v5, v1  }
0x12c: {  	v1 =	vsel vm9, v1, v5;
	v18 =	vsel vm9, v4, v2;
	v2 =	vsel vm9, v2, v4  }
0x12d: {  	v32 =	vld [tilespmem:s15+$0x5000];
	v31 =	vsel vm5, v24, v25;
	v24 =	vsel vm5, v25, v24;
	v25 =	vsel vm5, $0x2E, v35  }
0x12e: {  	v19 =	vld [tilespmem:s15+$0x5080];
	vm10 =	vgt.f32 v9, v13;
	vm11 =	vgt.f32 v11, v14;
	vm12 =	vgt.f32 v8, v15  }
0x12f: {  	v33 =	vld [tilespmem:s15+$0x5100];
	v4 =	vsel vm10, v9, v13;
	v9 =	vsel vm10, v13, v9;
	v13 =	vsel vm10, v16, v17  }
0x130: {  	v16 =	vsel vm10, v17, v16;
	v17 =	vsel vm11, v11, v14;
	v11 =	vsel vm11, v14, v11;
	v14 =	vld [tilespmem:s15+$0x5180]  }
0x131: {  	vm13 =	vgt.f32 v3, v1;
	v21 =	vsel vm11, v12, v7;
	v7 =	vsel vm11, v7, v12;
	v12 =	vld [tilespmem:s15+$0x5200]  }
0x132: {  	v22 =	vsel vm12, v8, v15;
	v8 =	vsel vm12, v15, v8;
	v15 =	vld [tilespmem:s15+$0x5280];
	v23 =	vsel vm12, v63, v18  }
0x133: {  	v6 =	vsel vm12, v18, v63;
	v18 =	vsel vm13, v3, v1;
	v1 =	vsel vm13, v1, v3  }
0x134: {  	v3 =	vsel vm13, v10, v2;
	v2 =	vsel vm13, v2, v10;
	vm14 =	vgt.f32 v32, v19  }
0x135: {  	v63 =	vsel vm5, $0x2F, v36;
	v10 =	vsel vm14, v32, v19;
	v5 =	vsel vm14, v19, v32  }
0x136: {  	v19 =	vsel vm14, $0x28, v58;
	v26 =	vsel vm14, $0x29, v59;
	vm15 =	vgt.f32 v33, v14  }
0x137: {  	vm4 =	vgt.f32 v12, v15;
	v27 =	vsel vm15, v33, v14;
	v14 =	vsel vm15, v14, v33  }
0x138: {  	v20 =	vsel vm15, $0x2A, v60;
	v28 =	vsel vm15, $0x2B, v61;
	v29 =	vsel vm4, v12, v15  }
0x139: {  	v12 =	vsel vm4, v15, v12;
	v15 =	vsel vm4, $0x2C, v62;
	v30 =	vsel vm4, $0x2D, v34  }
0x13a: {  	vm6 =	vgt.f32 v10, v27;
	vm7 =	vgt.f32 v5, v14;
	vm8 =	vgt.f32 v29, v31  }
0x13b: {  	vm9 =	vgt.f32 v12, v24;
	v33 =	vsel vm6, v10, v27;
	v10 =	vsel vm6, v27, v10  }
0x13c: {  	v27 =	vsel vm6, v19, v20;
	v19 =	vsel vm6, v20, v19;
	v20 =	vsel vm7, v5, v14  }
0x13d: {  	v5 =	vsel vm7, v14, v5;
	v14 =	vsel vm7, v26, v28;
	v26 =	vsel vm7, v28, v26  }
0x13e: {  	v28 =	vsel vm8, v29, v31;
	v29 =	vsel vm8, v31, v29;
	v31 =	vsel vm8, v15, v25  }
0x13f: {  	v15 =	vsel vm8, v25, v15;
	v25 =	vsel vm9, v12, v24;
	v12 =	vsel vm9, v24, v12  }
0x140: {  	v24 =	vsel vm9, v30, v63;
	v30 =	vsel vm9, v63, v30;
	vm10 =	vgt.f32 v20, v10  }
0x141: {  	vm11 =	vgt.f32 v25, v29;
	vm12 =	vgt.f32 v33, v28;
	vm13 =	vgt.f32 v5, v12  }
0x142: {  	v63 =	vsel vm10, v20, v10;
	v10 =	vsel vm10, v10, v20;
	v20 =	vsel vm10, v14, v19  }
0x143: {  	v14 =	vsel vm10, v19, v14;
	v19 =	vsel vm11, v25, v29;
	v25 =	vsel vm11, v29, v25  }
0x144: {  	v29 =	vsel vm11, v24, v15;
	v15 =	vsel vm11, v15, v24;
	v24 =	vsel vm12, v33, v28  }
0x145: {  	v28 =	vsel vm12, v28, v33;
	v33 =	vsel vm12, v27, v31;
	v27 =	vsel vm12, v31, v27  }
0x146: {  	v31 =	vsel vm13, v5, v12;
	v5 =	vsel vm13, v12, v5;
	v12 =	vsel vm13, v26, v30  }
0x147: {  	v26 =	vsel vm13, v30, v26;
	vm14 =	vgt.f32 v63, v19;
	vm15 =	vgt.f32 v10, v25  }
0x148: {  	vm9 =	vgt.f32 v4, v5;
	v30 =	vsel vm14, v63, v19;
	v19 =	vsel vm14, v19, v63  }
0x149: {  	v63 =	vsel vm14, v20, v29;
	v20 =	vsel vm14, v29, v20;
	v29 =	vsel vm15, v10, v25  }
0x14a: {  	v10 =	vsel vm15, v25, v10;
	v25 =	vsel vm15, v14, v15;
	v14 =	vsel vm15, v15, v14  }
0x14b: {  	v4 =	vsel vm9, v4, v5;
	vm4 =	vgt.f32 v30, v28;
	vm5 =	vgt.f32 v31, v10  }
0x14c: {  	v15 =	vsel vm4, v30, v28;
	v28 =	vsel vm4, v28, v30;
	v30 =	vsel vm4, v63, v27  }
0x14d: {  	v27 =	vsel vm4, v27, v63;
	v63 =	vsel vm5, v31, v10;
	v10 =	vsel vm5, v10, v31  }
0x14e: {  	v31 =	vsel vm5, v12, v14;
	v12 =	vsel vm5, v14, v12;
	vm4 =	vgt.f32 v1, v24  }
0x14f: {  	vm6 =	vgt.f32 v29, v28;
	vm7 =	vgt.f32 v63, v19;
	vm10 =	vgt.f32 v9, v10  }
0x150: {  	vm15 =	vgt.f32 v18, v15;
	v1 =	vsel vm4, v1, v24;
	v2 =	vsel vm4, v2, v33  }
0x151: {  	v14 =	vsel vm6, v29, v28;
	v28 =	vsel vm6, v28, v29;
	v29 =	vsel vm6, v25, v27  }
0x152: {  	v25 =	vsel vm6, v27, v25;
	v27 =	vsel vm7, v63, v19;
	v19 =	vsel vm7, v19, v63  }
0x153: {  	v63 =	vsel vm7, v31, v20;
	v20 =	vsel vm7, v20, v31;
	v9 =	vsel vm10, v9, v10  }
0x154: {  	v10 =	vsel vm10, v16, v12;
	v3 =	vsel vm15, v3, v30;
	vm8 =	vgt.f32 v27, v28  }
0x155: {  	vm11 =	vgt.f32 v17, v19;
	vm14 =	vgt.f32 v8, v14;
	v31 =	vsel vm8, v27, v28  }
0x156: {  	v27 =	vsel vm8, v28, v27;
	v28 =	vsel vm8, v63, v25;
	v25 =	vsel vm8, v25, v63  }
0x157: {  	v63 =	vsel vm9, v13, v26;
	v12 =	vsel vm11, v17, v19;
	v13 =	vsel vm11, v21, v20  }
0x158: {  	v8 =	vsel vm14, v8, v14;
	v6 =	vsel vm14, v6, v29;
	v14 =	vsel vm15, v18, v15  }
0x159: {  	vm12 =	vgt.f32 v11, v27;
	vm13 =	vgt.f32 v22, v31;
	vm6 =	vgt.f32 v9, v8  }
0x15a: {  	vm7 =	vgt.f32 v12, v14;
	v11 =	vsel vm12, v11, v27;
	v16 =	vsel vm13, v22, v31  }
0x15b: {  	v7 =	vsel vm12, v7, v25;
	v17 =	vsel vm13, v23, v28;
	vm5 =	vgt.f32 v4, v16  }
0x15c: {  	vm8 =	vgt.f32 v11, v1;
	v15 =	vsel vm5, v4, v16;
	v4 =	vsel vm5, v16, v4  }
0x15d: {  	v16 =	vsel vm5, v63, v17;
	v5 =	vsel vm5, v17, v63;
	v17 =	vsel vm6, v9, v8  }
0x15e: {  	v8 =	vsel vm6, v8, v9;
	v9 =	vsel vm6, v10, v6;
	v6 =	vsel vm6, v6, v10  }
0x15f: {  	v10 =	vsel vm7, v12, v14;
	v12 =	vsel vm7, v14, v12;
	v14 =	vsel vm7, v13, v3  }
0x160: {  	v3 =	vsel vm7, v3, v13;
	v13 =	vsel vm8, v11, v1;
	v1 =	vsel vm8, v1, v11  }
0x161: {  	v11 =	vsel vm8, v7, v2;
	v2 =	vsel vm8, v2, v7;
	vm9 =	vgt.f32 v15, v10  }
0x162: {  	vm10 =	vgt.f32 v17, v13;
	vm11 =	vgt.f32 v4, v12;
	vm12 =	vgt.f32 v8, v1  }
0x163: {  	v32 =	vsel vm9, v15, v10;
	v10 =	vsel vm9, v10, v15;
	v15 =	vsel vm9, v16, v14  }
0x164: {  	v14 =	vsel vm9, v14, v16;
	v16 =	vsel vm10, v17, v13;
	v13 =	vsel vm10, v13, v17  }
0x165: {  	v17 =	vsel vm10, v9, v11;
	v9 =	vsel vm10, v11, v9;
	v11 =	vsel vm11, v4, v12  }
0x166: {  	v18 =	vld [tilespmem:s15+$0x6000];
	v4 =	vsel vm11, v12, v4;
	v12 =	vsel vm11, v5, v3;
	v33 =	vsel vm12, v8, v1  }
0x167: {  	v63 =	vld [tilespmem:s15+$0x6200];
	v1 =	vsel vm12, v1, v8;
	v8 =	vsel vm12, v6, v2;
	vm13 =	vgt.f32 v32, v16  }
0x168: {  	v2 =	vsel vm12, v2, v6;
	v6 =	vsel vm13, v32, v16;
	v7 =	vsel vm13, v16, v32;
	v16 =	vld [tilespmem:s15+$0x6080]  }
0x169: {  	vm14 =	vgt.f32 v10, v13;
	v19 =	vsel vm13, v15, v17;
	v15 =	vsel vm13, v17, v15;
	v17 =	vld [tilespmem:s15+$0x6100]  }
0x16a: {  	v3 =	vsel vm11, v3, v5;
	v20 =	vsel vm14, v10, v13;
	v10 =	vsel vm14, v13, v10;
	v13 =	vld [tilespmem:s15+$0x6180]  }
0x16b: {  	vm15 =	vgt.f32 v11, v33;
	vm4 =	vgt.f32 v4, v1;
	v21 =	vsel vm14, v14, v9;
	v32 =	vld [tilespmem:s15+$0x6280]  }
0x16c: {  	v9 =	vsel vm14, v9, v14;
	v14 =	vsel vm15, v11, v33;
	v5 =	vsel vm15, v33, v11;
	v33 =	vld [tilespmem:s15+$0x6300]  }
0x16d: {  	v24 =	vsel vm4, v3, v2;
	v2 =	vsel vm4, v2, v3;
	v3 =	vld [tilespmem:s15+$0x6380];
	_ =	sdelay $0x1  }
0x16e: {  	v11 =	vsel vm15, v12, v8  }
0x16f: {  	v8 =	vsel vm15, v8, v12;
	v12 =	vsel vm4, v4, v1;
	v1 =	vsel vm4, v1, v4  }
0x170: {  	vm5 =	vgt.f32 v18, v16;
	vm6 =	vgt.f32 v17, v13;
	vm7 =	vgt.f32 v63, v32  }
0x171: {  	vm8 =	vgt.f32 v33, v3;
	v25 =	vsel vm5, v18, v16;
	v16 =	vsel vm5, v16, v18  }
0x172: {  	v18 =	vsel vm5, $0x30, v37;
	v26 =	vsel vm5, $0x31, v38;
	v27 =	vsel vm6, v17, v13  }
0x173: {  	v13 =	vsel vm6, v13, v17;
	v17 =	vsel vm6, $0x32, v39;
	v28 =	vsel vm6, $0x33, v40  }
0x174: {  	v29 =	vsel vm7, v63, v32;
	v22 =	vsel vm7, v32, v63;
	v23 =	vsel vm7, $0x34, v41  }
0x175: {  	v30 =	vsel vm7, $0x35, v42;
	v31 =	vsel vm8, v33, v3;
	v3 =	vsel vm8, v3, v33  }
0x176: {  	v4 =	vsel vm8, $0x36, v43;
	v63 =	vsel vm8, $0x37, v44;
	vm9 =	vgt.f32 v25, v27  }
0x177: {  	vm10 =	vgt.f32 v16, v13;
	vm11 =	vgt.f32 v29, v31;
	vm12 =	vgt.f32 v22, v3  }
0x178: {  	v33 =	vsel vm9, v25, v27;
	v25 =	vsel vm9, v27, v25;
	v27 =	vsel vm9, v18, v17  }
0x179: {  	v17 =	vsel vm9, v17, v18;
	v18 =	vsel vm10, v16, v13;
	v13 =	vsel vm10, v13, v16  }
0x17a: {  	v16 =	vsel vm10, v26, v28;
	v26 =	vsel vm10, v28, v26;
	v28 =	vsel vm11, v29, v31  }
0x17b: {  	v29 =	vsel vm11, v31, v29;
	v31 =	vsel vm11, v23, v4;
	v4 =	vsel vm11, v4, v23  }
0x17c: {  	v23 =	vsel vm12, v22, v3;
	v3 =	vsel vm12, v3, v22;
	v22 =	vsel vm12, v30, v63  }
0x17d: {  	v30 =	vsel vm12, v63, v30;
	vm13 =	vgt.f32 v18, v25;
	vm14 =	vgt.f32 v23, v29  }
0x17e: {  	vm15 =	vgt.f32 v33, v28;
	vm4 =	vgt.f32 v13, v3;
	v63 =	vsel vm13, v18, v25  }
0x17f: {  	v18 =	vsel vm13, v25, v18;
	v25 =	vsel vm13, v16, v17;
	v16 =	vsel vm13, v17, v16  }
0x180: {  	v17 =	vsel vm14, v23, v29;
	v23 =	vsel vm14, v29, v23;
	v29 =	vsel vm14, v22, v4  }
0x181: {  	v4 =	vsel vm14, v4, v22;
	v22 =	vsel vm15, v33, v28;
	v28 =	vsel vm15, v28, v33  }
0x182: {  	v33 =	vsel vm15, v27, v31;
	v27 =	vsel vm15, v31, v27;
	v31 =	vsel vm4, v13, v3  }
0x183: {  	v3 =	vsel vm4, v3, v13;
	v13 =	vsel vm4, v26, v30;
	v26 =	vsel vm4, v30, v26  }
0x184: {  	vm5 =	vgt.f32 v63, v17;
	vm6 =	vgt.f32 v18, v23;
	vm12 =	vgt.f32 v6, v3  }
0x185: {  	v30 =	vsel vm5, v63, v17;
	v17 =	vsel vm5, v17, v63;
	v63 =	vsel vm5, v25, v29  }
0x186: {  	v25 =	vsel vm5, v29, v25;
	v29 =	vsel vm6, v18, v23;
	v18 =	vsel vm6, v23, v18  }
0x187: {  	v23 =	vsel vm6, v16, v4;
	v4 =	vsel vm6, v4, v16;
	vm7 =	vgt.f32 v30, v28  }
0x188: {  	v3 =	vsel vm12, v6, v3;
	vm8 =	vgt.f32 v31, v18;
	v16 =	vsel vm7, v30, v28  }
0x189: {  	v28 =	vsel vm7, v28, v30;
	v30 =	vsel vm7, v63, v27;
	v27 =	vsel vm7, v27, v63  }
0x18a: {  	v63 =	vsel vm8, v31, v18;
	v18 =	vsel vm8, v18, v31;
	v31 =	vsel vm8, v13, v4  }
0x18b: {  	v4 =	vsel vm8, v4, v13;
	vm7 =	vgt.f32 v1, v22;
	vm9 =	vgt.f32 v29, v28  }
0x18c: {  	vm10 =	vgt.f32 v63, v17;
	vm13 =	vgt.f32 v7, v18;
	vm6 =	vgt.f32 v12, v16  }
0x18d: {  	v1 =	vsel vm7, v1, v22;
	v2 =	vsel vm7, v2, v33;
	v13 =	vsel vm9, v29, v28  }
0x18e: {  	v28 =	vsel vm9, v28, v29;
	v29 =	vsel vm9, v23, v27;
	v23 =	vsel vm9, v27, v23  }
0x18f: {  	v27 =	vsel vm10, v63, v17;
	v17 =	vsel vm10, v17, v63;
	v63 =	vsel vm10, v31, v25  }
0x190: {  	v25 =	vsel vm10, v25, v31;
	v7 =	vsel vm13, v7, v18;
	v4 =	vsel vm13, v15, v4  }
0x191: {  	v12 =	vsel vm6, v12, v16;
	vm11 =	vgt.f32 v27, v28;
	vm14 =	vgt.f32 v20, v17  }
0x192: {  	vm5 =	vgt.f32 v5, v13;
	v31 =	vsel vm11, v27, v28;
	v27 =	vsel vm11, v28, v27  }
0x193: {  	v28 =	vsel vm11, v63, v23;
	v23 =	vsel vm11, v23, v63;
	v63 =	vsel vm12, v19, v26  }
0x194: {  	v15 =	vsel vm14, v20, v17;
	v17 =	vsel vm14, v21, v25;
	v5 =	vsel vm5, v5, v13  }
0x195: {  	v8 =	vsel vm5, v8, v29;
	v13 =	vsel vm6, v24, v30;
	vm15 =	vgt.f32 v10, v27  }
0x196: {  	vm4 =	vgt.f32 v14, v31;
	vm9 =	vgt.f32 v7, v5;
	vm10 =	vgt.f32 v15, v12  }
0x197: {  	v10 =	vsel vm15, v10, v27;
	v9 =	vsel vm15, v9, v23;
	v14 =	vsel vm4, v14, v31  }
0x198: {  	v11 =	vsel vm4, v11, v28;
	v32 =	vsel vm9, v4, v8;
	v4 =	vsel vm9, v8, v4  }
0x199: {  	v8 =	vsel vm10, v15, v12;
	v12 =	vsel vm10, v12, v15;
	v15 =	vsel vm10, v17, v13  }
0x19a: {  	v13 =	vsel vm10, v13, v17;
	vm8 =	vgt.f32 v3, v14;
	vm11 =	vgt.f32 v10, v1  }
0x19b: {  	v16 =	vsel vm8, v3, v14;
	v3 =	vsel vm8, v14, v3;
	v14 =	vsel vm8, v63, v11  }
0x19c: {  	v6 =	vsel vm8, v11, v63;
	v11 =	vsel vm9, v7, v5;
	v5 =	vsel vm9, v5, v7  }
0x19d: {  	v17 =	vsel vm11, v10, v1;
	v1 =	vsel vm11, v1, v10;
	v10 =	vsel vm11, v9, v2  }
0x19e: {  	v2 =	vsel vm11, v2, v9;
	vm12 =	vgt.f32 v16, v8;
	vm13 =	vgt.f32 v11, v17  }
0x19f: {  	vm14 =	vgt.f32 v3, v12;
	vm15 =	vgt.f32 v5, v1;
	v9 =	vsel vm12, v16, v8  }
0x1a0: {  	v8 =	vsel vm12, v8, v16;
	v16 =	vsel vm12, v14, v15;
	v14 =	vsel vm12, v15, v14  }
0x1a1: {  	v15 =	vsel vm13, v11, v17;
	v11 =	vsel vm13, v17, v11;
	v17 =	vsel vm13, v32, v10  }
0x1a2: {  	v20 =	vld [tilespmem:s15+$0x7000];
	v7 =	vsel vm13, v10, v32;
	v10 =	vsel vm14, v3, v12;
	v12 =	vsel vm14, v12, v3  }
0x1a3: {  	v25 =	vld [tilespmem:s15+$0x7280];
	v18 =	vsel vm14, v6, v13;
	v13 =	vsel vm14, v13, v6;
	v6 =	vsel vm15, v5, v1  }
0x1a4: {  	v19 =	vsel vm15, v1, v5;
	v21 =	vsel vm15, v4, v2;
	v32 =	vld [tilespmem:s15+$0x7080];
	vm4 =	vgt.f32 v9, v15  }
0x1a5: {  	v33 =	vsel vm15, v2, v4;
	v24 =	vsel vm4, v9, v15;
	v9 =	vsel vm4, v15, v9;
	v15 =	vld [tilespmem:s15+$0x7100]  }
0x1a6: {  	vm5 =	vgt.f32 v8, v11;
	v1 =	vsel vm4, v16, v17;
	v2 =	vsel vm4, v17, v16;
	v17 =	vld [tilespmem:s15+$0x7180]  }
0x1a7: {  	vm6 =	vgt.f32 v10, v6;
	v16 =	vsel vm5, v8, v11;
	v11 =	vsel vm5, v11, v8;
	v8 =	vld [tilespmem:s15+$0x7200]  }
0x1a8: {  	vm7 =	vgt.f32 v12, v19;
	v5 =	vsel vm6, v18, v21;
	v4 =	vsel vm6, v21, v18;
	v18 =	vld [tilespmem:s15+$0x7300]  }
0x1a9: {  	v21 =	vsel vm7, v12, v19;
	v12 =	vsel vm7, v19, v12;
	v19 =	vld [tilespmem:s15+$0x7380]  }
0x1aa: {  	v63 =	vsel vm5, v14, v7;
	v3 =	vsel vm5, v7, v14;
	v14 =	vsel vm6, v10, v6  }
0x1ab: {  	v10 =	vsel vm6, v6, v10;
	v6 =	vsel vm7, v13, v33;
	vm8 =	vgt.f32 v20, v32  }
0x1ac: {  	v7 =	vsel vm7, v33, v13;
	v13 =	vsel vm8, v20, v32;
	v20 =	vsel vm8, v32, v20  }
0x1ad: {  	v22 =	vsel vm8, $0x38, v45;
	v23 =	vsel vm8, $0x39, v46;
	vm9 =	vgt.f32 v15, v17  }
0x1ae: {  	vm10 =	vgt.f32 v8, v25;
	vm11 =	vgt.f32 v18, v19;
	v26 =	vsel vm9, v15, v17  }
0x1af: {  	v15 =	vsel vm9, v17, v15;
	v17 =	vsel vm9, $0x3A, v47;
	v27 =	vsel vm9, $0x3B, v48  }
0x1b0: {  	v28 =	vsel vm10, v8, v25;
	v8 =	vsel vm10, v25, v8;
	v25 =	vsel vm10, $0x3C, v49  }
0x1b1: {  	v29 =	vsel vm10, $0x3D, v50;
	v30 =	vsel vm11, v18, v19;
	v18 =	vsel vm11, v19, v18  }
0x1b2: {  	v19 =	vsel vm11, $0x3E, v51;
	v31 =	vsel vm11, $0x3F, v52;
	vm12 =	vgt.f32 v13, v26  }
0x1b3: {  	vm13 =	vgt.f32 v20, v15;
	vm14 =	vgt.f32 v28, v30;
	vm15 =	vgt.f32 v8, v18  }
0x1b4: {  	v32 =	vsel vm12, v13, v26;
	v13 =	vsel vm12, v26, v13;
	v26 =	vsel vm12, v22, v17  }
0x1b5: {  	v17 =	vsel vm12, v17, v22;
	v22 =	vsel vm13, v20, v15;
	v15 =	vsel vm13, v15, v20  }
0x1b6: {  	v33 =	vsel vm13, v23, v27;
	v23 =	vsel vm13, v27, v23;
	v27 =	vsel vm14, v28, v30  }
0x1b7: {  	v28 =	vsel vm14, v30, v28;
	v30 =	vsel vm14, v25, v19;
	v19 =	vsel vm14, v19, v25  }
0x1b8: {  	v25 =	vsel vm15, v8, v18;
	v18 =	vsel vm15, v18, v8;
	v8 =	vsel vm15, v29, v31  }
0x1b9: {  	v29 =	vsel vm15, v31, v29;
	vm4 =	vgt.f32 v22, v13;
	vm5 =	vgt.f32 v25, v28  }
0x1ba: {  	vm6 =	vgt.f32 v32, v27;
	vm7 =	vgt.f32 v15, v18;
	v31 =	vsel vm4, v22, v13  }
0x1bb: {  	v13 =	vsel vm4, v13, v22;
	v22 =	vsel vm4, v33, v17;
	v17 =	vsel vm4, v17, v33  }
0x1bc: {  	v20 =	vsel vm5, v25, v28;
	v25 =	vsel vm5, v28, v25;
	v28 =	vsel vm5, v8, v19  }
0x1bd: {  	v19 =	vsel vm5, v19, v8;
	v33 =	vsel vm6, v32, v27;
	v27 =	vsel vm6, v27, v32  }
0x1be: {  	v8 =	vsel vm6, v26, v30;
	v26 =	vsel vm6, v30, v26;
	v30 =	vsel vm7, v15, v18  }
0x1bf: {  	v15 =	vsel vm7, v18, v15;
	v18 =	vsel vm7, v23, v29;
	vm8 =	vgt.f32 v31, v20  }
0x1c0: {  	v23 =	vsel vm7, v29, v23;
	vm9 =	vgt.f32 v13, v25;
	v29 =	vsel vm8, v31, v20  }
0x1c1: {  	v20 =	vsel vm8, v20, v31;
	v31 =	vsel vm8, v22, v28;
	v22 =	vsel vm8, v28, v22  }
0x1c2: {  	v28 =	vsel vm9, v13, v25;
	v13 =	vsel vm9, v25, v13;
	v25 =	vsel vm9, v17, v19  }
0x1c3: {  	v17 =	vsel vm9, v19, v17;
	vm1 =	vgt.f32 v29, v27;
	vm0 =	vgt.f32 v30, v13  }
0x1c4: {  	v19 =	vsel vm1, v27, v29;
	v32 =	vsel vm0, v30, v13;
	v27 =	vsel vm1, v29, v27  }
0x1c5: {  	v13 =	vsel vm0, v13, v30;
	vm4 =	vgt.f32 v28, v19;
	vm8 =	vgt.f32 v32, v20  }
0x1c6: {  	vm3 =	vgt.f32 v9, v13;
	v29 =	vsel vm4, v19, v28;
	v30 =	vsel vm8, v32, v20  }
0x1c7: {  	v20 =	vsel vm8, v20, v32;
	v9 =	vsel vm3, v9, v13;
	vm9 =	vgt.f32 v30, v29  }
0x1c8: {  	vm10 =	vgt.f32 v16, v20;
	v32 =	vsel vm9, v30, v29;
	v29 =	vsel vm9, v29, v30  }
0x1c9: {  	v13 =	vsel vm10, v16, v20;
	v16 =	vimm.s32 $0x0;
	vm11 =	vgt.f32 v11, v29  }
0x1ca: {  	vm15 =	vgt.f32 v24, v15;
	vm14 =	vgt.f32 v12, v33;
	v16 =	vsel vm11, $0xFFFFFFFF, v16  }
0x1cb: {  	v15 =	vsel vm15, v24, v15;
	vm5 =	vgt.f32 v14, v32;
	[tilespmem:$0x1FFB0] =	vst v16;
	v16 =	vimm.s32 $0x0  }
0x1cc: {  	v12 =	vsel vm14, v12, v33;
	v19 =	vsel vm4, v28, v19;
	v16 =	vsel vm5, $0xFFFFFFFF, v16  }
0x1cd: {  	v1 =	vsel vm15, v1, v23;
	vm12 =	vgt.f32 v10, v19;
	[tilespmem:$0x1FFC0] =	vst v16;
	v16 =	vimm.s32 $0x0  }
0x1ce: {  	vm13 =	vgt.f32 v21, v27;
	v30 =	vimm.s32 $0x0;
	v16 =	vsel vm12, $0xFFFFFFFF, v16  }
0x1cf: {  	v28 =	vsel vm1, v31, v26;
	v30 =	vsel vm3, $0xFFFFFFFF, v30;
	[tilespmem:$0x1FFD0] =	vst v16;
	v16 =	vimm.s32 $0x0  }
0x1d0: {  	v26 =	vsel vm1, v26, v31;
	v10 =	vsel vm12, v10, v19;
	[tilespmem:$0x1FF90] =	vst v30;
	v16 =	vsel vm13, $0xFFFFFFFF, v16  }
0x1d1: {  	v30 =	vimm.s32 $0x0;
	v11 =	vsel vm11, v11, v29;
	[tilespmem:$0x1FFE0] =	vst v16;
	v16 =	vimm.s32 $0x0  }
0x1d2: {  	v14 =	vsel vm5, v14, v32;
	v30 =	vsel vm10, $0xFFFFFFFF, v30;
	v16 =	vsel vm14, $0xFFFFFFFF, v16  }
0x1d3: {  	vm11 =	vgt.f32 v15, v14;
	vm10 =	vgt.f32 v9, v10;
	[tilespmem:$0x1FFF0] =	vst v16;
	v16 =	vsel vm13, v21, v27  }
0x1d4: {  	v19 =	vsel vm11, v15, v14;
	vm12 =	vgt.f32 v11, v12;
	vm6 =	vgt.f32 v13, v16  }
0x1d5: {  	v33 =	vsel vm10, v9, v10;
	v24 =	vsel vm12, v11, v12;
	v21 =	vsel vm6, v13, v16  }
0x1d6: {  	v14 =	vsel vm11, v14, v15;
	vm13 =	vgt.f32 v33, v24;
	vm7 =	vgt.f32 v19, v21  }
0x1d7: {  	[tilespmem:$0x1FFA0] =	vst v30;
	v9 =	vsel vm10, v10, v9;
	v30 =	vsel vm13, v33, v24;
	v29 =	vsel vm7, v19, v21  }
0x1d8: {  	v11 =	vsel vm12, v12, v11;
	v27 =	vsel vm0, v18, v17;
	vm14 =	vgt.f32 v29, v30  }
0x1d9: {  	v17 =	vsel vm0, v17, v18;
	v10 =	vsel vm6, v16, v13;
	v13 =	vsel vm14, v29, v30  }
0x1da: {  	v23 =	vld [tilespmem:$0x1FF90];
	vm0 =	vgt.f32 v9, v11;
	v18 =	vsel vm13, v24, v33;
	v15 =	vsub.f32 v13, v13  }
0x1db: {  	vm1 =	vgt.f32 v14, v10;
	v16 =	vsel vm7, v21, v19;
	v12 =	vsel vm14, v30, v29  }
0x1dc: {  	vm5 =	vgt.f32 v16, v18;
	v19 =	vsub.f32 v12, v13;
	v15 =	vmul.f32 $1.442695020e+00, v15  }
0x1dd: {  	v24 =	vsel vm0, v9, v11;
	v20 =	vsel vm1, v14, v10;
	v21 =	vsel vm5, v16, v18  }
0x1de: {  	v19 =	vmul.f32 $1.442695020e+00, v19;
	(erf) = vpow2.f32 v15;
	v15 =	vsub.f32 v21, v13  }
0x1df: {  	vm15 =	vnez.u8 v23;
	vm2 =	vgt.f32 v20, v24;
	v31 =	vsel vm5, v18, v16  }
0x1e0: {  	v23 =	vld [tilespmem:$0x1FFA0];
	(erf) = vpow2.f32 v19;
	v19 =	vsub.f32 v31, v13;
	v15 =	vmul.f32 $1.442695020e+00, v15  }
0x1e1: {  	v10 =	vsel vm1, v10, v14;
	v14 =	vsel vm2, v20, v24  }
0x1e2: {  	(erf) = vpow2.f32 v15;
	v15 =	vmul.f32 $1.442695020e+00, v19;
	v19 =	vsub.f32 v14, v13  }
0x1e3: {  	v33 =	vsel vm4, v25, v26  }
0x1e4: {  	(erf) = vpow2.f32 v15;
	v15 =	vmul.f32 $1.442695020e+00, v19;
	v19 =	vsel vm4, v26, v25  }
0x1e5: {  	v26 =	vsel vm8, v27, v22;
	v22 =	vsel vm8, v22, v27;
	vm8 =	vnez.u8 v23  }
0x1e6: {  	v32 =	vsel vm2, v24, v20;
	v22 =	vsel vm8, v63, v22;
	v63 =	vld [tilespmem:$0x1FFB0]  }
0x1e7: {  	v9 =	vsel vm0, v11, v9;
	v11 =	vsub.f32 v32, v13  }
0x1e8: {  	vm3 =	vgt.f32 v10, v9  }
0x1e9: {  	v11 =	vmul.f32 $1.442695020e+00, v11;
	v25 =	vsel vm3, v10, v9;
	v27 =	vsel vm3, v9, v10  }
0x1ea: {  	(erf) = vpow2.f32 v15;
	v15 =	vsub.f32 v25, v13;
	v13 =	vsub.f32 v27, v13  }
0x1eb: {  	v27 =	vsel vm9, v26, v19;
	v19 =	vsel vm9, v19, v26;
	vm9 =	vnez.u8 v63  }
0x1ec: {  	v3 =	vsel vm9, v3, v19;
	v19 =	vld [tilespmem:$0x1FFC0];
	_ =	sdelay $0x1  }
0x1ed: {  	(erf) = vpow2.f32 v11;
	v11 =	vpop (erf);
	v15 =	vmul.f32 $1.442695020e+00, v15  }
0x1ee: {  	v2 =	vsel vm15, v2, v17;
	v17 =	vpop (erf)  }
0x1ef: {  	v13 =	vmul.f32 $1.442695020e+00, v13;
	(erf) = vpow2.f32 v15;
	v15 =	vadd.f32 v17, v11  }
0x1f0: {  	vm15 =	vnez.u8 v19;
	v19 =	vpop (erf)  }
0x1f1: {  	(erf) = vpow2.f32 v13;
	v13 =	vadd.f32 v15, v19;
	v15 =	vld [tilespmem:$0x1FFE0]  }
0x1f2: {  	v63 =	vld [tilespmem:$0x1FFD0];
	_ =	sdelay $0x3  }
0x1f3: {  	vm9 =	vnez.u8 v15;
	v15 =	vld [tilespmem:$0x1FFF0]  }
0x1f4: {  	vm8 =	vnez.u8 v63  }
0x1f5: {  	v4 =	vsel vm8, v4, v33  }
0x1f6: {  	v5 =	vsel vm15, v5, v27;
	v27 =	vimm.s32 $0xB;
	v6 =	vsel vm9, v6, v28  }
0x1f7: {  	v28 =	vimm.s32 $0xA;
	vm9 =	veq.f32 v31, v14;
	v31 =	vimm.s32 $0xF  }
0x1f8: {  	vm15 =	vnez.u8 v15;
	v15 =	vsel vm11, v1, v5;
	v1 =	vsel vm11, v5, v1  }
0x1f9: {  	v5 =	vsel vm10, v2, v4;
	v2 =	vsel vm10, v4, v2;
	v7 =	vsel vm15, v7, v8;
	v8 =	vpop (erf)  }
0x1fa: {  	v4 =	vsel vm6, v22, v6;
	v6 =	vsel vm6, v6, v22;
	v13 =	vadd.f32 v13, v8  }
0x1fb: {  	vm6 =	veq.f32 v12, v21;
	v22 =	vpop (erf);
	v63 =	vsel vm12, v3, v7;
	v3 =	vsel vm12, v7, v3  }
0x1fc: {  	v26 =	vsel vm13, v5, v63;
	v5 =	vsel vm13, v63, v5;
	v33 =	vadd.f32 v13, v22  }
0x1fd: {  	v63 =	vsel vm1, v1, v6;
	v13 =	vsel vm7, v15, v4;
	v4 =	vsel vm7, v4, v15;
	v15 =	vpop (erf)  }
0x1fe: {  	v1 =	vsel vm1, v6, v1;
	v12 =	vsel vm0, v2, v3;
	v7 =	vadd.f32 v33, v15  }
0x1ff: {  	v2 =	vsel vm0, v3, v2;
	vm7 =	veq.f32 v29, v30;
	v6 =	vpop (erf);
	vm8 =	vgt.s32 v13, v26  }
0x200: {  	v33 =	vsel vm5, v4, v5;
	v4 =	vsel vm5, v5, v4;
	v3 =	vadd.f32 v7, v6  }
0x201: {  	vm5 =	veq.f32 v16, v18;
	v5 =	vpop (erf);
	v16 =	vsel vm14, v26, v13;
	v18 =	vsel vm8, v13, v26  }
0x202: {  	vm11 =	veq.f32 v20, v24;
	v16 =	vsel vm7, v18, v16;
	v3 =	vadd.f32 v3, v5  }
0x203: {  	v14 =	vsel vm2, v63, v12;
	v12 =	vsel vm2, v12, v63;
	vm10 =	vgt.s32 v16, v33  }
0x204: {  	v18 =	vsel vm10, v33, v16;
	v63 =	vsel vm10, v16, v33;
	(erf) = vrcp.f32 v3  }
0x205: {  	v16 =	vsel vm6, v18, v16;
	v18 =	vsel vm3, v1, v2;
	v1 =	vsel vm3, v2, v1  }
0x206: {  	v2 =	vsel vm6, v63, v33;
	v3 =	vsel vm14, v13, v26;
	v13 =	vsel vm8, v26, v13  }
0x207: {  	vm15 =	veq.f32 v10, v9;
	v7 =	vmin.u32 v2, v4;
	v13 =	vsel vm7, v13, v3  }
0x208: {  	v7 =	vsel vm5, v7, v2;
	v2 =	vmax.u32 v2, v4;
	vm12 =	vgt.s32 v13, v16  }
0x209: {  	vm13 =	veq.f32 v32, v25;
	v2 =	vsel vm5, v2, v4;
	v33 =	vsel vm12, v13, v16  }
0x20a: {  	v9 =	vmax.u32 v2, v14;
	v63 =	vsel vm12, v16, v13;
	v20 =	vsel vm7, v33, v16  }
0x20b: {  	v9 =	vsel vm9, v9, v14;
	v14 =	vmin.u32 v2, v14;
	vm14 =	vgt.s32 v20, v7  }
0x20c: {  	v3 =	vsel vm7, v63, v3;
	v21 =	vsel vm14, v7, v20;
	v10 =	vsel vm14, v20, v7  }
0x20d: {  	v2 =	vsel vm9, v14, v2;
	v4 =	vsel vm6, v21, v20;
	v7 =	vsel vm6, v10, v7;
	v13 =	vpop (erf)  }
0x20e: {  	[tilespmem:s15+$0x9000] =	vst v3;
	v10 =	vmax.u32 v9, v12;
	v3 =	vmin.u32 v7, v2;
	v11 =	vmul.f32 v13, v11  }
0x20f: {  	v10 =	vsel vm11, v10, v12;
	v3 =	vsel vm5, v3, v7;
	v7 =	vmax.u32 v7, v2  }
0x210: {  	v2 =	vsel vm5, v7, v2;
	[tilespmem:s15+$0x8000] =	vst v11;
	v11 =	vmin.u32 v9, v12;
	v12 =	vmul.f32 v13, v17  }
0x211: {  	[tilespmem:s15+$0x9080] =	vst v4;
	v8 =	vmul.f32 v13, v8;
	v9 =	vsel vm11, v11, v9;
	v11 =	vmin.u32 v10, v18  }
0x212: {  	[tilespmem:s15+$0x8080] =	vst v12;
	v12 =	vmul.f32 v13, v19;
	v23 =	vsel vm13, v11, v10;
	v10 =	vmax.u32 v10, v18  }
0x213: {  	[tilespmem:s15+$0x9100] =	vst v3;
	v33 =	vmin.u32 v2, v9;
	v11 =	vmax.u32 v2, v9;
	v10 =	vsel vm13, v10, v18  }
0x214: {  	v2 =	vsel vm9, v33, v2;
	v63 =	vsel vm9, v11, v9;
	v9 =	vmul.f32 v13, v22;
	[tilespmem:s15+$0x8100] =	vst v12  }
0x215: {  	v22 =	vmul.f32 v13, v6;
	v3 =	vmin.u32 v10, v1;
	[tilespmem:s17+$0x8000] =	vst v8;
	v8 =	vmax.u32 v63, v23  }
0x216: {  	v7 =	vmin.u32 v63, v23;
	[tilespmem:s17+$0x9000] =	vst v2;
	v2 =	vsel vm15, v3, v10;
	v3 =	vsel vm11, v8, v23  }
0x217: {  	v21 =	vmax.u32 v10, v1;
	v4 =	vsel vm11, v7, v63;
	[tilespmem:s15+$0x8200] =	vst v9;
	v20 =	vmin.u32 v3, v2  }
0x218: {  	v8 =	vmul.f32 v13, v15;
	[tilespmem:s15+$0x9200] =	vst v4;
	v7 =	vsel vm13, v20, v3;
	v3 =	vmax.u32 v3, v2  }
0x219: {  	p0 =	sne.s32 s14, $0x1F0;
	v32 =	vimm.s32 $0xE;
	[tilespmem:s15+$0x8300] =	vst v22;
	v2 =	vsel vm13, v3, v2;
	v3 =	vsel vm15, v21, v1  }
.Ltmp0:
0x21a: {  	v25 =	vimm.s32 $0x9;
	v30 =	vimm.s32 $0xC;
	[tilespmem:s15+$0x8280] =	vst v8;
	v23 =	vmin.u32 v2, v3;
	(pc) =	sbr.rel @p0 .LBB2_2-.Ltmp0, $4  }
0x21b: {  	v29 =	vimm.s32 $0xD;
	v33 =	vmul.f32 v13, v5;
	[tilespmem:s15+$0x9280] =	vst v7;
	v63 =	vsel vm15, v23, v2  }
0x21c: {  	v26 =	vimm.s32 $0x8;
	v16 =	vimm.s32 $0x6;
	v2 =	vmax.u32 v2, v3;
	[tilespmem:s15+$0x9300] =	vst v63  }
0x21d: {  	v14 =	vimm.s32 $0x4;
	v11 =	vimm.s32 $0x3;
	v1 =	vsel vm15, v2, v1;
	[tilespmem:s16+$0x8000] =	vst v33  }
0x21e: {  	s13 =	sadd.s32 $0x80, s13;
	s14 =	sadd.s32 $0x10, s14;
	v12 =	vimm.s32 $0x2;
	v15 =	vimm.s32 $0x7;
	v13 =	vimm.s32 $0x5;
	[tilespmem:s16+$0x9000] =	vst v1  }
0x21f: {  	[hbm4b:s4+s2] =	stream.linear.scatter [tilespmem:s10], [sflag:$0x1], $0x1000, $0x38;
	[tilespmem:$0xA000] =	vst v63  }
0x220: {  	s12 =	sadd.s32 $0x1, s12;
	_ =	swait.ge [sflag:s9], $0x1000  }
0x221: {  	p0 =	sne.s32 s12, s6;
	[sflag:s9] =	ssyncset.done $0x0  }
.Ltmp1:
0x222: {  	[sflag:s9] =	ssyncadd.s32 $0xFFFFF000;
	(pc) =	sbr.rel @p0 .LBB2_1-.Ltmp1, $4  }
0x223: {  	[hbm4b:s5+s2] =	stream.linear.scatter [tilespmem:s11], [sflag:$0x1], $0x1000, $0x38;
	[tilespmem:$0xA000] =	vst v63  }
0x224: {  	_ =	swait.ge [sflag:s9], $0x1000  }
0x225: {  	[sflag:s9] =	ssyncset.done $0x0  }
0x226: {  	[sflag:s9] =	ssyncadd.s32 $0xFFFFF000  }
0x227: {  	_ =	sfence.sel $0x180000  }
0x228: {  	[bflag:$0x0] =	sbarrier.arrive $0xFFFF  }
0x229: {  	p0 =	sne.s32 s0, $0x0;
	_ =	strace $0x90000047  }
0x22a: {  	s0 =	sadd.s32 @!p0 $0x100000, s1;
	[bflag:$0x2] =	sbarrier.arrive $0xFFFF  }
0x22b: {  	[sflag:s0] =	ssyncadd.tile.s32 @!p0 $0x1;
	_ =	shalt  }
.Lfunc_end2:
_tile_overlayer_lowered:
.L_overlay_start_2:
0x22c: {  	(tag) =	ssettag $0x2  }
0x22d: {  	s0 =	rddreg [dreg:$0x0];
	s2 =	stileid.u32  }
0x22e: {  	s1 =	rddreg [dreg:$0x1];
	p0 =	sne.s32 s2, $0x0  }
0x22f: {  	s3 =	rddreg [dreg:$0x2];
	[bflag:$0x3] =	sbarrier.arrive $0xFFFF;
	s2 =	simm.s32 @!p0 $0x1C01  }
0x230: {  	[timem:s3], [sflag:s2] =	dma.local @!p0 [hbm:s0], s1  }
0x231: {  	s0 =	simm.s32 @!p0 $0x1  }
0x232: {  	_ =	swait.ge @!p0 [sflag:s0], s1  }
0x233: {  	s1 =	ssub.s32 @!p0 $0x0, s1;
	[sflag:s0] =	ssyncset.done @!p0 $0x0  }
0x234: {  	[sflag:s0] =	ssyncadd.s32 @!p0 s1  }
0x235: {  	[bflag:$0x3] =	sbarrier.arrive $0xFFFF  }
0x236: {  	_ =	shalt  }

</sc_bundles>
